<compile_context>
chip_gen: v7x
topology: tpu7x:2x2x1
jax: 0.10.2.dev20260603
libtpu: 0.0.44.dev20260713+nightly
codegen_flags: <defaults>
</compile_context>

<pallas_src>
import functools

import jax
import jax.numpy as jnp
from jax import lax
from jax.experimental import pallas as pl
from jax.experimental.pallas import tpu as pltpu
from jax.experimental.pallas import tpu_sc as plsc

N = 10000
E = 320000
F = 128
H = 256

NC = 2
NS = 16
CHUNK = 128
NCHUNKS = E // CHUNK
PCHUNKS = 2560
JB = 40

ACC_ROWS = N
ROWS_PER_TILE = 624

_MESH = plsc.VectorSubcoreMesh(core_axis_name="c", subcore_axis_name="s")


def _gather_scatter_loop(table_hbm, accum, e_hbm, base, total,
                         src_all, dst_all, rows0, rows1, sem0, sem1):
    base = jnp.int32(base)
    total = jnp.int32(total)
    nblocks = (total + (JB - 1)) // JB

    def gather(row, buf, sem):
        pltpu.async_copy(table_hbm.at[src_all.at[row]], buf, sem)

    def wait_g(row, buf, sem):
        pltpu.make_async_copy(table_hbm.at[src_all.at[row]], buf, sem).wait()

    def scatter(row, buf):
        pltpu.sync_copy(buf, accum.at[dst_all.at[row]], add=True)

    def outer_body(ob, carry):
        bstart = pl.multiple_of(base + ob * JB, 8)
        npair = jnp.minimum(JB, total - ob * JB) // 2
        pltpu.sync_copy(e_hbm.at[0, pl.ds(bstart, JB)], src_all)
        pltpu.sync_copy(e_hbm.at[1, pl.ds(bstart, JB)], dst_all)
        gather(0, rows0, sem0)

        def step(j, c2):
            r0 = j * 2
            gather(r0 + 1, rows1, sem1)
            wait_g(r0, rows0, sem0)
            scatter(r0, rows0)

            @pl.when(j + 1 < npair)
            def _():
                gather(r0 + 2, rows0, sem0)

            wait_g(r0 + 1, rows1, sem1)
            scatter(r0 + 1, rows1)
            return c2

        lax.fori_loop(0, npair, step, 0)
        return carry

    lax.fori_loop(0, nblocks, outer_body, 0)


def _copy_out_stripe(accum, out_slice_fn, s):
    @pl.when(s < NS - 1)
    def _():
        r0 = pl.multiple_of(s * ROWS_PER_TILE, 8)
        pltpu.sync_copy(accum.at[pl.ds(r0, ROWS_PER_TILE)],
                        out_slice_fn(r0, ROWS_PER_TILE))

    @pl.when(s == NS - 1)
    def _():
        r0 = (NS - 1) * ROWS_PER_TILE
        pltpu.sync_copy(accum.at[pl.ds(r0, N - r0)], out_slice_fn(r0, N - r0))


_SC_SCRATCH = [
    pltpu.VMEM_SHARED((ACC_ROWS, F), jnp.float32),
    pltpu.VMEM((JB, CHUNK), jnp.int32),
    pltpu.VMEM((JB, CHUNK), jnp.int32),
    pltpu.VMEM((CHUNK, F), jnp.float32),
    pltpu.VMEM((CHUNK, F), jnp.float32),
    pltpu.SemaphoreType.DMA,
    pltpu.SemaphoreType.DMA,
]


@functools.partial(
    pl.kernel,
    out_type=[jax.ShapeDtypeStruct((N, F), jnp.float32)] * 2,
    mesh=_MESH,
    scratch_types=_SC_SCRATCH,
)
def _sc_agg1(x_hbm, e_hbm, zeros_hbm, outa_hbm, outb_hbm,
             accum, src_all, dst_all, rows0, rows1, sem0, sem1):
    c = lax.axis_index("c")
    s = lax.axis_index("s")

    @pl.when(s == 0)
    def _():
        pltpu.sync_copy(zeros_hbm, accum)

    plsc.subcore_barrier()

    base = c * (PCHUNKS // 2) + s * 80
    total = jnp.where((c == 1) & (s == NS - 1), 20, 80)
    _gather_scatter_loop(x_hbm, accum, e_hbm, base, total,
                         src_all, dst_all, rows0, rows1, sem0, sem1)

    plsc.subcore_barrier()

    @pl.when(c == 0)
    def _():
        _copy_out_stripe(accum, lambda r0, n: outa_hbm.at[pl.ds(r0, n)], s)

    @pl.when(c == 1)
    def _():
        _copy_out_stripe(accum, lambda r0, n: outb_hbm.at[pl.ds(r0, n)], s)


@functools.partial(
    pl.kernel,
    out_type=[jax.ShapeDtypeStruct((N, F), jnp.float32)] * 2,
    mesh=_MESH,
    scratch_types=_SC_SCRATCH,
)
def _sc_agg2(ha_hbm, hb_hbm, e_hbm, zeros_hbm, outa_hbm, outb_hbm,
             accum, src_all, dst_all, rows0, rows1, sem0, sem1):
    c = lax.axis_index("c")
    s = lax.axis_index("s")

    @pl.when(s == 0)
    def _():
        pltpu.sync_copy(zeros_hbm, accum)

    plsc.subcore_barrier()

    base = s * (PCHUNKS // NS)
    total = jnp.where(s == NS - 1, 100, 160)

    @pl.when(c == 0)
    def _():
        _gather_scatter_loop(ha_hbm, accum, e_hbm, base, total,
                             src_all, dst_all, rows0, rows1, sem0, sem1)

    @pl.when(c == 1)
    def _():
        _gather_scatter_loop(hb_hbm, accum, e_hbm, base, total,
                             src_all, dst_all, rows0, rows1, sem0, sem1)

    plsc.subcore_barrier()

    @pl.when(c == 0)
    def _():
        _copy_out_stripe(accum, lambda r0, n: outa_hbm.at[pl.ds(r0, n)], s)

    @pl.when(c == 1)
    def _():
        _copy_out_stripe(accum, lambda r0, n: outb_hbm.at[pl.ds(r0, n)], s)


RB = 1000
GRID = N // RB

_row_spec = pl.BlockSpec((RB, F), lambda i: (i, 0))
_wide_spec = pl.BlockSpec((RB, H), lambda i: (i, 0))
_w_spec = pl.BlockSpec((F, H), lambda i: (0, 0))
_b_spec = pl.BlockSpec((1, H), lambda i: (0, 0))


def _tc_root1_body(x, w_root, b, o):
    o[...] = (jnp.dot(x[...], w_root[...], preferred_element_type=jnp.float32)
              + b[...])


def _tc_root1(x, w_root, b):
    return pl.pallas_call(
        _tc_root1_body,
        grid=(GRID,),
        in_specs=[_row_spec, _w_spec, _b_spec],
        out_specs=_wide_spec,
        out_shape=jax.ShapeDtypeStruct((N, H), jnp.float32),
    )(x, w_root, b)


def _tc_fin1_body(a0, a1, xr, w_rel, oa, ob):
    agg = a0[...] + a1[...]
    h = jnp.dot(agg, w_rel[...], preferred_element_type=jnp.float32) + xr[...]
    h = jnp.maximum(h, 0.0)
    oa[...] = h[:, :F]
    ob[...] = h[:, F:]


def _tc_fin1(a0, a1, xr, w_rel):
    return pl.pallas_call(
        _tc_fin1_body,
        grid=(GRID,),
        in_specs=[_row_spec, _row_spec, _wide_spec, _w_spec],
        out_specs=[_row_spec, _row_spec],
        out_shape=[jax.ShapeDtypeStruct((N, F), jnp.float32)] * 2,
    )(a0, a1, xr, w_rel)


def _tc_root2_body(ha, hb, wq0, wq1, b, o):
    o[...] = (jnp.dot(ha[...], wq0[...], preferred_element_type=jnp.float32)
              + jnp.dot(hb[...], wq1[...], preferred_element_type=jnp.float32)
              + b[...])


def _tc_root2(ha, hb, wq0, wq1, b):
    return pl.pallas_call(
        _tc_root2_body,
        grid=(GRID,),
        in_specs=[_row_spec, _row_spec, _w_spec, _w_spec, _b_spec],
        out_specs=_wide_spec,
        out_shape=jax.ShapeDtypeStruct((N, H), jnp.float32),
    )(ha, hb, wq0, wq1, b)


def _tc_fin2_body(aa, ab, hr, wr0, wr1, o):
    o[...] = (jnp.dot(aa[...], wr0[...], preferred_element_type=jnp.float32)
              + jnp.dot(ab[...], wr1[...], preferred_element_type=jnp.float32)
              + hr[...])


def _tc_fin2(aa, ab, hr, wr0, wr1):
    return pl.pallas_call(
        _tc_fin2_body,
        grid=(GRID,),
        in_specs=[_row_spec, _row_spec, _wide_spec, _w_spec, _w_spec],
        out_specs=_wide_spec,
        out_shape=jax.ShapeDtypeStruct((N, H), jnp.float32),
    )(aa, ab, hr, wr0, wr1)


def kernel(x, edge_index, W1_rel, b1_rel, W1_root, W2_rel, b2_rel, W2_root):
    ep = jnp.pad(edge_index.astype(jnp.int32),
                 ((0, 0), (0, (PCHUNKS - NCHUNKS) * CHUNK)))
    e4 = ep.reshape(2, PCHUNKS, CHUNK)
    zeros = jnp.zeros((ACC_ROWS, F), jnp.float32)
    b1 = b1_rel.reshape(1, H)
    b2 = b2_rel.reshape(1, H)

    p0, p1 = _sc_agg1(x, e4, zeros)
    xr = _tc_root1(x, W1_root, b1)
    h1a, h1b = _tc_fin1(p0, p1, xr, W1_rel)

    a0, a1 = _sc_agg2(h1a, h1b, e4, zeros)
    hr = _tc_root2(h1a, h1b, W2_root[:F], W2_root[F:], b2)

    out = _tc_fin2(a0, a1, hr, W2_rel[:F], W2_rel[F:])
    return out

# --- scband reference (transcript-rebuilt; emitter-appended) ---
"""Pipeline reference for scband-gcnencoder-10256381903092 (READ-ONLY COPY).

The authoritative reference and input builder live on the scoring server;
editing this copy changes nothing except your own understanding.
"""

import jax, jax.numpy as jnp
import numpy as np

N = 10000
E = 320000
F = 128
H = 256


def setup_inputs(seed: int = 0) -> dict:
    key = jax.random.key(seed)
    ks = jax.random.split(key, 9)
    x = jax.random.normal(ks[0], (N, F), dtype=jnp.float32)
    edge_index = jax.random.randint(ks[1], (2, E), 0, N)
    # GraphConv params (PyG GraphConv): lin_rel (with bias) applied to aggregated
    # neighbor features, lin_root (no bias) applied to root features.
    # Stored as [in, out] so forward uses h @ W.
    W1_rel = jax.random.normal(ks[2], (F, H), dtype=jnp.float32) / np.sqrt(F)
    b1_rel = jnp.zeros((H,), dtype=jnp.float32)
    W1_root = jax.random.normal(ks[3], (F, H), dtype=jnp.float32) / np.sqrt(F)
    W2_rel = jax.random.normal(ks[4], (H, H), dtype=jnp.float32) / np.sqrt(H)
    b2_rel = jnp.zeros((H,), dtype=jnp.float32)
    W2_root = jax.random.normal(ks[5], (H, H), dtype=jnp.float32) / np.sqrt(H)
    return {
        "x": x,
        "edge_index": edge_index,
        "W1_rel": W1_rel,
        "b1_rel": b1_rel,
        "W1_root": W1_root,
        "W2_rel": W2_rel,
        "b2_rel": b2_rel,
        "W2_root": W2_root,
    }


def _graph_conv(h, edge_index, W_rel, b_rel, W_root, num_nodes):
    # PyG GraphConv with aggr='add':
    #   out_i = lin_rel( sum_{j in N(i)} h_j ) + lin_root(h_i)
    src = edge_index[0]
    dst = edge_index[1]
    msgs = jnp.take(h, src, axis=0)
    aggr = jax.ops.segment_sum(msgs, dst, num_segments=num_nodes)
    return aggr @ W_rel + b_rel + h @ W_root


def reference(x, edge_index, W1_rel, b1_rel, W1_root, W2_rel, b2_rel, W2_root):
    h = _graph_conv(x, edge_index, W1_rel, b1_rel, W1_root, N)
    # torch.dropout(p=0.6, train=self.training): eval mode -> identity
    h = jax.nn.relu(h)
    out = _graph_conv(h, edge_index, W2_rel, b2_rel, W2_root, N)
    return out

if __name__ == "__main__":
    import jax
    _d = setup_inputs()
    print(jax.jit(kernel)(*tuple(_d.values())))

</pallas_src>

<mosaic_0001>
#map = affine_map<(d0, d1) -> (0, 0)>
#map1 = affine_map<(d0, d1) -> (0, 0, 0)>
module attributes {stable_mosaic.version = 14 : i64} {
  func.func @_sc_agg1(%arg0: i32, %arg1: i32, %arg2: memref<10000x128xf32, #tpu.memory_space<hbm>>, %arg3: memref<2x2560x128xi32, #tpu.memory_space<hbm>>, %arg4: memref<10000x128xf32, #tpu.memory_space<hbm>>, %arg5: memref<10000x128xf32, #tpu.memory_space<hbm>>, %arg6: memref<10000x128xf32, #tpu.memory_space<hbm>>, %arg7: memref<10000x128xf32, #tpu.memory_space<vmem_shared>>, %arg8: memref<40x128xi32, #tpu.memory_space<vmem>>, %arg9: memref<40x128xi32, #tpu.memory_space<vmem>>, %arg10: memref<128x128xf32, #tpu.memory_space<vmem>>, %arg11: memref<128x128xf32, #tpu.memory_space<vmem>>, %arg12: memref<!tpu.dma_semaphore, #tpu.memory_space<semaphore_mem>>, %arg13: memref<!tpu.dma_semaphore, #tpu.memory_space<semaphore_mem>>) attributes {dimension_semantics = [#tpu.dimension_semantics<core_parallel>, #tpu.dimension_semantics<subcore_parallel>], iteration_bounds = array<i64: 2, 16>, scalar_prefetch = 0 : i64, scratch_operands = 7 : i64, tpu.core_type = #tpu.core_type<sc_vector_subcore>, window_params = [{transform_indices = #map}, {transform_indices = #map1}, {transform_indices = #map}, {transform_indices = #map}, {transform_indices = #map}]} {
    %eq3A = arith.constant 0 : i32
    %eq3A_0 = arith.cmpi eq, %arg1, %eq3A : i32
    %convert_element_type3A = arith.extui %eq3A_0 : i1 to i32
    %cond3A = arith.constant 0 : i32
    %cond3A_1 = arith.cmpi ne, %convert_element_type3A, %cond3A : i32
    scf.if %cond3A_1 {
      "tpu.region"() ({
        %run_scoped3A = tpu.sem_alloc : memref<!tpu.dma_semaphore, #tpu.memory_space<semaphore_mem>>
        tpu.enqueue_dma source(%arg4 : memref<10000x128xf32, #tpu.memory_space<hbm>>) target(%arg7 : memref<10000x128xf32, #tpu.memory_space<vmem_shared>>) target_semaphore(%run_scoped3A : memref<!tpu.dma_semaphore, #tpu.memory_space<semaphore_mem>>)
        tpu.wait_dma2 semaphore(%run_scoped3A : memref<!tpu.dma_semaphore, #tpu.memory_space<semaphore_mem>>) src(%arg4 : memref<10000x128xf32, #tpu.memory_space<hbm>>) dst(%arg7 : memref<10000x128xf32, #tpu.memory_space<vmem_shared>>)
        tpu.yield
      }) : () -> ()
    } else {
    }
    %barrier3A = arith.constant 0 : index
    tpu.barrier barrier_id(%barrier3A)
    %mul3A = arith.constant 1280 : i32
    %mul3A_2 = arith.muli %arg0, %mul3A : i32
    %mul3A_3 = arith.constant 80 : i32
    %mul3A_4 = arith.muli %arg1, %mul3A_3 : i32
    %add3A = arith.addi %mul3A_2, %mul3A_4 : i32
    %eq3A_5 = arith.constant 1 : i32
    %eq3A_6 = arith.cmpi eq, %arg0, %eq3A_5 : i32
    %eq3A_7 = arith.constant 15 : i32
    %eq3A_8 = arith.cmpi eq, %arg1, %eq3A_7 : i32
    %and3A = arith.andi %eq3A_6, %eq3A_8 : i1
    %jit3A = arith.constant 20 : i32
    %jit3A_9 = arith.constant 80 : i32
    %select_n3A = arith.select %and3A, %jit3A, %jit3A_9 : i32
    %add3A_10 = arith.constant 39 : i32
    %add3A_11 = arith.addi %select_n3A, %add3A_10 : i32
    %jit3A_12 = arith.constant 40 : i32
    %div3A = arith.divsi %add3A_11, %jit3A_12 : i32
    %sign3A = arith.constant 0 : i32
    %sign3A_13 = arith.cmpi sgt, %add3A_11, %sign3A : i32
    %sign3A_14 = arith.extui %sign3A_13 : i1 to i32
    %sign3A_15 = arith.constant 0 : i32
    %sign3A_16 = arith.cmpi slt, %add3A_11, %sign3A_15 : i32
    %sign3A_17 = arith.extui %sign3A_16 : i1 to i32
    %sign3A_18 = arith.subi %sign3A_14, %sign3A_17 : i32
    %sign3A_19 = arith.constant 0 : i32
    %sign3A_20 = arith.cmpi sgt, %jit3A_12, %sign3A_19 : i32
    %sign3A_21 = arith.extui %sign3A_20 : i1 to i32
    %sign3A_22 = arith.constant 0 : i32
    %sign3A_23 = arith.cmpi slt, %jit3A_12, %sign3A_22 : i32
    %sign3A_24 = arith.extui %sign3A_23 : i1 to i32
    %sign3A_25 = arith.subi %sign3A_21, %sign3A_24 : i32
    %ne3A = arith.cmpi ne, %sign3A_18, %sign3A_25 : i32
    %rem3A = arith.remsi %add3A_11, %jit3A_12 : i32
    %ne3A_26 = arith.constant 0 : i32
    %ne3A_27 = arith.cmpi ne, %rem3A, %ne3A_26 : i32
    %and3A_28 = arith.andi %ne3A, %ne3A_27 : i1
    %sub3A = arith.constant 1 : i32
    %sub3A_29 = arith.subi %div3A, %sub3A : i32
    %select_n3A_30 = arith.select %and3A_28, %sub3A_29, %div3A : i32
    %while3A = arith.constant 0 : i32
    %while3A_31 = arith.constant 0 : i32
    %while3A_32 = arith.subi %select_n3A_30, %while3A_31 : i32
    %while3A_33 = arith.addi %while3A_31, %while3A_32 : i32
    %while3A_34 = arith.constant 1 : i32
    %while3A_35 = arith.divsi %while3A_32, %while3A_34 : i32
    %while3A_36 = arith.muli %while3A_35, %while3A_34 : i32
    %while3A_37 = arith.addi %while3A_31, %while3A_36 : i32
    %while3A_38 = arith.constant 1 : i32
    scf.for %while3A_51 = %while3A_31 to %while3A_37 step %while3A_38  : i32 {
      %mul3A_52 = arith.constant 40 : i32
      %mul3A_53 = arith.muli %while3A_51, %mul3A_52 : i32
      %add3A_54 = arith.addi %add3A, %mul3A_53 : i32
      %multiple_of3A = tpu.assume_multiple %add3A_54, 8 : i32
      %mul3A_55 = arith.constant 40 : i32
      %mul3A_56 = arith.muli %while3A_51, %mul3A_55 : i32
      %sub3A_57 = arith.subi %select_n3A, %mul3A_56 : i32
      %min3A = arith.constant 40 : i32
      %min3A_58 = arith.minsi %min3A, %sub3A_57 : i32
      %jit3A_59 = arith.constant 2 : i32
      %div3A_60 = arith.divsi %min3A_58, %jit3A_59 : i32
      %sign3A_61 = arith.constant 0 : i32
      %sign3A_62 = arith.cmpi sgt, %min3A_58, %sign3A_61 : i32
      %sign3A_63 = arith.extui %sign3A_62 : i1 to i32
      %sign3A_64 = arith.constant 0 : i32
      %sign3A_65 = arith.cmpi slt, %min3A_58, %sign3A_64 : i32
      %sign3A_66 = arith.extui %sign3A_65 : i1 to i32
      %sign3A_67 = arith.subi %sign3A_63, %sign3A_66 : i32
      %sign3A_68 = arith.constant 0 : i32
      %sign3A_69 = arith.cmpi sgt, %jit3A_59, %sign3A_68 : i32
      %sign3A_70 = arith.extui %sign3A_69 : i1 to i32
      %sign3A_71 = arith.constant 0 : i32
      %sign3A_72 = arith.cmpi slt, %jit3A_59, %sign3A_71 : i32
      %sign3A_73 = arith.extui %sign3A_72 : i1 to i32
      %sign3A_74 = arith.subi %sign3A_70, %sign3A_73 : i32
      %ne3A_75 = arith.cmpi ne, %sign3A_67, %sign3A_74 : i32
      %rem3A_76 = arith.remsi %min3A_58, %jit3A_59 : i32
      %ne3A_77 = arith.constant 0 : i32
      %ne3A_78 = arith.cmpi ne, %rem3A_76, %ne3A_77 : i32
      %and3A_79 = arith.andi %ne3A_75, %ne3A_78 : i1
      %sub3A_80 = arith.constant 1 : i32
      %sub3A_81 = arith.subi %div3A_60, %sub3A_80 : i32
      %select_n3A_82 = arith.select %and3A_79, %sub3A_81, %div3A_60 : i32
      %run_scoped3A = arith.constant 0 : i32
      "tpu.region"() ({
        %run_scoped3A_100 = tpu.sem_alloc : memref<!tpu.dma_semaphore, #tpu.memory_space<semaphore_mem>>
        %dma_start3A_101 = arith.constant 0 : i32
        %dma_start3A_102 = tpu.memref_slice %arg3[%run_scoped3A, %multiple_of3A, %dma_start3A_101] : memref<2x2560x128xi32, #tpu.memory_space<hbm>> -> memref<1x40x128xi32, #tpu.memory_space<hbm>>
        %dma_start3A_103 = tpu.memref_squeeze %dma_start3A_102 : memref<1x40x128xi32, #tpu.memory_space<hbm>> -> memref<40x128xi32, #tpu.memory_space<hbm>>
        %dma_start3A_104 = arith.constant 0 : i32
        %dma_start3A_105 = tpu.memref_slice %arg3[%run_scoped3A, %multiple_of3A, %dma_start3A_104] : memref<2x2560x128xi32, #tpu.memory_space<hbm>> -> memref<1x40x128xi32, #tpu.memory_space<hbm>>
        %dma_start3A_106 = tpu.memref_squeeze %dma_start3A_105 : memref<1x40x128xi32, #tpu.memory_space<hbm>> -> memref<40x128xi32, #tpu.memory_space<hbm>>
        tpu.enqueue_dma source(%dma_start3A_106 : memref<40x128xi32, #tpu.memory_space<hbm>>) target(%arg8 : memref<40x128xi32, #tpu.memory_space<vmem>>) target_semaphore(%run_scoped3A_100 : memref<!tpu.dma_semaphore, #tpu.memory_space<semaphore_mem>>)
        %dma_wait3A = arith.constant 0 : i32
        %dma_wait3A_107 = tpu.memref_slice %arg3[%run_scoped3A, %multiple_of3A, %dma_wait3A] : memref<2x2560x128xi32, #tpu.memory_space<hbm>> -> memref<1x40x128xi32, #tpu.memory_space<hbm>>
        %dma_wait3A_108 = tpu.memref_squeeze %dma_wait3A_107 : memref<1x40x128xi32, #tpu.memory_space<hbm>> -> memref<40x128xi32, #tpu.memory_space<hbm>>
        %dma_wait3A_109 = arith.constant 0 : i32
        %dma_wait3A_110 = tpu.memref_slice %arg3[%run_scoped3A, %multiple_of3A, %dma_wait3A_109] : memref<2x2560x128xi32, #tpu.memory_space<hbm>> -> memref<1x40x128xi32, #tpu.memory_space<hbm>>
        %dma_wait3A_111 = tpu.memref_squeeze %dma_wait3A_110 : memref<1x40x128xi32, #tpu.memory_space<hbm>> -> memref<40x128xi32, #tpu.memory_space<hbm>>
        tpu.wait_dma2 semaphore(%run_scoped3A_100 : memref<!tpu.dma_semaphore, #tpu.memory_space<semaphore_mem>>) src(%dma_wait3A_111 : memref<40x128xi32, #tpu.memory_space<hbm>>) dst(%arg8 : memref<40x128xi32, #tpu.memory_space<vmem>>)
        tpu.yield
      }) : () -> ()
      %run_scoped3A_83 = arith.constant 1 : i32
      "tpu.region"() ({
        %run_scoped3A_100 = tpu.sem_alloc : memref<!tpu.dma_semaphore, #tpu.memory_space<semaphore_mem>>
        %dma_start3A_101 = arith.constant 0 : i32
        %dma_start3A_102 = tpu.memref_slice %arg3[%run_scoped3A_83, %multiple_of3A, %dma_start3A_101] : memref<2x2560x128xi32, #tpu.memory_space<hbm>> -> memref<1x40x128xi32, #tpu.memory_space<hbm>>
        %dma_start3A_103 = tpu.memref_squeeze %dma_start3A_102 : memref<1x40x128xi32, #tpu.memory_space<hbm>> -> memref<40x128xi32, #tpu.memory_space<hbm>>
        %dma_start3A_104 = arith.constant 0 : i32
        %dma_start3A_105 = tpu.memref_slice %arg3[%run_scoped3A_83, %multiple_of3A, %dma_start3A_104] : memref<2x2560x128xi32, #tpu.memory_space<hbm>> -> memref<1x40x128xi32, #tpu.memory_space<hbm>>
        %dma_start3A_106 = tpu.memref_squeeze %dma_start3A_105 : memref<1x40x128xi32, #tpu.memory_space<hbm>> -> memref<40x128xi32, #tpu.memory_space<hbm>>
        tpu.enqueue_dma source(%dma_start3A_106 : memref<40x128xi32, #tpu.memory_space<hbm>>) target(%arg9 : memref<40x128xi32, #tpu.memory_space<vmem>>) target_semaphore(%run_scoped3A_100 : memref<!tpu.dma_semaphore, #tpu.memory_space<semaphore_mem>>)
        %dma_wait3A = arith.constant 0 : i32
        %dma_wait3A_107 = tpu.memref_slice %arg3[%run_scoped3A_83, %multiple_of3A, %dma_wait3A] : memref<2x2560x128xi32, #tpu.memory_space<hbm>> -> memref<1x40x128xi32, #tpu.memory_space<hbm>>
        %dma_wait3A_108 = tpu.memref_squeeze %dma_wait3A_107 : memref<1x40x128xi32, #tpu.memory_space<hbm>> -> memref<40x128xi32, #tpu.memory_space<hbm>>
        %dma_wait3A_109 = arith.constant 0 : i32
        %dma_wait3A_110 = tpu.memref_slice %arg3[%run_scoped3A_83, %multiple_of3A, %dma_wait3A_109] : memref<2x2560x128xi32, #tpu.memory_space<hbm>> -> memref<1x40x128xi32, #tpu.memory_space<hbm>>
        %dma_wait3A_111 = tpu.memref_squeeze %dma_wait3A_110 : memref<1x40x128xi32, #tpu.memory_space<hbm>> -> memref<40x128xi32, #tpu.memory_space<hbm>>
        tpu.wait_dma2 semaphore(%run_scoped3A_100 : memref<!tpu.dma_semaphore, #tpu.memory_space<semaphore_mem>>) src(%dma_wait3A_111 : memref<40x128xi32, #tpu.memory_space<hbm>>) dst(%arg9 : memref<40x128xi32, #tpu.memory_space<vmem>>)
        tpu.yield
      }) : () -> ()
      %dma_start3A = arith.constant 0 : i32
      %dma_start3A_84 = arith.constant 0 : i32
      %dma_start3A_85 = tpu.memref_slice %arg8[%dma_start3A, %dma_start3A_84] : memref<40x128xi32, #tpu.memory_space<vmem>> -> memref<1x128xi32, #tpu.memory_space<vmem>>
      %dma_start3A_86 = tpu.memref_squeeze %dma_start3A_85 : memref<1x128xi32, #tpu.memory_space<vmem>> -> memref<128xi32, #tpu.memory_space<vmem>>
      %dma_start3A_87 = arith.constant 0 : i32
      %dma_start3A_88 = arith.constant 0 : i32
      %dma_start3A_89 = tpu.memref_slice %arg2[%dma_start3A_87, %dma_start3A_88] : memref<10000x128xf32, #tpu.memory_space<hbm>> -> memref<10000x128xf32, #tpu.memory_space<hbm>>
      tpu.enqueue_indirect_dma source(%dma_start3A_89 : memref<10000x128xf32, #tpu.memory_space<hbm>>) target(%arg10 : memref<128x128xf32, #tpu.memory_space<vmem>>) offsets(%dma_start3A_86 : memref<128xi32, #tpu.memory_space<vmem>>) semaphore(%arg12 : memref<!tpu.dma_semaphore, #tpu.memory_space<semaphore_mem>>)
      %while3A_90 = arith.constant 0 : i32
      %while3A_91 = arith.constant 0 : i32
      %while3A_92 = arith.subi %select_n3A_82, %while3A_91 : i32
      %while3A_93 = arith.addi %while3A_91, %while3A_92 : i32
      %while3A_94 = arith.constant 1 : i32
      %while3A_95 = arith.divsi %while3A_92, %while3A_94 : i32
      %while3A_96 = arith.muli %while3A_95, %while3A_94 : i32
      %while3A_97 = arith.addi %while3A_91, %while3A_96 : i32
      %while3A_98 = arith.constant 1 : i32
      scf.for %while3A_100 = %while3A_91 to %while3A_97 step %while3A_98  : i32 {
        %mul3A_101 = arith.constant 2 : i32
        %mul3A_102 = arith.muli %while3A_100, %mul3A_101 : i32
        %add3A_103 = arith.constant 1 : i32
        %add3A_104 = arith.addi %mul3A_102, %add3A_103 : i32
        %dma_start3A_105 = arith.constant 0 : i32
        %dma_start3A_106 = tpu.memref_slice %arg8[%add3A_104, %dma_start3A_105] : memref<40x128xi32, #tpu.memory_space<vmem>> -> memref<1x128xi32, #tpu.memory_space<vmem>>
        %dma_start3A_107 = tpu.memref_squeeze %dma_start3A_106 : memref<1x128xi32, #tpu.memory_space<vmem>> -> memref<128xi32, #tpu.memory_space<vmem>>
        %dma_start3A_108 = arith.constant 0 : i32
        %dma_start3A_109 = arith.constant 0 : i32
        %dma_start3A_110 = tpu.memref_slice %arg2[%dma_start3A_108, %dma_start3A_109] : memref<10000x128xf32, #tpu.memory_space<hbm>> -> memref<10000x128xf32, #tpu.memory_space<hbm>>
        tpu.enqueue_indirect_dma source(%dma_start3A_110 : memref<10000x128xf32, #tpu.memory_space<hbm>>) target(%arg11 : memref<128x128xf32, #tpu.memory_space<vmem>>) offsets(%dma_start3A_107 : memref<128xi32, #tpu.memory_space<vmem>>) semaphore(%arg13 : memref<!tpu.dma_semaphore, #tpu.memory_space<semaphore_mem>>)
        %dma_wait3A = arith.constant 0 : i32
        %dma_wait3A_111 = tpu.memref_slice %arg8[%mul3A_102, %dma_wait3A] : memref<40x128xi32, #tpu.memory_space<vmem>> -> memref<1x128xi32, #tpu.memory_space<vmem>>
        %dma_wait3A_112 = tpu.memref_squeeze %dma_wait3A_111 : memref<1x128xi32, #tpu.memory_space<vmem>> -> memref<128xi32, #tpu.memory_space<vmem>>
        %dma_wait3A_113 = arith.constant 0 : i32
        %dma_wait3A_114 = arith.constant 0 : i32
        %dma_wait3A_115 = tpu.memref_slice %arg2[%dma_wait3A_113, %dma_wait3A_114] : memref<10000x128xf32, #tpu.memory_space<hbm>> -> memref<10000x128xf32, #tpu.memory_space<hbm>>
        tpu.wait_indirect_dma semaphore(%arg12 : memref<!tpu.dma_semaphore, #tpu.memory_space<semaphore_mem>>) src(%dma_wait3A_115 : memref<10000x128xf32, #tpu.memory_space<hbm>>) dst(%arg10 : memref<128x128xf32, #tpu.memory_space<vmem>>)
        "tpu.region"() ({
          %run_scoped3A_131 = tpu.sem_alloc : memref<!tpu.dma_semaphore, #tpu.memory_space<semaphore_mem>>
          %dma_start3A_132 = arith.constant 0 : i32
          %dma_start3A_133 = tpu.memref_slice %arg9[%mul3A_102, %dma_start3A_132] : memref<40x128xi32, #tpu.memory_space<vmem>> -> memref<1x128xi32, #tpu.memory_space<vmem>>
          %dma_start3A_134 = tpu.memref_squeeze %dma_start3A_133 : memref<1x128xi32, #tpu.memory_space<vmem>> -> memref<128xi32, #tpu.memory_space<vmem>>
          %dma_start3A_135 = arith.constant 0 : i32
          %dma_start3A_136 = arith.constant 0 : i32
          %dma_start3A_137 = tpu.memref_slice %arg7[%dma_start3A_135, %dma_start3A_136] : memref<10000x128xf32, #tpu.memory_space<vmem_shared>> -> memref<10000x128xf32, #tpu.memory_space<vmem_shared>>
          tpu.enqueue_indirect_dma source(%arg10 : memref<128x128xf32, #tpu.memory_space<vmem>>) target(%dma_start3A_137 : memref<10000x128xf32, #tpu.memory_space<vmem_shared>>) offsets(%dma_start3A_134 : memref<128xi32, #tpu.memory_space<vmem>>) semaphore(%run_scoped3A_131 : memref<!tpu.dma_semaphore, #tpu.memory_space<semaphore_mem>>) {add = true}
          %dma_wait3A_138 = arith.constant 0 : i32
          %dma_wait3A_139 = tpu.memref_slice %arg9[%mul3A_102, %dma_wait3A_138] : memref<40x128xi32, #tpu.memory_space<vmem>> -> memref<1x128xi32, #tpu.memory_space<vmem>>
          %dma_wait3A_140 = tpu.memref_squeeze %dma_wait3A_139 : memref<1x128xi32, #tpu.memory_space<vmem>> -> memref<128xi32, #tpu.memory_space<vmem>>
          %dma_wait3A_141 = arith.constant 0 : i32
          %dma_wait3A_142 = arith.constant 0 : i32
          %dma_wait3A_143 = tpu.memref_slice %arg7[%dma_wait3A_141, %dma_wait3A_142] : memref<10000x128xf32, #tpu.memory_space<vmem_shared>> -> memref<10000x128xf32, #tpu.memory_space<vmem_shared>>
          tpu.wait_indirect_dma semaphore(%run_scoped3A_131 : memref<!tpu.dma_semaphore, #tpu.memory_space<semaphore_mem>>) src(%arg10 : memref<128x128xf32, #tpu.memory_space<vmem>>) dst(%dma_wait3A_143 : memref<10000x128xf32, #tpu.memory_space<vmem_shared>>)
          tpu.yield
        }) : () -> ()
        %add3A_116 = arith.constant 1 : i32
        %add3A_117 = arith.addi %while3A_100, %add3A_116 : i32
        %lt3A = arith.cmpi slt, %add3A_117, %select_n3A_82 : i32
        %convert_element_type3A_118 = arith.extui %lt3A : i1 to i32
        %cond3A_119 = arith.constant 0 : i32
        %cond3A_120 = arith.cmpi ne, %convert_element_type3A_118, %cond3A_119 : i32
        scf.if %cond3A_120 {
          %add3A_131 = arith.constant 2 : i32
          %add3A_132 = arith.addi %mul3A_102, %add3A_131 : i32
          %dma_start3A_133 = arith.constant 0 : i32
          %dma_start3A_134 = tpu.memref_slice %arg8[%add3A_132, %dma_start3A_133] : memref<40x128xi32, #tpu.memory_space<vmem>> -> memref<1x128xi32, #tpu.memory_space<vmem>>
          %dma_start3A_135 = tpu.memref_squeeze %dma_start3A_134 : memref<1x128xi32, #tpu.memory_space<vmem>> -> memref<128xi32, #tpu.memory_space<vmem>>
          %dma_start3A_136 = arith.constant 0 : i32
          %dma_start3A_137 = arith.constant 0 : i32
          %dma_start3A_138 = tpu.memref_slice %arg2[%dma_start3A_136, %dma_start3A_137] : memref<10000x128xf32, #tpu.memory_space<hbm>> -> memref<10000x128xf32, #tpu.memory_space<hbm>>
          tpu.enqueue_indirect_dma source(%dma_start3A_138 : memref<10000x128xf32, #tpu.memory_space<hbm>>) target(%arg10 : memref<128x128xf32, #tpu.memory_space<vmem>>) offsets(%dma_start3A_135 : memref<128xi32, #tpu.memory_space<vmem>>) semaphore(%arg12 : memref<!tpu.dma_semaphore, #tpu.memory_space<semaphore_mem>>)
        } else {
        }
        %add3A_121 = arith.constant 1 : i32
        %add3A_122 = arith.addi %mul3A_102, %add3A_121 : i32
        %dma_wait3A_123 = arith.constant 0 : i32
        %dma_wait3A_124 = tpu.memref_slice %arg8[%add3A_122, %dma_wait3A_123] : memref<40x128xi32, #tpu.memory_space<vmem>> -> memref<1x128xi32, #tpu.memory_space<vmem>>
        %dma_wait3A_125 = tpu.memref_squeeze %dma_wait3A_124 : memref<1x128xi32, #tpu.memory_space<vmem>> -> memref<128xi32, #tpu.memory_space<vmem>>
        %dma_wait3A_126 = arith.constant 0 : i32
        %dma_wait3A_127 = arith.constant 0 : i32
        %dma_wait3A_128 = tpu.memref_slice %arg2[%dma_wait3A_126, %dma_wait3A_127] : memref<10000x128xf32, #tpu.memory_space<hbm>> -> memref<10000x128xf32, #tpu.memory_space<hbm>>
        tpu.wait_indirect_dma semaphore(%arg13 : memref<!tpu.dma_semaphore, #tpu.memory_space<semaphore_mem>>) src(%dma_wait3A_128 : memref<10000x128xf32, #tpu.memory_space<hbm>>) dst(%arg11 : memref<128x128xf32, #tpu.memory_space<vmem>>)
        %add3A_129 = arith.constant 1 : i32
        %add3A_130 = arith.addi %mul3A_102, %add3A_129 : i32
        "tpu.region"() ({
          %run_scoped3A_131 = tpu.sem_alloc : memref<!tpu.dma_semaphore, #tpu.memory_space<semaphore_mem>>
          %dma_start3A_132 = arith.constant 0 : i32
          %dma_start3A_133 = tpu.memref_slice %arg9[%add3A_130, %dma_start3A_132] : memref<40x128xi32, #tpu.memory_space<vmem>> -> memref<1x128xi32, #tpu.memory_space<vmem>>
          %dma_start3A_134 = tpu.memref_squeeze %dma_start3A_133 : memref<1x128xi32, #tpu.memory_space<vmem>> -> memref<128xi32, #tpu.memory_space<vmem>>
          %dma_start3A_135 = arith.constant 0 : i32
          %dma_start3A_136 = arith.constant 0 : i32
          %dma_start3A_137 = tpu.memref_slice %arg7[%dma_start3A_135, %dma_start3A_136] : memref<10000x128xf32, #tpu.memory_space<vmem_shared>> -> memref<10000x128xf32, #tpu.memory_space<vmem_shared>>
          tpu.enqueue_indirect_dma source(%arg11 : memref<128x128xf32, #tpu.memory_space<vmem>>) target(%dma_start3A_137 : memref<10000x128xf32, #tpu.memory_space<vmem_shared>>) offsets(%dma_start3A_134 : memref<128xi32, #tpu.memory_space<vmem>>) semaphore(%run_scoped3A_131 : memref<!tpu.dma_semaphore, #tpu.memory_space<semaphore_mem>>) {add = true}
          %dma_wait3A_138 = arith.constant 0 : i32
          %dma_wait3A_139 = tpu.memref_slice %arg9[%add3A_130, %dma_wait3A_138] : memref<40x128xi32, #tpu.memory_space<vmem>> -> memref<1x128xi32, #tpu.memory_space<vmem>>
          %dma_wait3A_140 = tpu.memref_squeeze %dma_wait3A_139 : memref<1x128xi32, #tpu.memory_space<vmem>> -> memref<128xi32, #tpu.memory_space<vmem>>
          %dma_wait3A_141 = arith.constant 0 : i32
          %dma_wait3A_142 = arith.constant 0 : i32
          %dma_wait3A_143 = tpu.memref_slice %arg7[%dma_wait3A_141, %dma_wait3A_142] : memref<10000x128xf32, #tpu.memory_space<vmem_shared>> -> memref<10000x128xf32, #tpu.memory_space<vmem_shared>>
          tpu.wait_indirect_dma semaphore(%run_scoped3A_131 : memref<!tpu.dma_semaphore, #tpu.memory_space<semaphore_mem>>) src(%arg11 : memref<128x128xf32, #tpu.memory_space<vmem>>) dst(%dma_wait3A_143 : memref<10000x128xf32, #tpu.memory_space<vmem_shared>>)
          tpu.yield
        }) : () -> ()
      }
      %while3A_99 = arith.constant 1 : i32
      scf.for %while3A_100 = %while3A_97 to %while3A_93 step %while3A_99  : i32 {
        %mul3A_101 = arith.constant 2 : i32
        %mul3A_102 = arith.muli %while3A_100, %mul3A_101 : i32
        %add3A_103 = arith.constant 1 : i32
        %add3A_104 = arith.addi %mul3A_102, %add3A_103 : i32
        %dma_start3A_105 = arith.constant 0 : i32
        %dma_start3A_106 = tpu.memref_slice %arg8[%add3A_104, %dma_start3A_105] : memref<40x128xi32, #tpu.memory_space<vmem>> -> memref<1x128xi32, #tpu.memory_space<vmem>>
        %dma_start3A_107 = tpu.memref_squeeze %dma_start3A_106 : memref<1x128xi32, #tpu.memory_space<vmem>> -> memref<128xi32, #tpu.memory_space<vmem>>
        %dma_start3A_108 = arith.constant 0 : i32
        %dma_start3A_109 = arith.constant 0 : i32
        %dma_start3A_110 = tpu.memref_slice %arg2[%dma_start3A_108, %dma_start3A_109] : memref<10000x128xf32, #tpu.memory_space<hbm>> -> memref<10000x128xf32, #tpu.memory_space<hbm>>
        tpu.enqueue_indirect_dma source(%dma_start3A_110 : memref<10000x128xf32, #tpu.memory_space<hbm>>) target(%arg11 : memref<128x128xf32, #tpu.memory_space<vmem>>) offsets(%dma_start3A_107 : memref<128xi32, #tpu.memory_space<vmem>>) semaphore(%arg13 : memref<!tpu.dma_semaphore, #tpu.memory_space<semaphore_mem>>)
        %dma_wait3A = arith.constant 0 : i32
        %dma_wait3A_111 = tpu.memref_slice %arg8[%mul3A_102, %dma_wait3A] : memref<40x128xi32, #tpu.memory_space<vmem>> -> memref<1x128xi32, #tpu.memory_space<vmem>>
        %dma_wait3A_112 = tpu.memref_squeeze %dma_wait3A_111 : memref<1x128xi32, #tpu.memory_space<vmem>> -> memref<128xi32, #tpu.memory_space<vmem>>
        %dma_wait3A_113 = arith.constant 0 : i32
        %dma_wait3A_114 = arith.constant 0 : i32
        %dma_wait3A_115 = tpu.memref_slice %arg2[%dma_wait3A_113, %dma_wait3A_114] : memref<10000x128xf32, #tpu.memory_space<hbm>> -> memref<10000x128xf32, #tpu.memory_space<hbm>>
        tpu.wait_indirect_dma semaphore(%arg12 : memref<!tpu.dma_semaphore, #tpu.memory_space<semaphore_mem>>) src(%dma_wait3A_115 : memref<10000x128xf32, #tpu.memory_space<hbm>>) dst(%arg10 : memref<128x128xf32, #tpu.memory_space<vmem>>)
        "tpu.region"() ({
          %run_scoped3A_131 = tpu.sem_alloc : memref<!tpu.dma_semaphore, #tpu.memory_space<semaphore_mem>>
          %dma_start3A_132 = arith.constant 0 : i32
          %dma_start3A_133 = tpu.memref_slice %arg9[%mul3A_102, %dma_start3A_132] : memref<40x128xi32, #tpu.memory_space<vmem>> -> memref<1x128xi32, #tpu.memory_space<vmem>>
          %dma_start3A_134 = tpu.memref_squeeze %dma_start3A_133 : memref<1x128xi32, #tpu.memory_space<vmem>> -> memref<128xi32, #tpu.memory_space<vmem>>
          %dma_start3A_135 = arith.constant 0 : i32
          %dma_start3A_136 = arith.constant 0 : i32
          %dma_start3A_137 = tpu.memref_slice %arg7[%dma_start3A_135, %dma_start3A_136] : memref<10000x128xf32, #tpu.memory_space<vmem_shared>> -> memref<10000x128xf32, #tpu.memory_space<vmem_shared>>
          tpu.enqueue_indirect_dma source(%arg10 : memref<128x128xf32, #tpu.memory_space<vmem>>) target(%dma_start3A_137 : memref<10000x128xf32, #tpu.memory_space<vmem_shared>>) offsets(%dma_start3A_134 : memref<128xi32, #tpu.memory_space<vmem>>) semaphore(%run_scoped3A_131 : memref<!tpu.dma_semaphore, #tpu.memory_space<semaphore_mem>>) {add = true}
          %dma_wait3A_138 = arith.constant 0 : i32
          %dma_wait3A_139 = tpu.memref_slice %arg9[%mul3A_102, %dma_wait3A_138] : memref<40x128xi32, #tpu.memory_space<vmem>> -> memref<1x128xi32, #tpu.memory_space<vmem>>
          %dma_wait3A_140 = tpu.memref_squeeze %dma_wait3A_139 : memref<1x128xi32, #tpu.memory_space<vmem>> -> memref<128xi32, #tpu.memory_space<vmem>>
          %dma_wait3A_141 = arith.constant 0 : i32
          %dma_wait3A_142 = arith.constant 0 : i32
          %dma_wait3A_143 = tpu.memref_slice %arg7[%dma_wait3A_141, %dma_wait3A_142] : memref<10000x128xf32, #tpu.memory_space<vmem_shared>> -> memref<10000x128xf32, #tpu.memory_space<vmem_shared>>
          tpu.wait_indirect_dma semaphore(%run_scoped3A_131 : memref<!tpu.dma_semaphore, #tpu.memory_space<semaphore_mem>>) src(%arg10 : memref<128x128xf32, #tpu.memory_space<vmem>>) dst(%dma_wait3A_143 : memref<10000x128xf32, #tpu.memory_space<vmem_shared>>)
          tpu.yield
        }) : () -> ()
        %add3A_116 = arith.constant 1 : i32
        %add3A_117 = arith.addi %while3A_100, %add3A_116 : i32
        %lt3A = arith.cmpi slt, %add3A_117, %select_n3A_82 : i32
        %convert_element_type3A_118 = arith.extui %lt3A : i1 to i32
        %cond3A_119 = arith.constant 0 : i32
        %cond3A_120 = arith.cmpi ne, %convert_element_type3A_118, %cond3A_119 : i32
        scf.if %cond3A_120 {
          %add3A_131 = arith.constant 2 : i32
          %add3A_132 = arith.addi %mul3A_102, %add3A_131 : i32
          %dma_start3A_133 = arith.constant 0 : i32
          %dma_start3A_134 = tpu.memref_slice %arg8[%add3A_132, %dma_start3A_133] : memref<40x128xi32, #tpu.memory_space<vmem>> -> memref<1x128xi32, #tpu.memory_space<vmem>>
          %dma_start3A_135 = tpu.memref_squeeze %dma_start3A_134 : memref<1x128xi32, #tpu.memory_space<vmem>> -> memref<128xi32, #tpu.memory_space<vmem>>
          %dma_start3A_136 = arith.constant 0 : i32
          %dma_start3A_137 = arith.constant 0 : i32
          %dma_start3A_138 = tpu.memref_slice %arg2[%dma_start3A_136, %dma_start3A_137] : memref<10000x128xf32, #tpu.memory_space<hbm>> -> memref<10000x128xf32, #tpu.memory_space<hbm>>
          tpu.enqueue_indirect_dma source(%dma_start3A_138 : memref<10000x128xf32, #tpu.memory_space<hbm>>) target(%arg10 : memref<128x128xf32, #tpu.memory_space<vmem>>) offsets(%dma_start3A_135 : memref<128xi32, #tpu.memory_space<vmem>>) semaphore(%arg12 : memref<!tpu.dma_semaphore, #tpu.memory_space<semaphore_mem>>)
        } else {
        }
        %add3A_121 = arith.constant 1 : i32
        %add3A_122 = arith.addi %mul3A_102, %add3A_121 : i32
        %dma_wait3A_123 = arith.constant 0 : i32
        %dma_wait3A_124 = tpu.memref_slice %arg8[%add3A_122, %dma_wait3A_123] : memref<40x128xi32, #tpu.memory_space<vmem>> -> memref<1x128xi32, #tpu.memory_space<vmem>>
        %dma_wait3A_125 = tpu.memref_squeeze %dma_wait3A_124 : memref<1x128xi32, #tpu.memory_space<vmem>> -> memref<128xi32, #tpu.memory_space<vmem>>
        %dma_wait3A_126 = arith.constant 0 : i32
        %dma_wait3A_127 = arith.constant 0 : i32
        %dma_wait3A_128 = tpu.memref_slice %arg2[%dma_wait3A_126, %dma_wait3A_127] : memref<10000x128xf32, #tpu.memory_space<hbm>> -> memref<10000x128xf32, #tpu.memory_space<hbm>>
        tpu.wait_indirect_dma semaphore(%arg13 : memref<!tpu.dma_semaphore, #tpu.memory_space<semaphore_mem>>) src(%dma_wait3A_128 : memref<10000x128xf32, #tpu.memory_space<hbm>>) dst(%arg11 : memref<128x128xf32, #tpu.memory_space<vmem>>)
        %add3A_129 = arith.constant 1 : i32
        %add3A_130 = arith.addi %mul3A_102, %add3A_129 : i32
        "tpu.region"() ({
          %run_scoped3A_131 = tpu.sem_alloc : memref<!tpu.dma_semaphore, #tpu.memory_space<semaphore_mem>>
          %dma_start3A_132 = arith.constant 0 : i32
          %dma_start3A_133 = tpu.memref_slice %arg9[%add3A_130, %dma_start3A_132] : memref<40x128xi32, #tpu.memory_space<vmem>> -> memref<1x128xi32, #tpu.memory_space<vmem>>
          %dma_start3A_134 = tpu.memref_squeeze %dma_start3A_133 : memref<1x128xi32, #tpu.memory_space<vmem>> -> memref<128xi32, #tpu.memory_space<vmem>>
          %dma_start3A_135 = arith.constant 0 : i32
          %dma_start3A_136 = arith.constant 0 : i32
          %dma_start3A_137 = tpu.memref_slice %arg7[%dma_start3A_135, %dma_start3A_136] : memref<10000x128xf32, #tpu.memory_space<vmem_shared>> -> memref<10000x128xf32, #tpu.memory_space<vmem_shared>>
          tpu.enqueue_indirect_dma source(%arg11 : memref<128x128xf32, #tpu.memory_space<vmem>>) target(%dma_start3A_137 : memref<10000x128xf32, #tpu.memory_space<vmem_shared>>) offsets(%dma_start3A_134 : memref<128xi32, #tpu.memory_space<vmem>>) semaphore(%run_scoped3A_131 : memref<!tpu.dma_semaphore, #tpu.memory_space<semaphore_mem>>) {add = true}
          %dma_wait3A_138 = arith.constant 0 : i32
          %dma_wait3A_139 = tpu.memref_slice %arg9[%add3A_130, %dma_wait3A_138] : memref<40x128xi32, #tpu.memory_space<vmem>> -> memref<1x128xi32, #tpu.memory_space<vmem>>
          %dma_wait3A_140 = tpu.memref_squeeze %dma_wait3A_139 : memref<1x128xi32, #tpu.memory_space<vmem>> -> memref<128xi32, #tpu.memory_space<vmem>>
          %dma_wait3A_141 = arith.constant 0 : i32
          %dma_wait3A_142 = arith.constant 0 : i32
          %dma_wait3A_143 = tpu.memref_slice %arg7[%dma_wait3A_141, %dma_wait3A_142] : memref<10000x128xf32, #tpu.memory_space<vmem_shared>> -> memref<10000x128xf32, #tpu.memory_space<vmem_shared>>
          tpu.wait_indirect_dma semaphore(%run_scoped3A_131 : memref<!tpu.dma_semaphore, #tpu.memory_space<semaphore_mem>>) src(%arg11 : memref<128x128xf32, #tpu.memory_space<vmem>>) dst(%dma_wait3A_143 : memref<10000x128xf32, #tpu.memory_space<vmem_shared>>)
          tpu.yield
        }) : () -> ()
      }
    }
    %while3A_39 = arith.constant 1 : i32
    scf.for %while3A_51 = %while3A_37 to %while3A_33 step %while3A_39  : i32 {
      %mul3A_52 = arith.constant 40 : i32
      %mul3A_53 = arith.muli %while3A_51, %mul3A_52 : i32
      %add3A_54 = arith.addi %add3A, %mul3A_53 : i32
      %multiple_of3A = tpu.assume_multiple %add3A_54, 8 : i32
      %mul3A_55 = arith.constant 40 : i32
      %mul3A_56 = arith.muli %while3A_51, %mul3A_55 : i32
      %sub3A_57 = arith.subi %select_n3A, %mul3A_56 : i32
      %min3A = arith.constant 40 : i32
      %min3A_58 = arith.minsi %min3A, %sub3A_57 : i32
      %jit3A_59 = arith.constant 2 : i32
      %div3A_60 = arith.divsi %min3A_58, %jit3A_59 : i32
      %sign3A_61 = arith.constant 0 : i32
      %sign3A_62 = arith.cmpi sgt, %min3A_58, %sign3A_61 : i32
      %sign3A_63 = arith.extui %sign3A_62 : i1 to i32
      %sign3A_64 = arith.constant 0 : i32
      %sign3A_65 = arith.cmpi slt, %min3A_58, %sign3A_64 : i32
      %sign3A_66 = arith.extui %sign3A_65 : i1 to i32
      %sign3A_67 = arith.subi %sign3A_63, %sign3A_66 : i32
      %sign3A_68 = arith.constant 0 : i32
      %sign3A_69 = arith.cmpi sgt, %jit3A_59, %sign3A_68 : i32
      %sign3A_70 = arith.extui %sign3A_69 : i1 to i32
      %sign3A_71 = arith.constant 0 : i32
      %sign3A_72 = arith.cmpi slt, %jit3A_59, %sign3A_71 : i32
      %sign3A_73 = arith.extui %sign3A_72 : i1 to i32
      %sign3A_74 = arith.subi %sign3A_70, %sign3A_73 : i32
      %ne3A_75 = arith.cmpi ne, %sign3A_67, %sign3A_74 : i32
      %rem3A_76 = arith.remsi %min3A_58, %jit3A_59 : i32
      %ne3A_77 = arith.constant 0 : i32
      %ne3A_78 = arith.cmpi ne, %rem3A_76, %ne3A_77 : i32
      %and3A_79 = arith.andi %ne3A_75, %ne3A_78 : i1
      %sub3A_80 = arith.constant 1 : i32
      %sub3A_81 = arith.subi %div3A_60, %sub3A_80 : i32
      %select_n3A_82 = arith.select %and3A_79, %sub3A_81, %div3A_60 : i32
      %run_scoped3A = arith.constant 0 : i32
      "tpu.region"() ({
        %run_scoped3A_100 = tpu.sem_alloc : memref<!tpu.dma_semaphore, #tpu.memory_space<semaphore_mem>>
        %dma_start3A_101 = arith.constant 0 : i32
        %dma_start3A_102 = tpu.memref_slice %arg3[%run_scoped3A, %multiple_of3A, %dma_start3A_101] : memref<2x2560x128xi32, #tpu.memory_space<hbm>> -> memref<1x40x128xi32, #tpu.memory_space<hbm>>
        %dma_start3A_103 = tpu.memref_squeeze %dma_start3A_102 : memref<1x40x128xi32, #tpu.memory_space<hbm>> -> memref<40x128xi32, #tpu.memory_space<hbm>>
        %dma_start3A_104 = arith.constant 0 : i32
        %dma_start3A_105 = tpu.memref_slice %arg3[%run_scoped3A, %multiple_of3A, %dma_start3A_104] : memref<2x2560x128xi32, #tpu.memory_space<hbm>> -> memref<1x40x128xi32, #tpu.memory_space<hbm>>
        %dma_start3A_106 = tpu.memref_squeeze %dma_start3A_105 : memref<1x40x128xi32, #tpu.memory_space<hbm>> -> memref<40x128xi32, #tpu.memory_space<hbm>>
        tpu.enqueue_dma source(%dma_start3A_106 : memref<40x128xi32, #tpu.memory_space<hbm>>) target(%arg8 : memref<40x128xi32, #tpu.memory_space<vmem>>) target_semaphore(%run_scoped3A_100 : memref<!tpu.dma_semaphore, #tpu.memory_space<semaphore_mem>>)
        %dma_wait3A = arith.constant 0 : i32
        %dma_wait3A_107 = tpu.memref_slice %arg3[%run_scoped3A, %multiple_of3A, %dma_wait3A] : memref<2x2560x128xi32, #tpu.memory_space<hbm>> -> memref<1x40x128xi32, #tpu.memory_space<hbm>>
        %dma_wait3A_108 = tpu.memref_squeeze %dma_wait3A_107 : memref<1x40x128xi32, #tpu.memory_space<hbm>> -> memref<40x128xi32, #tpu.memory_space<hbm>>
        %dma_wait3A_109 = arith.constant 0 : i32
        %dma_wait3A_110 = tpu.memref_slice %arg3[%run_scoped3A, %multiple_of3A, %dma_wait3A_109] : memref<2x2560x128xi32, #tpu.memory_space<hbm>> -> memref<1x40x128xi32, #tpu.memory_space<hbm>>
        %dma_wait3A_111 = tpu.memref_squeeze %dma_wait3A_110 : memref<1x40x128xi32, #tpu.memory_space<hbm>> -> memref<40x128xi32, #tpu.memory_space<hbm>>
        tpu.wait_dma2 semaphore(%run_scoped3A_100 : memref<!tpu.dma_semaphore, #tpu.memory_space<semaphore_mem>>) src(%dma_wait3A_111 : memref<40x128xi32, #tpu.memory_space<hbm>>) dst(%arg8 : memref<40x128xi32, #tpu.memory_space<vmem>>)
        tpu.yield
      }) : () -> ()
      %run_scoped3A_83 = arith.constant 1 : i32
      "tpu.region"() ({
        %run_scoped3A_100 = tpu.sem_alloc : memref<!tpu.dma_semaphore, #tpu.memory_space<semaphore_mem>>
        %dma_start3A_101 = arith.constant 0 : i32
        %dma_start3A_102 = tpu.memref_slice %arg3[%run_scoped3A_83, %multiple_of3A, %dma_start3A_101] : memref<2x2560x128xi32, #tpu.memory_space<hbm>> -> memref<1x40x128xi32, #tpu.memory_space<hbm>>
        %dma_start3A_103 = tpu.memref_squeeze %dma_start3A_102 : memref<1x40x128xi32, #tpu.memory_space<hbm>> -> memref<40x128xi32, #tpu.memory_space<hbm>>
        %dma_start3A_104 = arith.constant 0 : i32
        %dma_start3A_105 = tpu.memref_slice %arg3[%run_scoped3A_83, %multiple_of3A, %dma_start3A_104] : memref<2x2560x128xi32, #tpu.memory_space<hbm>> -> memref<1x40x128xi32, #tpu.memory_space<hbm>>
        %dma_start3A_106 = tpu.memref_squeeze %dma_start3A_105 : memref<1x40x128xi32, #tpu.memory_space<hbm>> -> memref<40x128xi32, #tpu.memory_space<hbm>>
        tpu.enqueue_dma source(%dma_start3A_106 : memref<40x128xi32, #tpu.memory_space<hbm>>) target(%arg9 : memref<40x128xi32, #tpu.memory_space<vmem>>) target_semaphore(%run_scoped3A_100 : memref<!tpu.dma_semaphore, #tpu.memory_space<semaphore_mem>>)
        %dma_wait3A = arith.constant 0 : i32
        %dma_wait3A_107 = tpu.memref_slice %arg3[%run_scoped3A_83, %multiple_of3A, %dma_wait3A] : memref<2x2560x128xi32, #tpu.memory_space<hbm>> -> memref<1x40x128xi32, #tpu.memory_space<hbm>>
        %dma_wait3A_108 = tpu.memref_squeeze %dma_wait3A_107 : memref<1x40x128xi32, #tpu.memory_space<hbm>> -> memref<40x128xi32, #tpu.memory_space<hbm>>
        %dma_wait3A_109 = arith.constant 0 : i32
        %dma_wait3A_110 = tpu.memref_slice %arg3[%run_scoped3A_83, %multiple_of3A, %dma_wait3A_109] : memref<2x2560x128xi32, #tpu.memory_space<hbm>> -> memref<1x40x128xi32, #tpu.memory_space<hbm>>
        %dma_wait3A_111 = tpu.memref_squeeze %dma_wait3A_110 : memref<1x40x128xi32, #tpu.memory_space<hbm>> -> memref<40x128xi32, #tpu.memory_space<hbm>>
        tpu.wait_dma2 semaphore(%run_scoped3A_100 : memref<!tpu.dma_semaphore, #tpu.memory_space<semaphore_mem>>) src(%dma_wait3A_111 : memref<40x128xi32, #tpu.memory_space<hbm>>) dst(%arg9 : memref<40x128xi32, #tpu.memory_space<vmem>>)
        tpu.yield
      }) : () -> ()
      %dma_start3A = arith.constant 0 : i32
      %dma_start3A_84 = arith.constant 0 : i32
      %dma_start3A_85 = tpu.memref_slice %arg8[%dma_start3A, %dma_start3A_84] : memref<40x128xi32, #tpu.memory_space<vmem>> -> memref<1x128xi32, #tpu.memory_space<vmem>>
      %dma_start3A_86 = tpu.memref_squeeze %dma_start3A_85 : memref<1x128xi32, #tpu.memory_space<vmem>> -> memref<128xi32, #tpu.memory_space<vmem>>
      %dma_start3A_87 = arith.constant 0 : i32
      %dma_start3A_88 = arith.constant 0 : i32
      %dma_start3A_89 = tpu.memref_slice %arg2[%dma_start3A_87, %dma_start3A_88] : memref<10000x128xf32, #tpu.memory_space<hbm>> -> memref<10000x128xf32, #tpu.memory_space<hbm>>
      tpu.enqueue_indirect_dma source(%dma_start3A_89 : memref<10000x128xf32, #tpu.memory_space<hbm>>) target(%arg10 : memref<128x128xf32, #tpu.memory_space<vmem>>) offsets(%dma_start3A_86 : memref<128xi32, #tpu.memory_space<vmem>>) semaphore(%arg12 : memref<!tpu.dma_semaphore, #tpu.memory_space<semaphore_mem>>)
      %while3A_90 = arith.constant 0 : i32
      %while3A_91 = arith.constant 0 : i32
      %while3A_92 = arith.subi %select_n3A_82, %while3A_91 : i32
      %while3A_93 = arith.addi %while3A_91, %while3A_92 : i32
      %while3A_94 = arith.constant 1 : i32
      %while3A_95 = arith.divsi %while3A_92, %while3A_94 : i32
      %while3A_96 = arith.muli %while3A_95, %while3A_94 : i32
      %while3A_97 = arith.addi %while3A_91, %while3A_96 : i32
      %while3A_98 = arith.constant 1 : i32
      scf.for %while3A_100 = %while3A_91 to %while3A_97 step %while3A_98  : i32 {
        %mul3A_101 = arith.constant 2 : i32
        %mul3A_102 = arith.muli %while3A_100, %mul3A_101 : i32
        %add3A_103 = arith.constant 1 : i32
        %add3A_104 = arith.addi %mul3A_102, %add3A_103 : i32
        %dma_start3A_105 = arith.constant 0 : i32
        %dma_start3A_106 = tpu.memref_slice %arg8[%add3A_104, %dma_start3A_105] : memref<40x128xi32, #tpu.memory_space<vmem>> -> memref<1x128xi32, #tpu.memory_space<vmem>>
        %dma_start3A_107 = tpu.memref_squeeze %dma_start3A_106 : memref<1x128xi32, #tpu.memory_space<vmem>> -> memref<128xi32, #tpu.memory_space<vmem>>
        %dma_start3A_108 = arith.constant 0 : i32
        %dma_start3A_109 = arith.constant 0 : i32
        %dma_start3A_110 = tpu.memref_slice %arg2[%dma_start3A_108, %dma_start3A_109] : memref<10000x128xf32, #tpu.memory_space<hbm>> -> memref<10000x128xf32, #tpu.memory_space<hbm>>
        tpu.enqueue_indirect_dma source(%dma_start3A_110 : memref<10000x128xf32, #tpu.memory_space<hbm>>) target(%arg11 : memref<128x128xf32, #tpu.memory_space<vmem>>) offsets(%dma_start3A_107 : memref<128xi32, #tpu.memory_space<vmem>>) semaphore(%arg13 : memref<!tpu.dma_semaphore, #tpu.memory_space<semaphore_mem>>)
        %dma_wait3A = arith.constant 0 : i32
        %dma_wait3A_111 = tpu.memref_slice %arg8[%mul3A_102, %dma_wait3A] : memref<40x128xi32, #tpu.memory_space<vmem>> -> memref<1x128xi32, #tpu.memory_space<vmem>>
        %dma_wait3A_112 = tpu.memref_squeeze %dma_wait3A_111 : memref<1x128xi32, #tpu.memory_space<vmem>> -> memref<128xi32, #tpu.memory_space<vmem>>
        %dma_wait3A_113 = arith.constant 0 : i32
        %dma_wait3A_114 = arith.constant 0 : i32
        %dma_wait3A_115 = tpu.memref_slice %arg2[%dma_wait3A_113, %dma_wait3A_114] : memref<10000x128xf32, #tpu.memory_space<hbm>> -> memref<10000x128xf32, #tpu.memory_space<hbm>>
        tpu.wait_indirect_dma semaphore(%arg12 : memref<!tpu.dma_semaphore, #tpu.memory_space<semaphore_mem>>) src(%dma_wait3A_115 : memref<10000x128xf32, #tpu.memory_space<hbm>>) dst(%arg10 : memref<128x128xf32, #tpu.memory_space<vmem>>)
        "tpu.region"() ({
          %run_scoped3A_131 = tpu.sem_alloc : memref<!tpu.dma_semaphore, #tpu.memory_space<semaphore_mem>>
          %dma_start3A_132 = arith.constant 0 : i32
          %dma_start3A_133 = tpu.memref_slice %arg9[%mul3A_102, %dma_start3A_132] : memref<40x128xi32, #tpu.memory_space<vmem>> -> memref<1x128xi32, #tpu.memory_space<vmem>>
          %dma_start3A_134 = tpu.memref_squeeze %dma_start3A_133 : memref<1x128xi32, #tpu.memory_space<vmem>> -> memref<128xi32, #tpu.memory_space<vmem>>
          %dma_start3A_135 = arith.constant 0 : i32
          %dma_start3A_136 = arith.constant 0 : i32
          %dma_start3A_137 = tpu.memref_slice %arg7[%dma_start3A_135, %dma_start3A_136] : memref<10000x128xf32, #tpu.memory_space<vmem_shared>> -> memref<10000x128xf32, #tpu.memory_space<vmem_shared>>
          tpu.enqueue_indirect_dma source(%arg10 : memref<128x128xf32, #tpu.memory_space<vmem>>) target(%dma_start3A_137 : memref<10000x128xf32, #tpu.memory_space<vmem_shared>>) offsets(%dma_start3A_134 : memref<128xi32, #tpu.memory_space<vmem>>) semaphore(%run_scoped3A_131 : memref<!tpu.dma_semaphore, #tpu.memory_space<semaphore_mem>>) {add = true}
          %dma_wait3A_138 = arith.constant 0 : i32
          %dma_wait3A_139 = tpu.memref_slice %arg9[%mul3A_102, %dma_wait3A_138] : memref<40x128xi32, #tpu.memory_space<vmem>> -> memref<1x128xi32, #tpu.memory_space<vmem>>
          %dma_wait3A_140 = tpu.memref_squeeze %dma_wait3A_139 : memref<1x128xi32, #tpu.memory_space<vmem>> -> memref<128xi32, #tpu.memory_space<vmem>>
          %dma_wait3A_141 = arith.constant 0 : i32
          %dma_wait3A_142 = arith.constant 0 : i32
          %dma_wait3A_143 = tpu.memref_slice %arg7[%dma_wait3A_141, %dma_wait3A_142] : memref<10000x128xf32, #tpu.memory_space<vmem_shared>> -> memref<10000x128xf32, #tpu.memory_space<vmem_shared>>
          tpu.wait_indirect_dma semaphore(%run_scoped3A_131 : memref<!tpu.dma_semaphore, #tpu.memory_space<semaphore_mem>>) src(%arg10 : memref<128x128xf32, #tpu.memory_space<vmem>>) dst(%dma_wait3A_143 : memref<10000x128xf32, #tpu.memory_space<vmem_shared>>)
          tpu.yield
        }) : () -> ()
        %add3A_116 = arith.constant 1 : i32
        %add3A_117 = arith.addi %while3A_100, %add3A_116 : i32
        %lt3A = arith.cmpi slt, %add3A_117, %select_n3A_82 : i32
        %convert_element_type3A_118 = arith.extui %lt3A : i1 to i32
        %cond3A_119 = arith.constant 0 : i32
        %cond3A_120 = arith.cmpi ne, %convert_element_type3A_118, %cond3A_119 : i32
        scf.if %cond3A_120 {
          %add3A_131 = arith.constant 2 : i32
          %add3A_132 = arith.addi %mul3A_102, %add3A_131 : i32
          %dma_start3A_133 = arith.constant 0 : i32
          %dma_start3A_134 = tpu.memref_slice %arg8[%add3A_132, %dma_start3A_133] : memref<40x128xi32, #tpu.memory_space<vmem>> -> memref<1x128xi32, #tpu.memory_space<vmem>>
          %dma_start3A_135 = tpu.memref_squeeze %dma_start3A_134 : memref<1x128xi32, #tpu.memory_space<vmem>> -> memref<128xi32, #tpu.memory_space<vmem>>
          %dma_start3A_136 = arith.constant 0 : i32
          %dma_start3A_137 = arith.constant 0 : i32
          %dma_start3A_138 = tpu.memref_slice %arg2[%dma_start3A_136, %dma_start3A_137] : memref<10000x128xf32, #tpu.memory_space<hbm>> -> memref<10000x128xf32, #tpu.memory_space<hbm>>
          tpu.enqueue_indirect_dma source(%dma_start3A_138 : memref<10000x128xf32, #tpu.memory_space<hbm>>) target(%arg10 : memref<128x128xf32, #tpu.memory_space<vmem>>) offsets(%dma_start3A_135 : memref<128xi32, #tpu.memory_space<vmem>>) semaphore(%arg12 : memref<!tpu.dma_semaphore, #tpu.memory_space<semaphore_mem>>)
        } else {
        }
        %add3A_121 = arith.constant 1 : i32
        %add3A_122 = arith.addi %mul3A_102, %add3A_121 : i32
        %dma_wait3A_123 = arith.constant 0 : i32
        %dma_wait3A_124 = tpu.memref_slice %arg8[%add3A_122, %dma_wait3A_123] : memref<40x128xi32, #tpu.memory_space<vmem>> -> memref<1x128xi32, #tpu.memory_space<vmem>>
        %dma_wait3A_125 = tpu.memref_squeeze %dma_wait3A_124 : memref<1x128xi32, #tpu.memory_space<vmem>> -> memref<128xi32, #tpu.memory_space<vmem>>
        %dma_wait3A_126 = arith.constant 0 : i32
        %dma_wait3A_127 = arith.constant 0 : i32
        %dma_wait3A_128 = tpu.memref_slice %arg2[%dma_wait3A_126, %dma_wait3A_127] : memref<10000x128xf32, #tpu.memory_space<hbm>> -> memref<10000x128xf32, #tpu.memory_space<hbm>>
        tpu.wait_indirect_dma semaphore(%arg13 : memref<!tpu.dma_semaphore, #tpu.memory_space<semaphore_mem>>) src(%dma_wait3A_128 : memref<10000x128xf32, #tpu.memory_space<hbm>>) dst(%arg11 : memref<128x128xf32, #tpu.memory_space<vmem>>)
        %add3A_129 = arith.constant 1 : i32
        %add3A_130 = arith.addi %mul3A_102, %add3A_129 : i32
        "tpu.region"() ({
          %run_scoped3A_131 = tpu.sem_alloc : memref<!tpu.dma_semaphore, #tpu.memory_space<semaphore_mem>>
          %dma_start3A_132 = arith.constant 0 : i32
          %dma_start3A_133 = tpu.memref_slice %arg9[%add3A_130, %dma_start3A_132] : memref<40x128xi32, #tpu.memory_space<vmem>> -> memref<1x128xi32, #tpu.memory_space<vmem>>
          %dma_start3A_134 = tpu.memref_squeeze %dma_start3A_133 : memref<1x128xi32, #tpu.memory_space<vmem>> -> memref<128xi32, #tpu.memory_space<vmem>>
          %dma_start3A_135 = arith.constant 0 : i32
          %dma_start3A_136 = arith.constant 0 : i32
          %dma_start3A_137 = tpu.memref_slice %arg7[%dma_start3A_135, %dma_start3A_136] : memref<10000x128xf32, #tpu.memory_space<vmem_shared>> -> memref<10000x128xf32, #tpu.memory_space<vmem_shared>>
          tpu.enqueue_indirect_dma source(%arg11 : memref<128x128xf32, #tpu.memory_space<vmem>>) target(%dma_start3A_137 : memref<10000x128xf32, #tpu.memory_space<vmem_shared>>) offsets(%dma_start3A_134 : memref<128xi32, #tpu.memory_space<vmem>>) semaphore(%run_scoped3A_131 : memref<!tpu.dma_semaphore, #tpu.memory_space<semaphore_mem>>) {add = true}
          %dma_wait3A_138 = arith.constant 0 : i32
          %dma_wait3A_139 = tpu.memref_slice %arg9[%add3A_130, %dma_wait3A_138] : memref<40x128xi32, #tpu.memory_space<vmem>> -> memref<1x128xi32, #tpu.memory_space<vmem>>
          %dma_wait3A_140 = tpu.memref_squeeze %dma_wait3A_139 : memref<1x128xi32, #tpu.memory_space<vmem>> -> memref<128xi32, #tpu.memory_space<vmem>>
          %dma_wait3A_141 = arith.constant 0 : i32
          %dma_wait3A_142 = arith.constant 0 : i32
          %dma_wait3A_143 = tpu.memref_slice %arg7[%dma_wait3A_141, %dma_wait3A_142] : memref<10000x128xf32, #tpu.memory_space<vmem_shared>> -> memref<10000x128xf32, #tpu.memory_space<vmem_shared>>
          tpu.wait_indirect_dma semaphore(%run_scoped3A_131 : memref<!tpu.dma_semaphore, #tpu.memory_space<semaphore_mem>>) src(%arg11 : memref<128x128xf32, #tpu.memory_space<vmem>>) dst(%dma_wait3A_143 : memref<10000x128xf32, #tpu.memory_space<vmem_shared>>)
          tpu.yield
        }) : () -> ()
      }
      %while3A_99 = arith.constant 1 : i32
      scf.for %while3A_100 = %while3A_97 to %while3A_93 step %while3A_99  : i32 {
        %mul3A_101 = arith.constant 2 : i32
        %mul3A_102 = arith.muli %while3A_100, %mul3A_101 : i32
        %add3A_103 = arith.constant 1 : i32
        %add3A_104 = arith.addi %mul3A_102, %add3A_103 : i32
        %dma_start3A_105 = arith.constant 0 : i32
        %dma_start3A_106 = tpu.memref_slice %arg8[%add3A_104, %dma_start3A_105] : memref<40x128xi32, #tpu.memory_space<vmem>> -> memref<1x128xi32, #tpu.memory_space<vmem>>
        %dma_start3A_107 = tpu.memref_squeeze %dma_start3A_106 : memref<1x128xi32, #tpu.memory_space<vmem>> -> memref<128xi32, #tpu.memory_space<vmem>>
        %dma_start3A_108 = arith.constant 0 : i32
        %dma_start3A_109 = arith.constant 0 : i32
        %dma_start3A_110 = tpu.memref_slice %arg2[%dma_start3A_108, %dma_start3A_109] : memref<10000x128xf32, #tpu.memory_space<hbm>> -> memref<10000x128xf32, #tpu.memory_space<hbm>>
        tpu.enqueue_indirect_dma source(%dma_start3A_110 : memref<10000x128xf32, #tpu.memory_space<hbm>>) target(%arg11 : memref<128x128xf32, #tpu.memory_space<vmem>>) offsets(%dma_start3A_107 : memref<128xi32, #tpu.memory_space<vmem>>) semaphore(%arg13 : memref<!tpu.dma_semaphore, #tpu.memory_space<semaphore_mem>>)
        %dma_wait3A = arith.constant 0 : i32
        %dma_wait3A_111 = tpu.memref_slice %arg8[%mul3A_102, %dma_wait3A] : memref<40x128xi32, #tpu.memory_space<vmem>> -> memref<1x128xi32, #tpu.memory_space<vmem>>
        %dma_wait3A_112 = tpu.memref_squeeze %dma_wait3A_111 : memref<1x128xi32, #tpu.memory_space<vmem>> -> memref<128xi32, #tpu.memory_space<vmem>>
        %dma_wait3A_113 = arith.constant 0 : i32
        %dma_wait3A_114 = arith.constant 0 : i32
        %dma_wait3A_115 = tpu.memref_slice %arg2[%dma_wait3A_113, %dma_wait3A_114] : memref<10000x128xf32, #tpu.memory_space<hbm>> -> memref<10000x128xf32, #tpu.memory_space<hbm>>
        tpu.wait_indirect_dma semaphore(%arg12 : memref<!tpu.dma_semaphore, #tpu.memory_space<semaphore_mem>>) src(%dma_wait3A_115 : memref<10000x128xf32, #tpu.memory_space<hbm>>) dst(%arg10 : memref<128x128xf32, #tpu.memory_space<vmem>>)
        "tpu.region"() ({
          %run_scoped3A_131 = tpu.sem_alloc : memref<!tpu.dma_semaphore, #tpu.memory_space<semaphore_mem>>
          %dma_start3A_132 = arith.constant 0 : i32
          %dma_start3A_133 = tpu.memref_slice %arg9[%mul3A_102, %dma_start3A_132] : memref<40x128xi32, #tpu.memory_space<vmem>> -> memref<1x128xi32, #tpu.memory_space<vmem>>
          %dma_start3A_134 = tpu.memref_squeeze %dma_start3A_133 : memref<1x128xi32, #tpu.memory_space<vmem>> -> memref<128xi32, #tpu.memory_space<vmem>>
          %dma_start3A_135 = arith.constant 0 : i32
          %dma_start3A_136 = arith.constant 0 : i32
          %dma_start3A_137 = tpu.memref_slice %arg7[%dma_start3A_135, %dma_start3A_136] : memref<10000x128xf32, #tpu.memory_space<vmem_shared>> -> memref<10000x128xf32, #tpu.memory_space<vmem_shared>>
          tpu.enqueue_indirect_dma source(%arg10 : memref<128x128xf32, #tpu.memory_space<vmem>>) target(%dma_start3A_137 : memref<10000x128xf32, #tpu.memory_space<vmem_shared>>) offsets(%dma_start3A_134 : memref<128xi32, #tpu.memory_space<vmem>>) semaphore(%run_scoped3A_131 : memref<!tpu.dma_semaphore, #tpu.memory_space<semaphore_mem>>) {add = true}
          %dma_wait3A_138 = arith.constant 0 : i32
          %dma_wait3A_139 = tpu.memref_slice %arg9[%mul3A_102, %dma_wait3A_138] : memref<40x128xi32, #tpu.memory_space<vmem>> -> memref<1x128xi32, #tpu.memory_space<vmem>>
          %dma_wait3A_140 = tpu.memref_squeeze %dma_wait3A_139 : memref<1x128xi32, #tpu.memory_space<vmem>> -> memref<128xi32, #tpu.memory_space<vmem>>
          %dma_wait3A_141 = arith.constant 0 : i32
          %dma_wait3A_142 = arith.constant 0 : i32
          %dma_wait3A_143 = tpu.memref_slice %arg7[%dma_wait3A_141, %dma_wait3A_142] : memref<10000x128xf32, #tpu.memory_space<vmem_shared>> -> memref<10000x128xf32, #tpu.memory_space<vmem_shared>>
          tpu.wait_indirect_dma semaphore(%run_scoped3A_131 : memref<!tpu.dma_semaphore, #tpu.memory_space<semaphore_mem>>) src(%arg10 : memref<128x128xf32, #tpu.memory_space<vmem>>) dst(%dma_wait3A_143 : memref<10000x128xf32, #tpu.memory_space<vmem_shared>>)
          tpu.yield
        }) : () -> ()
        %add3A_116 = arith.constant 1 : i32
        %add3A_117 = arith.addi %while3A_100, %add3A_116 : i32
        %lt3A = arith.cmpi slt, %add3A_117, %select_n3A_82 : i32
        %convert_element_type3A_118 = arith.extui %lt3A : i1 to i32
        %cond3A_119 = arith.constant 0 : i32
        %cond3A_120 = arith.cmpi ne, %convert_element_type3A_118, %cond3A_119 : i32
        scf.if %cond3A_120 {
          %add3A_131 = arith.constant 2 : i32
          %add3A_132 = arith.addi %mul3A_102, %add3A_131 : i32
          %dma_start3A_133 = arith.constant 0 : i32
          %dma_start3A_134 = tpu.memref_slice %arg8[%add3A_132, %dma_start3A_133] : memref<40x128xi32, #tpu.memory_space<vmem>> -> memref<1x128xi32, #tpu.memory_space<vmem>>
          %dma_start3A_135 = tpu.memref_squeeze %dma_start3A_134 : memref<1x128xi32, #tpu.memory_space<vmem>> -> memref<128xi32, #tpu.memory_space<vmem>>
          %dma_start3A_136 = arith.constant 0 : i32
          %dma_start3A_137 = arith.constant 0 : i32
          %dma_start3A_138 = tpu.memref_slice %arg2[%dma_start3A_136, %dma_start3A_137] : memref<10000x128xf32, #tpu.memory_space<hbm>> -> memref<10000x128xf32, #tpu.memory_space<hbm>>
          tpu.enqueue_indirect_dma source(%dma_start3A_138 : memref<10000x128xf32, #tpu.memory_space<hbm>>) target(%arg10 : memref<128x128xf32, #tpu.memory_space<vmem>>) offsets(%dma_start3A_135 : memref<128xi32, #tpu.memory_space<vmem>>) semaphore(%arg12 : memref<!tpu.dma_semaphore, #tpu.memory_space<semaphore_mem>>)
        } else {
        }
        %add3A_121 = arith.constant 1 : i32
        %add3A_122 = arith.addi %mul3A_102, %add3A_121 : i32
        %dma_wait3A_123 = arith.constant 0 : i32
        %dma_wait3A_124 = tpu.memref_slice %arg8[%add3A_122, %dma_wait3A_123] : memref<40x128xi32, #tpu.memory_space<vmem>> -> memref<1x128xi32, #tpu.memory_space<vmem>>
        %dma_wait3A_125 = tpu.memref_squeeze %dma_wait3A_124 : memref<1x128xi32, #tpu.memory_space<vmem>> -> memref<128xi32, #tpu.memory_space<vmem>>
        %dma_wait3A_126 = arith.constant 0 : i32
        %dma_wait3A_127 = arith.constant 0 : i32
        %dma_wait3A_128 = tpu.memref_slice %arg2[%dma_wait3A_126, %dma_wait3A_127] : memref<10000x128xf32, #tpu.memory_space<hbm>> -> memref<10000x128xf32, #tpu.memory_space<hbm>>
        tpu.wait_indirect_dma semaphore(%arg13 : memref<!tpu.dma_semaphore, #tpu.memory_space<semaphore_mem>>) src(%dma_wait3A_128 : memref<10000x128xf32, #tpu.memory_space<hbm>>) dst(%arg11 : memref<128x128xf32, #tpu.memory_space<vmem>>)
        %add3A_129 = arith.constant 1 : i32
        %add3A_130 = arith.addi %mul3A_102, %add3A_129 : i32
        "tpu.region"() ({
          %run_scoped3A_131 = tpu.sem_alloc : memref<!tpu.dma_semaphore, #tpu.memory_space<semaphore_mem>>
          %dma_start3A_132 = arith.constant 0 : i32
          %dma_start3A_133 = tpu.memref_slice %arg9[%add3A_130, %dma_start3A_132] : memref<40x128xi32, #tpu.memory_space<vmem>> -> memref<1x128xi32, #tpu.memory_space<vmem>>
          %dma_start3A_134 = tpu.memref_squeeze %dma_start3A_133 : memref<1x128xi32, #tpu.memory_space<vmem>> -> memref<128xi32, #tpu.memory_space<vmem>>
          %dma_start3A_135 = arith.constant 0 : i32
          %dma_start3A_136 = arith.constant 0 : i32
          %dma_start3A_137 = tpu.memref_slice %arg7[%dma_start3A_135, %dma_start3A_136] : memref<10000x128xf32, #tpu.memory_space<vmem_shared>> -> memref<10000x128xf32, #tpu.memory_space<vmem_shared>>
          tpu.enqueue_indirect_dma source(%arg11 : memref<128x128xf32, #tpu.memory_space<vmem>>) target(%dma_start3A_137 : memref<10000x128xf32, #tpu.memory_space<vmem_shared>>) offsets(%dma_start3A_134 : memref<128xi32, #tpu.memory_space<vmem>>) semaphore(%run_scoped3A_131 : memref<!tpu.dma_semaphore, #tpu.memory_space<semaphore_mem>>) {add = true}
          %dma_wait3A_138 = arith.constant 0 : i32
          %dma_wait3A_139 = tpu.memref_slice %arg9[%add3A_130, %dma_wait3A_138] : memref<40x128xi32, #tpu.memory_space<vmem>> -> memref<1x128xi32, #tpu.memory_space<vmem>>
          %dma_wait3A_140 = tpu.memref_squeeze %dma_wait3A_139 : memref<1x128xi32, #tpu.memory_space<vmem>> -> memref<128xi32, #tpu.memory_space<vmem>>
          %dma_wait3A_141 = arith.constant 0 : i32
          %dma_wait3A_142 = arith.constant 0 : i32
          %dma_wait3A_143 = tpu.memref_slice %arg7[%dma_wait3A_141, %dma_wait3A_142] : memref<10000x128xf32, #tpu.memory_space<vmem_shared>> -> memref<10000x128xf32, #tpu.memory_space<vmem_shared>>
          tpu.wait_indirect_dma semaphore(%run_scoped3A_131 : memref<!tpu.dma_semaphore, #tpu.memory_space<semaphore_mem>>) src(%arg11 : memref<128x128xf32, #tpu.memory_space<vmem>>) dst(%dma_wait3A_143 : memref<10000x128xf32, #tpu.memory_space<vmem_shared>>)
          tpu.yield
        }) : () -> ()
      }
    }
    %barrier3A_40 = arith.constant 0 : index
    tpu.barrier barrier_id(%barrier3A_40)
    %eq3A_41 = arith.constant 0 : i32
    %eq3A_42 = arith.cmpi eq, %arg0, %eq3A_41 : i32
    %convert_element_type3A_43 = arith.extui %eq3A_42 : i1 to i32
    %cond3A_44 = arith.constant 0 : i32
    %cond3A_45 = arith.cmpi ne, %convert_element_type3A_43, %cond3A_44 : i32
    scf.if %cond3A_45 {
      %lt3A = arith.constant 15 : i32
      %lt3A_51 = arith.cmpi slt, %arg1, %lt3A : i32
      %convert_element_type3A_52 = arith.extui %lt3A_51 : i1 to i32
      %cond3A_53 = arith.constant 0 : i32
      %cond3A_54 = arith.cmpi ne, %convert_element_type3A_52, %cond3A_53 : i32
      scf.if %cond3A_54 {
        %mul3A_60 = arith.constant 624 : i32
        %mul3A_61 = arith.muli %arg1, %mul3A_60 : i32
        %multiple_of3A = tpu.assume_multiple %mul3A_61, 8 : i32
        "tpu.region"() ({
          %run_scoped3A = tpu.sem_alloc : memref<!tpu.dma_semaphore, #tpu.memory_space<semaphore_mem>>
          %dma_start3A = arith.constant 0 : i32
          %dma_start3A_62 = tpu.memref_slice %arg5[%multiple_of3A, %dma_start3A] : memref<10000x128xf32, #tpu.memory_space<hbm>> -> memref<624x128xf32, #tpu.memory_space<hbm>>
          %dma_start3A_63 = arith.constant 0 : i32
          %dma_start3A_64 = tpu.memref_slice %arg7[%multiple_of3A, %dma_start3A_63] : memref<10000x128xf32, #tpu.memory_space<vmem_shared>> -> memref<624x128xf32, #tpu.memory_space<vmem_shared>>
          tpu.enqueue_dma source(%dma_start3A_64 : memref<624x128xf32, #tpu.memory_space<vmem_shared>>) target(%dma_start3A_62 : memref<624x128xf32, #tpu.memory_space<hbm>>) target_semaphore(%run_scoped3A : memref<!tpu.dma_semaphore, #tpu.memory_space<semaphore_mem>>)
          %dma_wait3A = arith.constant 0 : i32
          %dma_wait3A_65 = tpu.memref_slice %arg5[%multiple_of3A, %dma_wait3A] : memref<10000x128xf32, #tpu.memory_space<hbm>> -> memref<624x128xf32, #tpu.memory_space<hbm>>
          %dma_wait3A_66 = arith.constant 0 : i32
          %dma_wait3A_67 = tpu.memref_slice %arg7[%multiple_of3A, %dma_wait3A_66] : memref<10000x128xf32, #tpu.memory_space<vmem_shared>> -> memref<624x128xf32, #tpu.memory_space<vmem_shared>>
          tpu.wait_dma2 semaphore(%run_scoped3A : memref<!tpu.dma_semaphore, #tpu.memory_space<semaphore_mem>>) src(%dma_wait3A_67 : memref<624x128xf32, #tpu.memory_space<vmem_shared>>) dst(%dma_wait3A_65 : memref<624x128xf32, #tpu.memory_space<hbm>>)
          tpu.yield
        }) : () -> ()
      } else {
      }
      %eq3A_55 = arith.constant 15 : i32
      %eq3A_56 = arith.cmpi eq, %arg1, %eq3A_55 : i32
      %convert_element_type3A_57 = arith.extui %eq3A_56 : i1 to i32
      %cond3A_58 = arith.constant 0 : i32
      %cond3A_59 = arith.cmpi ne, %convert_element_type3A_57, %cond3A_58 : i32
      scf.if %cond3A_59 {
        "tpu.region"() ({
          %run_scoped3A = tpu.sem_alloc : memref<!tpu.dma_semaphore, #tpu.memory_space<semaphore_mem>>
          %dma_start3A = arith.constant 9360 : i32
          %dma_start3A_60 = arith.constant 0 : i32
          %dma_start3A_61 = tpu.memref_slice %arg5[%dma_start3A, %dma_start3A_60] : memref<10000x128xf32, #tpu.memory_space<hbm>> -> memref<640x128xf32, #tpu.memory_space<hbm>>
          %dma_start3A_62 = arith.constant 9360 : i32
          %dma_start3A_63 = arith.constant 0 : i32
          %dma_start3A_64 = tpu.memref_slice %arg7[%dma_start3A_62, %dma_start3A_63] : memref<10000x128xf32, #tpu.memory_space<vmem_shared>> -> memref<640x128xf32, #tpu.memory_space<vmem_shared>>
          tpu.enqueue_dma source(%dma_start3A_64 : memref<640x128xf32, #tpu.memory_space<vmem_shared>>) target(%dma_start3A_61 : memref<640x128xf32, #tpu.memory_space<hbm>>) target_semaphore(%run_scoped3A : memref<!tpu.dma_semaphore, #tpu.memory_space<semaphore_mem>>)
          %dma_wait3A = arith.constant 9360 : i32
          %dma_wait3A_65 = arith.constant 0 : i32
          %dma_wait3A_66 = tpu.memref_slice %arg5[%dma_wait3A, %dma_wait3A_65] : memref<10000x128xf32, #tpu.memory_space<hbm>> -> memref<640x128xf32, #tpu.memory_space<hbm>>
          %dma_wait3A_67 = arith.constant 9360 : i32
          %dma_wait3A_68 = arith.constant 0 : i32
          %dma_wait3A_69 = tpu.memref_slice %arg7[%dma_wait3A_67, %dma_wait3A_68] : memref<10000x128xf32, #tpu.memory_space<vmem_shared>> -> memref<640x128xf32, #tpu.memory_space<vmem_shared>>
          tpu.wait_dma2 semaphore(%run_scoped3A : memref<!tpu.dma_semaphore, #tpu.memory_space<semaphore_mem>>) src(%dma_wait3A_69 : memref<640x128xf32, #tpu.memory_space<vmem_shared>>) dst(%dma_wait3A_66 : memref<640x128xf32, #tpu.memory_space<hbm>>)
          tpu.yield
        }) : () -> ()
      } else {
      }
    } else {
    }
    %eq3A_46 = arith.constant 1 : i32
    %eq3A_47 = arith.cmpi eq, %arg0, %eq3A_46 : i32
    %convert_element_type3A_48 = arith.extui %eq3A_47 : i1 to i32
    %cond3A_49 = arith.constant 0 : i32
    %cond3A_50 = arith.cmpi ne, %convert_element_type3A_48, %cond3A_49 : i32
    scf.if %cond3A_50 {
      %lt3A = arith.constant 15 : i32
      %lt3A_51 = arith.cmpi slt, %arg1, %lt3A : i32
      %convert_element_type3A_52 = arith.extui %lt3A_51 : i1 to i32
      %cond3A_53 = arith.constant 0 : i32
      %cond3A_54 = arith.cmpi ne, %convert_element_type3A_52, %cond3A_53 : i32
      scf.if %cond3A_54 {
        %mul3A_60 = arith.constant 624 : i32
        %mul3A_61 = arith.muli %arg1, %mul3A_60 : i32
        %multiple_of3A = tpu.assume_multiple %mul3A_61, 8 : i32
        "tpu.region"() ({
          %run_scoped3A = tpu.sem_alloc : memref<!tpu.dma_semaphore, #tpu.memory_space<semaphore_mem>>
          %dma_start3A = arith.constant 0 : i32
          %dma_start3A_62 = tpu.memref_slice %arg6[%multiple_of3A, %dma_start3A] : memref<10000x128xf32, #tpu.memory_space<hbm>> -> memref<624x128xf32, #tpu.memory_space<hbm>>
          %dma_start3A_63 = arith.constant 0 : i32
          %dma_start3A_64 = tpu.memref_slice %arg7[%multiple_of3A, %dma_start3A_63] : memref<10000x128xf32, #tpu.memory_space<vmem_shared>> -> memref<624x128xf32, #tpu.memory_space<vmem_shared>>
          tpu.enqueue_dma source(%dma_start3A_64 : memref<624x128xf32, #tpu.memory_space<vmem_shared>>) target(%dma_start3A_62 : memref<624x128xf32, #tpu.memory_space<hbm>>) target_semaphore(%run_scoped3A : memref<!tpu.dma_semaphore, #tpu.memory_space<semaphore_mem>>)
          %dma_wait3A = arith.constant 0 : i32
          %dma_wait3A_65 = tpu.memref_slice %arg6[%multiple_of3A, %dma_wait3A] : memref<10000x128xf32, #tpu.memory_space<hbm>> -> memref<624x128xf32, #tpu.memory_space<hbm>>
          %dma_wait3A_66 = arith.constant 0 : i32
          %dma_wait3A_67 = tpu.memref_slice %arg7[%multiple_of3A, %dma_wait3A_66] : memref<10000x128xf32, #tpu.memory_space<vmem_shared>> -> memref<624x128xf32, #tpu.memory_space<vmem_shared>>
          tpu.wait_dma2 semaphore(%run_scoped3A : memref<!tpu.dma_semaphore, #tpu.memory_space<semaphore_mem>>) src(%dma_wait3A_67 : memref<624x128xf32, #tpu.memory_space<vmem_shared>>) dst(%dma_wait3A_65 : memref<624x128xf32, #tpu.memory_space<hbm>>)
          tpu.yield
        }) : () -> ()
      } else {
      }
      %eq3A_55 = arith.constant 15 : i32
      %eq3A_56 = arith.cmpi eq, %arg1, %eq3A_55 : i32
      %convert_element_type3A_57 = arith.extui %eq3A_56 : i1 to i32
      %cond3A_58 = arith.constant 0 : i32
      %cond3A_59 = arith.cmpi ne, %convert_element_type3A_57, %cond3A_58 : i32
      scf.if %cond3A_59 {
        "tpu.region"() ({
          %run_scoped3A = tpu.sem_alloc : memref<!tpu.dma_semaphore, #tpu.memory_space<semaphore_mem>>
          %dma_start3A = arith.constant 9360 : i32
          %dma_start3A_60 = arith.constant 0 : i32
          %dma_start3A_61 = tpu.memref_slice %arg6[%dma_start3A, %dma_start3A_60] : memref<10000x128xf32, #tpu.memory_space<hbm>> -> memref<640x128xf32, #tpu.memory_space<hbm>>
          %dma_start3A_62 = arith.constant 9360 : i32
          %dma_start3A_63 = arith.constant 0 : i32
          %dma_start3A_64 = tpu.memref_slice %arg7[%dma_start3A_62, %dma_start3A_63] : memref<10000x128xf32, #tpu.memory_space<vmem_shared>> -> memref<640x128xf32, #tpu.memory_space<vmem_shared>>
          tpu.enqueue_dma source(%dma_start3A_64 : memref<640x128xf32, #tpu.memory_space<vmem_shared>>) target(%dma_start3A_61 : memref<640x128xf32, #tpu.memory_space<hbm>>) target_semaphore(%run_scoped3A : memref<!tpu.dma_semaphore, #tpu.memory_space<semaphore_mem>>)
          %dma_wait3A = arith.constant 9360 : i32
          %dma_wait3A_65 = arith.constant 0 : i32
          %dma_wait3A_66 = tpu.memref_slice %arg6[%dma_wait3A, %dma_wait3A_65] : memref<10000x128xf32, #tpu.memory_space<hbm>> -> memref<640x128xf32, #tpu.memory_space<hbm>>
          %dma_wait3A_67 = arith.constant 9360 : i32
          %dma_wait3A_68 = arith.constant 0 : i32
          %dma_wait3A_69 = tpu.memref_slice %arg7[%dma_wait3A_67, %dma_wait3A_68] : memref<10000x128xf32, #tpu.memory_space<vmem_shared>> -> memref<640x128xf32, #tpu.memory_space<vmem_shared>>
          tpu.wait_dma2 semaphore(%run_scoped3A : memref<!tpu.dma_semaphore, #tpu.memory_space<semaphore_mem>>) src(%dma_wait3A_69 : memref<640x128xf32, #tpu.memory_space<vmem_shared>>) dst(%dma_wait3A_66 : memref<640x128xf32, #tpu.memory_space<hbm>>)
          tpu.yield
        }) : () -> ()
      } else {
      }
    } else {
    }
    return
  }
}

#map = affine_map<(d0, d1) -> (0, 0)>
#map1 = affine_map<(d0, d1) -> (0, 0, 0)>
module attributes {stable_mosaic.version = 14 : i64} {
  func.func @_sc_agg2(%arg0: i32, %arg1: i32, %arg2: memref<10000x128xf32, #tpu.memory_space<hbm>>, %arg3: memref<10000x128xf32, #tpu.memory_space<hbm>>, %arg4: memref<2x2560x128xi32, #tpu.memory_space<hbm>>, %arg5: memref<10000x128xf32, #tpu.memory_space<hbm>>, %arg6: memref<10000x128xf32, #tpu.memory_space<hbm>>, %arg7: memref<10000x128xf32, #tpu.memory_space<hbm>>, %arg8: memref<10000x128xf32, #tpu.memory_space<vmem_shared>>, %arg9: memref<40x128xi32, #tpu.memory_space<vmem>>, %arg10: memref<40x128xi32, #tpu.memory_space<vmem>>, %arg11: memref<128x128xf32, #tpu.memory_space<vmem>>, %arg12: memref<128x128xf32, #tpu.memory_space<vmem>>, %arg13: memref<!tpu.dma_semaphore, #tpu.memory_space<semaphore_mem>>, %arg14: memref<!tpu.dma_semaphore, #tpu.memory_space<semaphore_mem>>) attributes {dimension_semantics = [#tpu.dimension_semantics<core_parallel>, #tpu.dimension_semantics<subcore_parallel>], iteration_bounds = array<i64: 2, 16>, scalar_prefetch = 0 : i64, scratch_operands = 7 : i64, tpu.core_type = #tpu.core_type<sc_vector_subcore>, window_params = [{transform_indices = #map}, {transform_indices = #map}, {transform_indices = #map1}, {transform_indices = #map}, {transform_indices = #map}, {transform_indices = #map}]} {
    %eq3A = arith.constant 0 : i32
    %eq3A_0 = arith.cmpi eq, %arg1, %eq3A : i32
    %convert_element_type3A = arith.extui %eq3A_0 : i1 to i32
    %cond3A = arith.constant 0 : i32
    %cond3A_1 = arith.cmpi ne, %convert_element_type3A, %cond3A : i32
    scf.if %cond3A_1 {
      "tpu.region"() ({
        %run_scoped3A = tpu.sem_alloc : memref<!tpu.dma_semaphore, #tpu.memory_space<semaphore_mem>>
        tpu.enqueue_dma source(%arg5 : memref<10000x128xf32, #tpu.memory_space<hbm>>) target(%arg8 : memref<10000x128xf32, #tpu.memory_space<vmem_shared>>) target_semaphore(%run_scoped3A : memref<!tpu.dma_semaphore, #tpu.memory_space<semaphore_mem>>)
        tpu.wait_dma2 semaphore(%run_scoped3A : memref<!tpu.dma_semaphore, #tpu.memory_space<semaphore_mem>>) src(%arg5 : memref<10000x128xf32, #tpu.memory_space<hbm>>) dst(%arg8 : memref<10000x128xf32, #tpu.memory_space<vmem_shared>>)
        tpu.yield
      }) : () -> ()
    } else {
    }
    %barrier3A = arith.constant 0 : index
    tpu.barrier barrier_id(%barrier3A)
    %mul3A = arith.constant 160 : i32
    %mul3A_2 = arith.muli %arg1, %mul3A : i32
    %eq3A_3 = arith.constant 15 : i32
    %eq3A_4 = arith.cmpi eq, %arg1, %eq3A_3 : i32
    %jit3A = arith.constant 100 : i32
    %jit3A_5 = arith.constant 160 : i32
    %select_n3A = arith.select %eq3A_4, %jit3A, %jit3A_5 : i32
    %eq3A_6 = arith.constant 0 : i32
    %eq3A_7 = arith.cmpi eq, %arg0, %eq3A_6 : i32
    %convert_element_type3A_8 = arith.extui %eq3A_7 : i1 to i32
    %cond3A_9 = arith.constant 0 : i32
    %cond3A_10 = arith.cmpi ne, %convert_element_type3A_8, %cond3A_9 : i32
    scf.if %cond3A_10 {
      %add3A = arith.constant 39 : i32
      %add3A_27 = arith.addi %select_n3A, %add3A : i32
      %jit3A_28 = arith.constant 40 : i32
      %div3A = arith.divsi %add3A_27, %jit3A_28 : i32
      %sign3A = arith.constant 0 : i32
      %sign3A_29 = arith.cmpi sgt, %add3A_27, %sign3A : i32
      %sign3A_30 = arith.extui %sign3A_29 : i1 to i32
      %sign3A_31 = arith.constant 0 : i32
      %sign3A_32 = arith.cmpi slt, %add3A_27, %sign3A_31 : i32
      %sign3A_33 = arith.extui %sign3A_32 : i1 to i32
      %sign3A_34 = arith.subi %sign3A_30, %sign3A_33 : i32
      %sign3A_35 = arith.constant 0 : i32
      %sign3A_36 = arith.cmpi sgt, %jit3A_28, %sign3A_35 : i32
      %sign3A_37 = arith.extui %sign3A_36 : i1 to i32
      %sign3A_38 = arith.constant 0 : i32
      %sign3A_39 = arith.cmpi slt, %jit3A_28, %sign3A_38 : i32
      %sign3A_40 = arith.extui %sign3A_39 : i1 to i32
      %sign3A_41 = arith.subi %sign3A_37, %sign3A_40 : i32
      %ne3A = arith.cmpi ne, %sign3A_34, %sign3A_41 : i32
      %rem3A = arith.remsi %add3A_27, %jit3A_28 : i32
      %ne3A_42 = arith.constant 0 : i32
      %ne3A_43 = arith.cmpi ne, %rem3A, %ne3A_42 : i32
      %and3A = arith.andi %ne3A, %ne3A_43 : i1
      %sub3A = arith.constant 1 : i32
      %sub3A_44 = arith.subi %div3A, %sub3A : i32
      %select_n3A_45 = arith.select %and3A, %sub3A_44, %div3A : i32
      %while3A = arith.constant 0 : i32
      %while3A_46 = arith.constant 0 : i32
      %while3A_47 = arith.subi %select_n3A_45, %while3A_46 : i32
      %while3A_48 = arith.addi %while3A_46, %while3A_47 : i32
      %while3A_49 = arith.constant 1 : i32
      %while3A_50 = arith.divsi %while3A_47, %while3A_49 : i32
      %while3A_51 = arith.muli %while3A_50, %while3A_49 : i32
      %while3A_52 = arith.addi %while3A_46, %while3A_51 : i32
      %while3A_53 = arith.constant 1 : i32
      scf.for %while3A_55 = %while3A_46 to %while3A_52 step %while3A_53  : i32 {
        %mul3A_56 = arith.constant 40 : i32
        %mul3A_57 = arith.muli %while3A_55, %mul3A_56 : i32
        %add3A_58 = arith.addi %mul3A_2, %mul3A_57 : i32
        %multiple_of3A = tpu.assume_multiple %add3A_58, 8 : i32
        %mul3A_59 = arith.constant 40 : i32
        %mul3A_60 = arith.muli %while3A_55, %mul3A_59 : i32
        %sub3A_61 = arith.subi %select_n3A, %mul3A_60 : i32
        %min3A = arith.constant 40 : i32
        %min3A_62 = arith.minsi %min3A, %sub3A_61 : i32
        %jit3A_63 = arith.constant 2 : i32
        %div3A_64 = arith.divsi %min3A_62, %jit3A_63 : i32
        %sign3A_65 = arith.constant 0 : i32
        %sign3A_66 = arith.cmpi sgt, %min3A_62, %sign3A_65 : i32
        %sign3A_67 = arith.extui %sign3A_66 : i1 to i32
        %sign3A_68 = arith.constant 0 : i32
        %sign3A_69 = arith.cmpi slt, %min3A_62, %sign3A_68 : i32
        %sign3A_70 = arith.extui %sign3A_69 : i1 to i32
        %sign3A_71 = arith.subi %sign3A_67, %sign3A_70 : i32
        %sign3A_72 = arith.constant 0 : i32
        %sign3A_73 = arith.cmpi sgt, %jit3A_63, %sign3A_72 : i32
        %sign3A_74 = arith.extui %sign3A_73 : i1 to i32
        %sign3A_75 = arith.constant 0 : i32
        %sign3A_76 = arith.cmpi slt, %jit3A_63, %sign3A_75 : i32
        %sign3A_77 = arith.extui %sign3A_76 : i1 to i32
        %sign3A_78 = arith.subi %sign3A_74, %sign3A_77 : i32
        %ne3A_79 = arith.cmpi ne, %sign3A_71, %sign3A_78 : i32
        %rem3A_80 = arith.remsi %min3A_62, %jit3A_63 : i32
        %ne3A_81 = arith.constant 0 : i32
        %ne3A_82 = arith.cmpi ne, %rem3A_80, %ne3A_81 : i32
        %and3A_83 = arith.andi %ne3A_79, %ne3A_82 : i1
        %sub3A_84 = arith.constant 1 : i32
        %sub3A_85 = arith.subi %div3A_64, %sub3A_84 : i32
        %select_n3A_86 = arith.select %and3A_83, %sub3A_85, %div3A_64 : i32
        %run_scoped3A = arith.constant 0 : i32
        "tpu.region"() ({
          %run_scoped3A_104 = tpu.sem_alloc : memref<!tpu.dma_semaphore, #tpu.memory_space<semaphore_mem>>
          %dma_start3A_105 = arith.constant 0 : i32
          %dma_start3A_106 = tpu.memref_slice %arg4[%run_scoped3A, %multiple_of3A, %dma_start3A_105] : memref<2x2560x128xi32, #tpu.memory_space<hbm>> -> memref<1x40x128xi32, #tpu.memory_space<hbm>>
          %dma_start3A_107 = tpu.memref_squeeze %dma_start3A_106 : memref<1x40x128xi32, #tpu.memory_space<hbm>> -> memref<40x128xi32, #tpu.memory_space<hbm>>
          %dma_start3A_108 = arith.constant 0 : i32
          %dma_start3A_109 = tpu.memref_slice %arg4[%run_scoped3A, %multiple_of3A, %dma_start3A_108] : memref<2x2560x128xi32, #tpu.memory_space<hbm>> -> memref<1x40x128xi32, #tpu.memory_space<hbm>>
          %dma_start3A_110 = tpu.memref_squeeze %dma_start3A_109 : memref<1x40x128xi32, #tpu.memory_space<hbm>> -> memref<40x128xi32, #tpu.memory_space<hbm>>
          tpu.enqueue_dma source(%dma_start3A_110 : memref<40x128xi32, #tpu.memory_space<hbm>>) target(%arg9 : memref<40x128xi32, #tpu.memory_space<vmem>>) target_semaphore(%run_scoped3A_104 : memref<!tpu.dma_semaphore, #tpu.memory_space<semaphore_mem>>)
          %dma_wait3A = arith.constant 0 : i32
          %dma_wait3A_111 = tpu.memref_slice %arg4[%run_scoped3A, %multiple_of3A, %dma_wait3A] : memref<2x2560x128xi32, #tpu.memory_space<hbm>> -> memref<1x40x128xi32, #tpu.memory_space<hbm>>
          %dma_wait3A_112 = tpu.memref_squeeze %dma_wait3A_111 : memref<1x40x128xi32, #tpu.memory_space<hbm>> -> memref<40x128xi32, #tpu.memory_space<hbm>>
          %dma_wait3A_113 = arith.constant 0 : i32
          %dma_wait3A_114 = tpu.memref_slice %arg4[%run_scoped3A, %multiple_of3A, %dma_wait3A_113] : memref<2x2560x128xi32, #tpu.memory_space<hbm>> -> memref<1x40x128xi32, #tpu.memory_space<hbm>>
          %dma_wait3A_115 = tpu.memref_squeeze %dma_wait3A_114 : memref<1x40x128xi32, #tpu.memory_space<hbm>> -> memref<40x128xi32, #tpu.memory_space<hbm>>
          tpu.wait_dma2 semaphore(%run_scoped3A_104 : memref<!tpu.dma_semaphore, #tpu.memory_space<semaphore_mem>>) src(%dma_wait3A_115 : memref<40x128xi32, #tpu.memory_space<hbm>>) dst(%arg9 : memref<40x128xi32, #tpu.memory_space<vmem>>)
          tpu.yield
        }) : () -> ()
        %run_scoped3A_87 = arith.constant 1 : i32
        "tpu.region"() ({
          %run_scoped3A_104 = tpu.sem_alloc : memref<!tpu.dma_semaphore, #tpu.memory_space<semaphore_mem>>
          %dma_start3A_105 = arith.constant 0 : i32
          %dma_start3A_106 = tpu.memref_slice %arg4[%run_scoped3A_87, %multiple_of3A, %dma_start3A_105] : memref<2x2560x128xi32, #tpu.memory_space<hbm>> -> memref<1x40x128xi32, #tpu.memory_space<hbm>>
          %dma_start3A_107 = tpu.memref_squeeze %dma_start3A_106 : memref<1x40x128xi32, #tpu.memory_space<hbm>> -> memref<40x128xi32, #tpu.memory_space<hbm>>
          %dma_start3A_108 = arith.constant 0 : i32
          %dma_start3A_109 = tpu.memref_slice %arg4[%run_scoped3A_87, %multiple_of3A, %dma_start3A_108] : memref<2x2560x128xi32, #tpu.memory_space<hbm>> -> memref<1x40x128xi32, #tpu.memory_space<hbm>>
          %dma_start3A_110 = tpu.memref_squeeze %dma_start3A_109 : memref<1x40x128xi32, #tpu.memory_space<hbm>> -> memref<40x128xi32, #tpu.memory_space<hbm>>
          tpu.enqueue_dma source(%dma_start3A_110 : memref<40x128xi32, #tpu.memory_space<hbm>>) target(%arg10 : memref<40x128xi32, #tpu.memory_space<vmem>>) target_semaphore(%run_scoped3A_104 : memref<!tpu.dma_semaphore, #tpu.memory_space<semaphore_mem>>)
          %dma_wait3A = arith.constant 0 : i32
          %dma_wait3A_111 = tpu.memref_slice %arg4[%run_scoped3A_87, %multiple_of3A, %dma_wait3A] : memref<2x2560x128xi32, #tpu.memory_space<hbm>> -> memref<1x40x128xi32, #tpu.memory_space<hbm>>
          %dma_wait3A_112 = tpu.memref_squeeze %dma_wait3A_111 : memref<1x40x128xi32, #tpu.memory_space<hbm>> -> memref<40x128xi32, #tpu.memory_space<hbm>>
          %dma_wait3A_113 = arith.constant 0 : i32
          %dma_wait3A_114 = tpu.memref_slice %arg4[%run_scoped3A_87, %multiple_of3A, %dma_wait3A_113] : memref<2x2560x128xi32, #tpu.memory_space<hbm>> -> memref<1x40x128xi32, #tpu.memory_space<hbm>>
          %dma_wait3A_115 = tpu.memref_squeeze %dma_wait3A_114 : memref<1x40x128xi32, #tpu.memory_space<hbm>> -> memref<40x128xi32, #tpu.memory_space<hbm>>
          tpu.wait_dma2 semaphore(%run_scoped3A_104 : memref<!tpu.dma_semaphore, #tpu.memory_space<semaphore_mem>>) src(%dma_wait3A_115 : memref<40x128xi32, #tpu.memory_space<hbm>>) dst(%arg10 : memref<40x128xi32, #tpu.memory_space<vmem>>)
          tpu.yield
        }) : () -> ()
        %dma_start3A = arith.constant 0 : i32
        %dma_start3A_88 = arith.constant 0 : i32
        %dma_start3A_89 = tpu.memref_slice %arg9[%dma_start3A, %dma_start3A_88] : memref<40x128xi32, #tpu.memory_space<vmem>> -> memref<1x128xi32, #tpu.memory_space<vmem>>
        %dma_start3A_90 = tpu.memref_squeeze %dma_start3A_89 : memref<1x128xi32, #tpu.memory_space<vmem>> -> memref<128xi32, #tpu.memory_space<vmem>>
        %dma_start3A_91 = arith.constant 0 : i32
        %dma_start3A_92 = arith.constant 0 : i32
        %dma_start3A_93 = tpu.memref_slice %arg2[%dma_start3A_91, %dma_start3A_92] : memref<10000x128xf32, #tpu.memory_space<hbm>> -> memref<10000x128xf32, #tpu.memory_space<hbm>>
        tpu.enqueue_indirect_dma source(%dma_start3A_93 : memref<10000x128xf32, #tpu.memory_space<hbm>>) target(%arg11 : memref<128x128xf32, #tpu.memory_space<vmem>>) offsets(%dma_start3A_90 : memref<128xi32, #tpu.memory_space<vmem>>) semaphore(%arg13 : memref<!tpu.dma_semaphore, #tpu.memory_space<semaphore_mem>>)
        %while3A_94 = arith.constant 0 : i32
        %while3A_95 = arith.constant 0 : i32
        %while3A_96 = arith.subi %select_n3A_86, %while3A_95 : i32
        %while3A_97 = arith.addi %while3A_95, %while3A_96 : i32
        %while3A_98 = arith.constant 1 : i32
        %while3A_99 = arith.divsi %while3A_96, %while3A_98 : i32
        %while3A_100 = arith.muli %while3A_99, %while3A_98 : i32
        %while3A_101 = arith.addi %while3A_95, %while3A_100 : i32
        %while3A_102 = arith.constant 1 : i32
        scf.for %while3A_104 = %while3A_95 to %while3A_101 step %while3A_102  : i32 {
          %mul3A_105 = arith.constant 2 : i32
          %mul3A_106 = arith.muli %while3A_104, %mul3A_105 : i32
          %add3A_107 = arith.constant 1 : i32
          %add3A_108 = arith.addi %mul3A_106, %add3A_107 : i32
          %dma_start3A_109 = arith.constant 0 : i32
          %dma_start3A_110 = tpu.memref_slice %arg9[%add3A_108, %dma_start3A_109] : memref<40x128xi32, #tpu.memory_space<vmem>> -> memref<1x128xi32, #tpu.memory_space<vmem>>
          %dma_start3A_111 = tpu.memref_squeeze %dma_start3A_110 : memref<1x128xi32, #tpu.memory_space<vmem>> -> memref<128xi32, #tpu.memory_space<vmem>>
          %dma_start3A_112 = arith.constant 0 : i32
          %dma_start3A_113 = arith.constant 0 : i32
          %dma_start3A_114 = tpu.memref_slice %arg2[%dma_start3A_112, %dma_start3A_113] : memref<10000x128xf32, #tpu.memory_space<hbm>> -> memref<10000x128xf32, #tpu.memory_space<hbm>>
          tpu.enqueue_indirect_dma source(%dma_start3A_114 : memref<10000x128xf32, #tpu.memory_space<hbm>>) target(%arg12 : memref<128x128xf32, #tpu.memory_space<vmem>>) offsets(%dma_start3A_111 : memref<128xi32, #tpu.memory_space<vmem>>) semaphore(%arg14 : memref<!tpu.dma_semaphore, #tpu.memory_space<semaphore_mem>>)
          %dma_wait3A = arith.constant 0 : i32
          %dma_wait3A_115 = tpu.memref_slice %arg9[%mul3A_106, %dma_wait3A] : memref<40x128xi32, #tpu.memory_space<vmem>> -> memref<1x128xi32, #tpu.memory_space<vmem>>
          %dma_wait3A_116 = tpu.memref_squeeze %dma_wait3A_115 : memref<1x128xi32, #tpu.memory_space<vmem>> -> memref<128xi32, #tpu.memory_space<vmem>>
          %dma_wait3A_117 = arith.constant 0 : i32
          %dma_wait3A_118 = arith.constant 0 : i32
          %dma_wait3A_119 = tpu.memref_slice %arg2[%dma_wait3A_117, %dma_wait3A_118] : memref<10000x128xf32, #tpu.memory_space<hbm>> -> memref<10000x128xf32, #tpu.memory_space<hbm>>
          tpu.wait_indirect_dma semaphore(%arg13 : memref<!tpu.dma_semaphore, #tpu.memory_space<semaphore_mem>>) src(%dma_wait3A_119 : memref<10000x128xf32, #tpu.memory_space<hbm>>) dst(%arg11 : memref<128x128xf32, #tpu.memory_space<vmem>>)
          "tpu.region"() ({
            %run_scoped3A_135 = tpu.sem_alloc : memref<!tpu.dma_semaphore, #tpu.memory_space<semaphore_mem>>
            %dma_start3A_136 = arith.constant 0 : i32
            %dma_start3A_137 = tpu.memref_slice %arg10[%mul3A_106, %dma_start3A_136] : memref<40x128xi32, #tpu.memory_space<vmem>> -> memref<1x128xi32, #tpu.memory_space<vmem>>
            %dma_start3A_138 = tpu.memref_squeeze %dma_start3A_137 : memref<1x128xi32, #tpu.memory_space<vmem>> -> memref<128xi32, #tpu.memory_space<vmem>>
            %dma_start3A_139 = arith.constant 0 : i32
            %dma_start3A_140 = arith.constant 0 : i32
            %dma_start3A_141 = tpu.memref_slice %arg8[%dma_start3A_139, %dma_start3A_140] : memref<10000x128xf32, #tpu.memory_space<vmem_shared>> -> memref<10000x128xf32, #tpu.memory_space<vmem_shared>>
            tpu.enqueue_indirect_dma source(%arg11 : memref<128x128xf32, #tpu.memory_space<vmem>>) target(%dma_start3A_141 : memref<10000x128xf32, #tpu.memory_space<vmem_shared>>) offsets(%dma_start3A_138 : memref<128xi32, #tpu.memory_space<vmem>>) semaphore(%run_scoped3A_135 : memref<!tpu.dma_semaphore, #tpu.memory_space<semaphore_mem>>) {add = true}
            %dma_wait3A_142 = arith.constant 0 : i32
            %dma_wait3A_143 = tpu.memref_slice %arg10[%mul3A_106, %dma_wait3A_142] : memref<40x128xi32, #tpu.memory_space<vmem>> -> memref<1x128xi32, #tpu.memory_space<vmem>>
            %dma_wait3A_144 = tpu.memref_squeeze %dma_wait3A_143 : memref<1x128xi32, #tpu.memory_space<vmem>> -> memref<128xi32, #tpu.memory_space<vmem>>
            %dma_wait3A_145 = arith.constant 0 : i32
            %dma_wait3A_146 = arith.constant 0 : i32
            %dma_wait3A_147 = tpu.memref_slice %arg8[%dma_wait3A_145, %dma_wait3A_146] : memref<10000x128xf32, #tpu.memory_space<vmem_shared>> -> memref<10000x128xf32, #tpu.memory_space<vmem_shared>>
            tpu.wait_indirect_dma semaphore(%run_scoped3A_135 : memref<!tpu.dma_semaphore, #tpu.memory_space<semaphore_mem>>) src(%arg11 : memref<128x128xf32, #tpu.memory_space<vmem>>) dst(%dma_wait3A_147 : memref<10000x128xf32, #tpu.memory_space<vmem_shared>>)
            tpu.yield
          }) : () -> ()
          %add3A_120 = arith.constant 1 : i32
          %add3A_121 = arith.addi %while3A_104, %add3A_120 : i32
          %lt3A = arith.cmpi slt, %add3A_121, %select_n3A_86 : i32
          %convert_element_type3A_122 = arith.extui %lt3A : i1 to i32
          %cond3A_123 = arith.constant 0 : i32
          %cond3A_124 = arith.cmpi ne, %convert_element_type3A_122, %cond3A_123 : i32
          scf.if %cond3A_124 {
            %add3A_135 = arith.constant 2 : i32
            %add3A_136 = arith.addi %mul3A_106, %add3A_135 : i32
            %dma_start3A_137 = arith.constant 0 : i32
            %dma_start3A_138 = tpu.memref_slice %arg9[%add3A_136, %dma_start3A_137] : memref<40x128xi32, #tpu.memory_space<vmem>> -> memref<1x128xi32, #tpu.memory_space<vmem>>
            %dma_start3A_139 = tpu.memref_squeeze %dma_start3A_138 : memref<1x128xi32, #tpu.memory_space<vmem>> -> memref<128xi32, #tpu.memory_space<vmem>>
            %dma_start3A_140 = arith.constant 0 : i32
            %dma_start3A_141 = arith.constant 0 : i32
            %dma_start3A_142 = tpu.memref_slice %arg2[%dma_start3A_140, %dma_start3A_141] : memref<10000x128xf32, #tpu.memory_space<hbm>> -> memref<10000x128xf32, #tpu.memory_space<hbm>>
            tpu.enqueue_indirect_dma source(%dma_start3A_142 : memref<10000x128xf32, #tpu.memory_space<hbm>>) target(%arg11 : memref<128x128xf32, #tpu.memory_space<vmem>>) offsets(%dma_start3A_139 : memref<128xi32, #tpu.memory_space<vmem>>) semaphore(%arg13 : memref<!tpu.dma_semaphore, #tpu.memory_space<semaphore_mem>>)
          } else {
          }
          %add3A_125 = arith.constant 1 : i32
          %add3A_126 = arith.addi %mul3A_106, %add3A_125 : i32
          %dma_wait3A_127 = arith.constant 0 : i32
          %dma_wait3A_128 = tpu.memref_slice %arg9[%add3A_126, %dma_wait3A_127] : memref<40x128xi32, #tpu.memory_space<vmem>> -> memref<1x128xi32, #tpu.memory_space<vmem>>
          %dma_wait3A_129 = tpu.memref_squeeze %dma_wait3A_128 : memref<1x128xi32, #tpu.memory_space<vmem>> -> memref<128xi32, #tpu.memory_space<vmem>>
          %dma_wait3A_130 = arith.constant 0 : i32
          %dma_wait3A_131 = arith.constant 0 : i32
          %dma_wait3A_132 = tpu.memref_slice %arg2[%dma_wait3A_130, %dma_wait3A_131] : memref<10000x128xf32, #tpu.memory_space<hbm>> -> memref<10000x128xf32, #tpu.memory_space<hbm>>
          tpu.wait_indirect_dma semaphore(%arg14 : memref<!tpu.dma_semaphore, #tpu.memory_space<semaphore_mem>>) src(%dma_wait3A_132 : memref<10000x128xf32, #tpu.memory_space<hbm>>) dst(%arg12 : memref<128x128xf32, #tpu.memory_space<vmem>>)
          %add3A_133 = arith.constant 1 : i32
          %add3A_134 = arith.addi %mul3A_106, %add3A_133 : i32
          "tpu.region"() ({
            %run_scoped3A_135 = tpu.sem_alloc : memref<!tpu.dma_semaphore, #tpu.memory_space<semaphore_mem>>
            %dma_start3A_136 = arith.constant 0 : i32
            %dma_start3A_137 = tpu.memref_slice %arg10[%add3A_134, %dma_start3A_136] : memref<40x128xi32, #tpu.memory_space<vmem>> -> memref<1x128xi32, #tpu.memory_space<vmem>>
            %dma_start3A_138 = tpu.memref_squeeze %dma_start3A_137 : memref<1x128xi32, #tpu.memory_space<vmem>> -> memref<128xi32, #tpu.memory_space<vmem>>
            %dma_start3A_139 = arith.constant 0 : i32
            %dma_start3A_140 = arith.constant 0 : i32
            %dma_start3A_141 = tpu.memref_slice %arg8[%dma_start3A_139, %dma_start3A_140] : memref<10000x128xf32, #tpu.memory_space<vmem_shared>> -> memref<10000x128xf32, #tpu.memory_space<vmem_shared>>
            tpu.enqueue_indirect_dma source(%arg12 : memref<128x128xf32, #tpu.memory_space<vmem>>) target(%dma_start3A_141 : memref<10000x128xf32, #tpu.memory_space<vmem_shared>>) offsets(%dma_start3A_138 : memref<128xi32, #tpu.memory_space<vmem>>) semaphore(%run_scoped3A_135 : memref<!tpu.dma_semaphore, #tpu.memory_space<semaphore_mem>>) {add = true}
            %dma_wait3A_142 = arith.constant 0 : i32
            %dma_wait3A_143 = tpu.memref_slice %arg10[%add3A_134, %dma_wait3A_142] : memref<40x128xi32, #tpu.memory_space<vmem>> -> memref<1x128xi32, #tpu.memory_space<vmem>>
            %dma_wait3A_144 = tpu.memref_squeeze %dma_wait3A_143 : memref<1x128xi32, #tpu.memory_space<vmem>> -> memref<128xi32, #tpu.memory_space<vmem>>
            %dma_wait3A_145 = arith.constant 0 : i32
            %dma_wait3A_146 = arith.constant 0 : i32
            %dma_wait3A_147 = tpu.memref_slice %arg8[%dma_wait3A_145, %dma_wait3A_146] : memref<10000x128xf32, #tpu.memory_space<vmem_shared>> -> memref<10000x128xf32, #tpu.memory_space<vmem_shared>>
            tpu.wait_indirect_dma semaphore(%run_scoped3A_135 : memref<!tpu.dma_semaphore, #tpu.memory_space<semaphore_mem>>) src(%arg12 : memref<128x128xf32, #tpu.memory_space<vmem>>) dst(%dma_wait3A_147 : memref<10000x128xf32, #tpu.memory_space<vmem_shared>>)
            tpu.yield
          }) : () -> ()
        }
        %while3A_103 = arith.constant 1 : i32
        scf.for %while3A_104 = %while3A_101 to %while3A_97 step %while3A_103  : i32 {
          %mul3A_105 = arith.constant 2 : i32
          %mul3A_106 = arith.muli %while3A_104, %mul3A_105 : i32
          %add3A_107 = arith.constant 1 : i32
          %add3A_108 = arith.addi %mul3A_106, %add3A_107 : i32
          %dma_start3A_109 = arith.constant 0 : i32
          %dma_start3A_110 = tpu.memref_slice %arg9[%add3A_108, %dma_start3A_109] : memref<40x128xi32, #tpu.memory_space<vmem>> -> memref<1x128xi32, #tpu.memory_space<vmem>>
          %dma_start3A_111 = tpu.memref_squeeze %dma_start3A_110 : memref<1x128xi32, #tpu.memory_space<vmem>> -> memref<128xi32, #tpu.memory_space<vmem>>
          %dma_start3A_112 = arith.constant 0 : i32
          %dma_start3A_113 = arith.constant 0 : i32
          %dma_start3A_114 = tpu.memref_slice %arg2[%dma_start3A_112, %dma_start3A_113] : memref<10000x128xf32, #tpu.memory_space<hbm>> -> memref<10000x128xf32, #tpu.memory_space<hbm>>
          tpu.enqueue_indirect_dma source(%dma_start3A_114 : memref<10000x128xf32, #tpu.memory_space<hbm>>) target(%arg12 : memref<128x128xf32, #tpu.memory_space<vmem>>) offsets(%dma_start3A_111 : memref<128xi32, #tpu.memory_space<vmem>>) semaphore(%arg14 : memref<!tpu.dma_semaphore, #tpu.memory_space<semaphore_mem>>)
          %dma_wait3A = arith.constant 0 : i32
          %dma_wait3A_115 = tpu.memref_slice %arg9[%mul3A_106, %dma_wait3A] : memref<40x128xi32, #tpu.memory_space<vmem>> -> memref<1x128xi32, #tpu.memory_space<vmem>>
          %dma_wait3A_116 = tpu.memref_squeeze %dma_wait3A_115 : memref<1x128xi32, #tpu.memory_space<vmem>> -> memref<128xi32, #tpu.memory_space<vmem>>
          %dma_wait3A_117 = arith.constant 0 : i32
          %dma_wait3A_118 = arith.constant 0 : i32
          %dma_wait3A_119 = tpu.memref_slice %arg2[%dma_wait3A_117, %dma_wait3A_118] : memref<10000x128xf32, #tpu.memory_space<hbm>> -> memref<10000x128xf32, #tpu.memory_space<hbm>>
          tpu.wait_indirect_dma semaphore(%arg13 : memref<!tpu.dma_semaphore, #tpu.memory_space<semaphore_mem>>) src(%dma_wait3A_119 : memref<10000x128xf32, #tpu.memory_space<hbm>>) dst(%arg11 : memref<128x128xf32, #tpu.memory_space<vmem>>)
          "tpu.region"() ({
            %run_scoped3A_135 = tpu.sem_alloc : memref<!tpu.dma_semaphore, #tpu.memory_space<semaphore_mem>>
            %dma_start3A_136 = arith.constant 0 : i32
            %dma_start3A_137 = tpu.memref_slice %arg10[%mul3A_106, %dma_start3A_136] : memref<40x128xi32, #tpu.memory_space<vmem>> -> memref<1x128xi32, #tpu.memory_space<vmem>>
            %dma_start3A_138 = tpu.memref_squeeze %dma_start3A_137 : memref<1x128xi32, #tpu.memory_space<vmem>> -> memref<128xi32, #tpu.memory_space<vmem>>
            %dma_start3A_139 = arith.constant 0 : i32
            %dma_start3A_140 = arith.constant 0 : i32
            %dma_start3A_141 = tpu.memref_slice %arg8[%dma_start3A_139, %dma_start3A_140] : memref<10000x128xf32, #tpu.memory_space<vmem_shared>> -> memref<10000x128xf32, #tpu.memory_space<vmem_shared>>
            tpu.enqueue_indirect_dma source(%arg11 : memref<128x128xf32, #tpu.memory_space<vmem>>) target(%dma_start3A_141 : memref<10000x128xf32, #tpu.memory_space<vmem_shared>>) offsets(%dma_start3A_138 : memref<128xi32, #tpu.memory_space<vmem>>) semaphore(%run_scoped3A_135 : memref<!tpu.dma_semaphore, #tpu.memory_space<semaphore_mem>>) {add = true}
            %dma_wait3A_142 = arith.constant 0 : i32
            %dma_wait3A_143 = tpu.memref_slice %arg10[%mul3A_106, %dma_wait3A_142] : memref<40x128xi32, #tpu.memory_space<vmem>> -> memref<1x128xi32, #tpu.memory_space<vmem>>
            %dma_wait3A_144 = tpu.memref_squeeze %dma_wait3A_143 : memref<1x128xi32, #tpu.memory_space<vmem>> -> memref<128xi32, #tpu.memory_space<vmem>>
            %dma_wait3A_145 = arith.constant 0 : i32
            %dma_wait3A_146 = arith.constant 0 : i32
            %dma_wait3A_147 = tpu.memref_slice %arg8[%dma_wait3A_145, %dma_wait3A_146] : memref<10000x128xf32, #tpu.memory_space<vmem_shared>> -> memref<10000x128xf32, #tpu.memory_space<vmem_shared>>
            tpu.wait_indirect_dma semaphore(%run_scoped3A_135 : memref<!tpu.dma_semaphore, #tpu.memory_space<semaphore_mem>>) src(%arg11 : memref<128x128xf32, #tpu.memory_space<vmem>>) dst(%dma_wait3A_147 : memref<10000x128xf32, #tpu.memory_space<vmem_shared>>)
            tpu.yield
          }) : () -> ()
          %add3A_120 = arith.constant 1 : i32
          %add3A_121 = arith.addi %while3A_104, %add3A_120 : i32
          %lt3A = arith.cmpi slt, %add3A_121, %select_n3A_86 : i32
          %convert_element_type3A_122 = arith.extui %lt3A : i1 to i32
          %cond3A_123 = arith.constant 0 : i32
          %cond3A_124 = arith.cmpi ne, %convert_element_type3A_122, %cond3A_123 : i32
          scf.if %cond3A_124 {
            %add3A_135 = arith.constant 2 : i32
            %add3A_136 = arith.addi %mul3A_106, %add3A_135 : i32
            %dma_start3A_137 = arith.constant 0 : i32
            %dma_start3A_138 = tpu.memref_slice %arg9[%add3A_136, %dma_start3A_137] : memref<40x128xi32, #tpu.memory_space<vmem>> -> memref<1x128xi32, #tpu.memory_space<vmem>>
            %dma_start3A_139 = tpu.memref_squeeze %dma_start3A_138 : memref<1x128xi32, #tpu.memory_space<vmem>> -> memref<128xi32, #tpu.memory_space<vmem>>
            %dma_start3A_140 = arith.constant 0 : i32
            %dma_start3A_141 = arith.constant 0 : i32
            %dma_start3A_142 = tpu.memref_slice %arg2[%dma_start3A_140, %dma_start3A_141] : memref<10000x128xf32, #tpu.memory_space<hbm>> -> memref<10000x128xf32, #tpu.memory_space<hbm>>
            tpu.enqueue_indirect_dma source(%dma_start3A_142 : memref<10000x128xf32, #tpu.memory_space<hbm>>) target(%arg11 : memref<128x128xf32, #tpu.memory_space<vmem>>) offsets(%dma_start3A_139 : memref<128xi32, #tpu.memory_space<vmem>>) semaphore(%arg13 : memref<!tpu.dma_semaphore, #tpu.memory_space<semaphore_mem>>)
          } else {
          }
          %add3A_125 = arith.constant 1 : i32
          %add3A_126 = arith.addi %mul3A_106, %add3A_125 : i32
          %dma_wait3A_127 = arith.constant 0 : i32
          %dma_wait3A_128 = tpu.memref_slice %arg9[%add3A_126, %dma_wait3A_127] : memref<40x128xi32, #tpu.memory_space<vmem>> -> memref<1x128xi32, #tpu.memory_space<vmem>>
          %dma_wait3A_129 = tpu.memref_squeeze %dma_wait3A_128 : memref<1x128xi32, #tpu.memory_space<vmem>> -> memref<128xi32, #tpu.memory_space<vmem>>
          %dma_wait3A_130 = arith.constant 0 : i32
          %dma_wait3A_131 = arith.constant 0 : i32
          %dma_wait3A_132 = tpu.memref_slice %arg2[%dma_wait3A_130, %dma_wait3A_131] : memref<10000x128xf32, #tpu.memory_space<hbm>> -> memref<10000x128xf32, #tpu.memory_space<hbm>>
          tpu.wait_indirect_dma semaphore(%arg14 : memref<!tpu.dma_semaphore, #tpu.memory_space<semaphore_mem>>) src(%dma_wait3A_132 : memref<10000x128xf32, #tpu.memory_space<hbm>>) dst(%arg12 : memref<128x128xf32, #tpu.memory_space<vmem>>)
          %add3A_133 = arith.constant 1 : i32
          %add3A_134 = arith.addi %mul3A_106, %add3A_133 : i32
          "tpu.region"() ({
            %run_scoped3A_135 = tpu.sem_alloc : memref<!tpu.dma_semaphore, #tpu.memory_space<semaphore_mem>>
            %dma_start3A_136 = arith.constant 0 : i32
            %dma_start3A_137 = tpu.memref_slice %arg10[%add3A_134, %dma_start3A_136] : memref<40x128xi32, #tpu.memory_space<vmem>> -> memref<1x128xi32, #tpu.memory_space<vmem>>
            %dma_start3A_138 = tpu.memref_squeeze %dma_start3A_137 : memref<1x128xi32, #tpu.memory_space<vmem>> -> memref<128xi32, #tpu.memory_space<vmem>>
            %dma_start3A_139 = arith.constant 0 : i32
            %dma_start3A_140 = arith.constant 0 : i32
            %dma_start3A_141 = tpu.memref_slice %arg8[%dma_start3A_139, %dma_start3A_140] : memref<10000x128xf32, #tpu.memory_space<vmem_shared>> -> memref<10000x128xf32, #tpu.memory_space<vmem_shared>>
            tpu.enqueue_indirect_dma source(%arg12 : memref<128x128xf32, #tpu.memory_space<vmem>>) target(%dma_start3A_141 : memref<10000x128xf32, #tpu.memory_space<vmem_shared>>) offsets(%dma_start3A_138 : memref<128xi32, #tpu.memory_space<vmem>>) semaphore(%run_scoped3A_135 : memref<!tpu.dma_semaphore, #tpu.memory_space<semaphore_mem>>) {add = true}
            %dma_wait3A_142 = arith.constant 0 : i32
            %dma_wait3A_143 = tpu.memref_slice %arg10[%add3A_134, %dma_wait3A_142] : memref<40x128xi32, #tpu.memory_space<vmem>> -> memref<1x128xi32, #tpu.memory_space<vmem>>
            %dma_wait3A_144 = tpu.memref_squeeze %dma_wait3A_143 : memref<1x128xi32, #tpu.memory_space<vmem>> -> memref<128xi32, #tpu.memory_space<vmem>>
            %dma_wait3A_145 = arith.constant 0 : i32
            %dma_wait3A_146 = arith.constant 0 : i32
            %dma_wait3A_147 = tpu.memref_slice %arg8[%dma_wait3A_145, %dma_wait3A_146] : memref<10000x128xf32, #tpu.memory_space<vmem_shared>> -> memref<10000x128xf32, #tpu.memory_space<vmem_shared>>
            tpu.wait_indirect_dma semaphore(%run_scoped3A_135 : memref<!tpu.dma_semaphore, #tpu.memory_space<semaphore_mem>>) src(%arg12 : memref<128x128xf32, #tpu.memory_space<vmem>>) dst(%dma_wait3A_147 : memref<10000x128xf32, #tpu.memory_space<vmem_shared>>)
            tpu.yield
          }) : () -> ()
        }
      }
      %while3A_54 = arith.constant 1 : i32
      scf.for %while3A_55 = %while3A_52 to %while3A_48 step %while3A_54  : i32 {
        %mul3A_56 = arith.constant 40 : i32
        %mul3A_57 = arith.muli %while3A_55, %mul3A_56 : i32
        %add3A_58 = arith.addi %mul3A_2, %mul3A_57 : i32
        %multiple_of3A = tpu.assume_multiple %add3A_58, 8 : i32
        %mul3A_59 = arith.constant 40 : i32
        %mul3A_60 = arith.muli %while3A_55, %mul3A_59 : i32
        %sub3A_61 = arith.subi %select_n3A, %mul3A_60 : i32
        %min3A = arith.constant 40 : i32
        %min3A_62 = arith.minsi %min3A, %sub3A_61 : i32
        %jit3A_63 = arith.constant 2 : i32
        %div3A_64 = arith.divsi %min3A_62, %jit3A_63 : i32
        %sign3A_65 = arith.constant 0 : i32
        %sign3A_66 = arith.cmpi sgt, %min3A_62, %sign3A_65 : i32
        %sign3A_67 = arith.extui %sign3A_66 : i1 to i32
        %sign3A_68 = arith.constant 0 : i32
        %sign3A_69 = arith.cmpi slt, %min3A_62, %sign3A_68 : i32
        %sign3A_70 = arith.extui %sign3A_69 : i1 to i32
        %sign3A_71 = arith.subi %sign3A_67, %sign3A_70 : i32
        %sign3A_72 = arith.constant 0 : i32
        %sign3A_73 = arith.cmpi sgt, %jit3A_63, %sign3A_72 : i32
        %sign3A_74 = arith.extui %sign3A_73 : i1 to i32
        %sign3A_75 = arith.constant 0 : i32
        %sign3A_76 = arith.cmpi slt, %jit3A_63, %sign3A_75 : i32
        %sign3A_77 = arith.extui %sign3A_76 : i1 to i32
        %sign3A_78 = arith.subi %sign3A_74, %sign3A_77 : i32
        %ne3A_79 = arith.cmpi ne, %sign3A_71, %sign3A_78 : i32
        %rem3A_80 = arith.remsi %min3A_62, %jit3A_63 : i32
        %ne3A_81 = arith.constant 0 : i32
        %ne3A_82 = arith.cmpi ne, %rem3A_80, %ne3A_81 : i32
        %and3A_83 = arith.andi %ne3A_79, %ne3A_82 : i1
        %sub3A_84 = arith.constant 1 : i32
        %sub3A_85 = arith.subi %div3A_64, %sub3A_84 : i32
        %select_n3A_86 = arith.select %and3A_83, %sub3A_85, %div3A_64 : i32
        %run_scoped3A = arith.constant 0 : i32
        "tpu.region"() ({
          %run_scoped3A_104 = tpu.sem_alloc : memref<!tpu.dma_semaphore, #tpu.memory_space<semaphore_mem>>
          %dma_start3A_105 = arith.constant 0 : i32
          %dma_start3A_106 = tpu.memref_slice %arg4[%run_scoped3A, %multiple_of3A, %dma_start3A_105] : memref<2x2560x128xi32, #tpu.memory_space<hbm>> -> memref<1x40x128xi32, #tpu.memory_space<hbm>>
          %dma_start3A_107 = tpu.memref_squeeze %dma_start3A_106 : memref<1x40x128xi32, #tpu.memory_space<hbm>> -> memref<40x128xi32, #tpu.memory_space<hbm>>
          %dma_start3A_108 = arith.constant 0 : i32
          %dma_start3A_109 = tpu.memref_slice %arg4[%run_scoped3A, %multiple_of3A, %dma_start3A_108] : memref<2x2560x128xi32, #tpu.memory_space<hbm>> -> memref<1x40x128xi32, #tpu.memory_space<hbm>>
          %dma_start3A_110 = tpu.memref_squeeze %dma_start3A_109 : memref<1x40x128xi32, #tpu.memory_space<hbm>> -> memref<40x128xi32, #tpu.memory_space<hbm>>
          tpu.enqueue_dma source(%dma_start3A_110 : memref<40x128xi32, #tpu.memory_space<hbm>>) target(%arg9 : memref<40x128xi32, #tpu.memory_space<vmem>>) target_semaphore(%run_scoped3A_104 : memref<!tpu.dma_semaphore, #tpu.memory_space<semaphore_mem>>)
          %dma_wait3A = arith.constant 0 : i32
          %dma_wait3A_111 = tpu.memref_slice %arg4[%run_scoped3A, %multiple_of3A, %dma_wait3A] : memref<2x2560x128xi32, #tpu.memory_space<hbm>> -> memref<1x40x128xi32, #tpu.memory_space<hbm>>
          %dma_wait3A_112 = tpu.memref_squeeze %dma_wait3A_111 : memref<1x40x128xi32, #tpu.memory_space<hbm>> -> memref<40x128xi32, #tpu.memory_space<hbm>>
          %dma_wait3A_113 = arith.constant 0 : i32
          %dma_wait3A_114 = tpu.memref_slice %arg4[%run_scoped3A, %multiple_of3A, %dma_wait3A_113] : memref<2x2560x128xi32, #tpu.memory_space<hbm>> -> memref<1x40x128xi32, #tpu.memory_space<hbm>>
          %dma_wait3A_115 = tpu.memref_squeeze %dma_wait3A_114 : memref<1x40x128xi32, #tpu.memory_space<hbm>> -> memref<40x128xi32, #tpu.memory_space<hbm>>
          tpu.wait_dma2 semaphore(%run_scoped3A_104 : memref<!tpu.dma_semaphore, #tpu.memory_space<semaphore_mem>>) src(%dma_wait3A_115 : memref<40x128xi32, #tpu.memory_space<hbm>>) dst(%arg9 : memref<40x128xi32, #tpu.memory_space<vmem>>)
          tpu.yield
        }) : () -> ()
        %run_scoped3A_87 = arith.constant 1 : i32
        "tpu.region"() ({
          %run_scoped3A_104 = tpu.sem_alloc : memref<!tpu.dma_semaphore, #tpu.memory_space<semaphore_mem>>
          %dma_start3A_105 = arith.constant 0 : i32
          %dma_start3A_106 = tpu.memref_slice %arg4[%run_scoped3A_87, %multiple_of3A, %dma_start3A_105] : memref<2x2560x128xi32, #tpu.memory_space<hbm>> -> memref<1x40x128xi32, #tpu.memory_space<hbm>>
          %dma_start3A_107 = tpu.memref_squeeze %dma_start3A_106 : memref<1x40x128xi32, #tpu.memory_space<hbm>> -> memref<40x128xi32, #tpu.memory_space<hbm>>
          %dma_start3A_108 = arith.constant 0 : i32
          %dma_start3A_109 = tpu.memref_slice %arg4[%run_scoped3A_87, %multiple_of3A, %dma_start3A_108] : memref<2x2560x128xi32, #tpu.memory_space<hbm>> -> memref<1x40x128xi32, #tpu.memory_space<hbm>>
          %dma_start3A_110 = tpu.memref_squeeze %dma_start3A_109 : memref<1x40x128xi32, #tpu.memory_space<hbm>> -> memref<40x128xi32, #tpu.memory_space<hbm>>
          tpu.enqueue_dma source(%dma_start3A_110 : memref<40x128xi32, #tpu.memory_space<hbm>>) target(%arg10 : memref<40x128xi32, #tpu.memory_space<vmem>>) target_semaphore(%run_scoped3A_104 : memref<!tpu.dma_semaphore, #tpu.memory_space<semaphore_mem>>)
          %dma_wait3A = arith.constant 0 : i32
          %dma_wait3A_111 = tpu.memref_slice %arg4[%run_scoped3A_87, %multiple_of3A, %dma_wait3A] : memref<2x2560x128xi32, #tpu.memory_space<hbm>> -> memref<1x40x128xi32, #tpu.memory_space<hbm>>
          %dma_wait3A_112 = tpu.memref_squeeze %dma_wait3A_111 : memref<1x40x128xi32, #tpu.memory_space<hbm>> -> memref<40x128xi32, #tpu.memory_space<hbm>>
          %dma_wait3A_113 = arith.constant 0 : i32
          %dma_wait3A_114 = tpu.memref_slice %arg4[%run_scoped3A_87, %multiple_of3A, %dma_wait3A_113] : memref<2x2560x128xi32, #tpu.memory_space<hbm>> -> memref<1x40x128xi32, #tpu.memory_space<hbm>>
          %dma_wait3A_115 = tpu.memref_squeeze %dma_wait3A_114 : memref<1x40x128xi32, #tpu.memory_space<hbm>> -> memref<40x128xi32, #tpu.memory_space<hbm>>
          tpu.wait_dma2 semaphore(%run_scoped3A_104 : memref<!tpu.dma_semaphore, #tpu.memory_space<semaphore_mem>>) src(%dma_wait3A_115 : memref<40x128xi32, #tpu.memory_space<hbm>>) dst(%arg10 : memref<40x128xi32, #tpu.memory_space<vmem>>)
          tpu.yield
        }) : () -> ()
        %dma_start3A = arith.constant 0 : i32
        %dma_start3A_88 = arith.constant 0 : i32
        %dma_start3A_89 = tpu.memref_slice %arg9[%dma_start3A, %dma_start3A_88] : memref<40x128xi32, #tpu.memory_space<vmem>> -> memref<1x128xi32, #tpu.memory_space<vmem>>
        %dma_start3A_90 = tpu.memref_squeeze %dma_start3A_89 : memref<1x128xi32, #tpu.memory_space<vmem>> -> memref<128xi32, #tpu.memory_space<vmem>>
        %dma_start3A_91 = arith.constant 0 : i32
        %dma_start3A_92 = arith.constant 0 : i32
        %dma_start3A_93 = tpu.memref_slice %arg2[%dma_start3A_91, %dma_start3A_92] : memref<10000x128xf32, #tpu.memory_space<hbm>> -> memref<10000x128xf32, #tpu.memory_space<hbm>>
        tpu.enqueue_indirect_dma source(%dma_start3A_93 : memref<10000x128xf32, #tpu.memory_space<hbm>>) target(%arg11 : memref<128x128xf32, #tpu.memory_space<vmem>>) offsets(%dma_start3A_90 : memref<128xi32, #tpu.memory_space<vmem>>) semaphore(%arg13 : memref<!tpu.dma_semaphore, #tpu.memory_space<semaphore_mem>>)
        %while3A_94 = arith.constant 0 : i32
        %while3A_95 = arith.constant 0 : i32
        %while3A_96 = arith.subi %select_n3A_86, %while3A_95 : i32
        %while3A_97 = arith.addi %while3A_95, %while3A_96 : i32
        %while3A_98 = arith.constant 1 : i32
        %while3A_99 = arith.divsi %while3A_96, %while3A_98 : i32
        %while3A_100 = arith.muli %while3A_99, %while3A_98 : i32
        %while3A_101 = arith.addi %while3A_95, %while3A_100 : i32
        %while3A_102 = arith.constant 1 : i32
        scf.for %while3A_104 = %while3A_95 to %while3A_101 step %while3A_102  : i32 {
          %mul3A_105 = arith.constant 2 : i32
          %mul3A_106 = arith.muli %while3A_104, %mul3A_105 : i32
          %add3A_107 = arith.constant 1 : i32
          %add3A_108 = arith.addi %mul3A_106, %add3A_107 : i32
          %dma_start3A_109 = arith.constant 0 : i32
          %dma_start3A_110 = tpu.memref_slice %arg9[%add3A_108, %dma_start3A_109] : memref<40x128xi32, #tpu.memory_space<vmem>> -> memref<1x128xi32, #tpu.memory_space<vmem>>
          %dma_start3A_111 = tpu.memref_squeeze %dma_start3A_110 : memref<1x128xi32, #tpu.memory_space<vmem>> -> memref<128xi32, #tpu.memory_space<vmem>>
          %dma_start3A_112 = arith.constant 0 : i32
          %dma_start3A_113 = arith.constant 0 : i32
          %dma_start3A_114 = tpu.memref_slice %arg2[%dma_start3A_112, %dma_start3A_113] : memref<10000x128xf32, #tpu.memory_space<hbm>> -> memref<10000x128xf32, #tpu.memory_space<hbm>>
          tpu.enqueue_indirect_dma source(%dma_start3A_114 : memref<10000x128xf32, #tpu.memory_space<hbm>>) target(%arg12 : memref<128x128xf32, #tpu.memory_space<vmem>>) offsets(%dma_start3A_111 : memref<128xi32, #tpu.memory_space<vmem>>) semaphore(%arg14 : memref<!tpu.dma_semaphore, #tpu.memory_space<semaphore_mem>>)
          %dma_wait3A = arith.constant 0 : i32
          %dma_wait3A_115 = tpu.memref_slice %arg9[%mul3A_106, %dma_wait3A] : memref<40x128xi32, #tpu.memory_space<vmem>> -> memref<1x128xi32, #tpu.memory_space<vmem>>
          %dma_wait3A_116 = tpu.memref_squeeze %dma_wait3A_115 : memref<1x128xi32, #tpu.memory_space<vmem>> -> memref<128xi32, #tpu.memory_space<vmem>>
          %dma_wait3A_117 = arith.constant 0 : i32
          %dma_wait3A_118 = arith.constant 0 : i32
          %dma_wait3A_119 = tpu.memref_slice %arg2[%dma_wait3A_117, %dma_wait3A_118] : memref<10000x128xf32, #tpu.memory_space<hbm>> -> memref<10000x128xf32, #tpu.memory_space<hbm>>
          tpu.wait_indirect_dma semaphore(%arg13 : memref<!tpu.dma_semaphore, #tpu.memory_space<semaphore_mem>>) src(%dma_wait3A_119 : memref<10000x128xf32, #tpu.memory_space<hbm>>) dst(%arg11 : memref<128x128xf32, #tpu.memory_space<vmem>>)
          "tpu.region"() ({
            %run_scoped3A_135 = tpu.sem_alloc : memref<!tpu.dma_semaphore, #tpu.memory_space<semaphore_mem>>
            %dma_start3A_136 = arith.constant 0 : i32
            %dma_start3A_137 = tpu.memref_slice %arg10[%mul3A_106, %dma_start3A_136] : memref<40x128xi32, #tpu.memory_space<vmem>> -> memref<1x128xi32, #tpu.memory_space<vmem>>
            %dma_start3A_138 = tpu.memref_squeeze %dma_start3A_137 : memref<1x128xi32, #tpu.memory_space<vmem>> -> memref<128xi32, #tpu.memory_space<vmem>>
            %dma_start3A_139 = arith.constant 0 : i32
            %dma_start3A_140 = arith.constant 0 : i32
            %dma_start3A_141 = tpu.memref_slice %arg8[%dma_start3A_139, %dma_start3A_140] : memref<10000x128xf32, #tpu.memory_space<vmem_shared>> -> memref<10000x128xf32, #tpu.memory_space<vmem_shared>>
            tpu.enqueue_indirect_dma source(%arg11 : memref<128x128xf32, #tpu.memory_space<vmem>>) target(%dma_start3A_141 : memref<10000x128xf32, #tpu.memory_space<vmem_shared>>) offsets(%dma_start3A_138 : memref<128xi32, #tpu.memory_space<vmem>>) semaphore(%run_scoped3A_135 : memref<!tpu.dma_semaphore, #tpu.memory_space<semaphore_mem>>) {add = true}
            %dma_wait3A_142 = arith.constant 0 : i32
            %dma_wait3A_143 = tpu.memref_slice %arg10[%mul3A_106, %dma_wait3A_142] : memref<40x128xi32, #tpu.memory_space<vmem>> -> memref<1x128xi32, #tpu.memory_space<vmem>>
            %dma_wait3A_144 = tpu.memref_squeeze %dma_wait3A_143 : memref<1x128xi32, #tpu.memory_space<vmem>> -> memref<128xi32, #tpu.memory_space<vmem>>
            %dma_wait3A_145 = arith.constant 0 : i32
            %dma_wait3A_146 = arith.constant 0 : i32
            %dma_wait3A_147 = tpu.memref_slice %arg8[%dma_wait3A_145, %dma_wait3A_146] : memref<10000x128xf32, #tpu.memory_space<vmem_shared>> -> memref<10000x128xf32, #tpu.memory_space<vmem_shared>>
            tpu.wait_indirect_dma semaphore(%run_scoped3A_135 : memref<!tpu.dma_semaphore, #tpu.memory_space<semaphore_mem>>) src(%arg11 : memref<128x128xf32, #tpu.memory_space<vmem>>) dst(%dma_wait3A_147 : memref<10000x128xf32, #tpu.memory_space<vmem_shared>>)
            tpu.yield
          }) : () -> ()
          %add3A_120 = arith.constant 1 : i32
          %add3A_121 = arith.addi %while3A_104, %add3A_120 : i32
          %lt3A = arith.cmpi slt, %add3A_121, %select_n3A_86 : i32
          %convert_element_type3A_122 = arith.extui %lt3A : i1 to i32
          %cond3A_123 = arith.constant 0 : i32
          %cond3A_124 = arith.cmpi ne, %convert_element_type3A_122, %cond3A_123 : i32
          scf.if %cond3A_124 {
            %add3A_135 = arith.constant 2 : i32
            %add3A_136 = arith.addi %mul3A_106, %add3A_135 : i32
            %dma_start3A_137 = arith.constant 0 : i32
            %dma_start3A_138 = tpu.memref_slice %arg9[%add3A_136, %dma_start3A_137] : memref<40x128xi32, #tpu.memory_space<vmem>> -> memref<1x128xi32, #tpu.memory_space<vmem>>
            %dma_start3A_139 = tpu.memref_squeeze %dma_start3A_138 : memref<1x128xi32, #tpu.memory_space<vmem>> -> memref<128xi32, #tpu.memory_space<vmem>>
            %dma_start3A_140 = arith.constant 0 : i32
            %dma_start3A_141 = arith.constant 0 : i32
            %dma_start3A_142 = tpu.memref_slice %arg2[%dma_start3A_140, %dma_start3A_141] : memref<10000x128xf32, #tpu.memory_space<hbm>> -> memref<10000x128xf32, #tpu.memory_space<hbm>>
            tpu.enqueue_indirect_dma source(%dma_start3A_142 : memref<10000x128xf32, #tpu.memory_space<hbm>>) target(%arg11 : memref<128x128xf32, #tpu.memory_space<vmem>>) offsets(%dma_start3A_139 : memref<128xi32, #tpu.memory_space<vmem>>) semaphore(%arg13 : memref<!tpu.dma_semaphore, #tpu.memory_space<semaphore_mem>>)
          } else {
          }
          %add3A_125 = arith.constant 1 : i32
          %add3A_126 = arith.addi %mul3A_106, %add3A_125 : i32
          %dma_wait3A_127 = arith.constant 0 : i32
          %dma_wait3A_128 = tpu.memref_slice %arg9[%add3A_126, %dma_wait3A_127] : memref<40x128xi32, #tpu.memory_space<vmem>> -> memref<1x128xi32, #tpu.memory_space<vmem>>
          %dma_wait3A_129 = tpu.memref_squeeze %dma_wait3A_128 : memref<1x128xi32, #tpu.memory_space<vmem>> -> memref<128xi32, #tpu.memory_space<vmem>>
          %dma_wait3A_130 = arith.constant 0 : i32
          %dma_wait3A_131 = arith.constant 0 : i32
          %dma_wait3A_132 = tpu.memref_slice %arg2[%dma_wait3A_130, %dma_wait3A_131] : memref<10000x128xf32, #tpu.memory_space<hbm>> -> memref<10000x128xf32, #tpu.memory_space<hbm>>
          tpu.wait_indirect_dma semaphore(%arg14 : memref<!tpu.dma_semaphore, #tpu.memory_space<semaphore_mem>>) src(%dma_wait3A_132 : memref<10000x128xf32, #tpu.memory_space<hbm>>) dst(%arg12 : memref<128x128xf32, #tpu.memory_space<vmem>>)
          %add3A_133 = arith.constant 1 : i32
          %add3A_134 = arith.addi %mul3A_106, %add3A_133 : i32
          "tpu.region"() ({
            %run_scoped3A_135 = tpu.sem_alloc : memref<!tpu.dma_semaphore, #tpu.memory_space<semaphore_mem>>
            %dma_start3A_136 = arith.constant 0 : i32
            %dma_start3A_137 = tpu.memref_slice %arg10[%add3A_134, %dma_start3A_136] : memref<40x128xi32, #tpu.memory_space<vmem>> -> memref<1x128xi32, #tpu.memory_space<vmem>>
            %dma_start3A_138 = tpu.memref_squeeze %dma_start3A_137 : memref<1x128xi32, #tpu.memory_space<vmem>> -> memref<128xi32, #tpu.memory_space<vmem>>
            %dma_start3A_139 = arith.constant 0 : i32
            %dma_start3A_140 = arith.constant 0 : i32
            %dma_start3A_141 = tpu.memref_slice %arg8[%dma_start3A_139, %dma_start3A_140] : memref<10000x128xf32, #tpu.memory_space<vmem_shared>> -> memref<10000x128xf32, #tpu.memory_space<vmem_shared>>
            tpu.enqueue_indirect_dma source(%arg12 : memref<128x128xf32, #tpu.memory_space<vmem>>) target(%dma_start3A_141 : memref<10000x128xf32, #tpu.memory_space<vmem_shared>>) offsets(%dma_start3A_138 : memref<128xi32, #tpu.memory_space<vmem>>) semaphore(%run_scoped3A_135 : memref<!tpu.dma_semaphore, #tpu.memory_space<semaphore_mem>>) {add = true}
            %dma_wait3A_142 = arith.constant 0 : i32
            %dma_wait3A_143 = tpu.memref_slice %arg10[%add3A_134, %dma_wait3A_142] : memref<40x128xi32, #tpu.memory_space<vmem>> -> memref<1x128xi32, #tpu.memory_space<vmem>>
            %dma_wait3A_144 = tpu.memref_squeeze %dma_wait3A_143 : memref<1x128xi32, #tpu.memory_space<vmem>> -> memref<128xi32, #tpu.memory_space<vmem>>
            %dma_wait3A_145 = arith.constant 0 : i32
            %dma_wait3A_146 = arith.constant 0 : i32
            %dma_wait3A_147 = tpu.memref_slice %arg8[%dma_wait3A_145, %dma_wait3A_146] : memref<10000x128xf32, #tpu.memory_space<vmem_shared>> -> memref<10000x128xf32, #tpu.memory_space<vmem_shared>>
            tpu.wait_indirect_dma semaphore(%run_scoped3A_135 : memref<!tpu.dma_semaphore, #tpu.memory_space<semaphore_mem>>) src(%arg12 : memref<128x128xf32, #tpu.memory_space<vmem>>) dst(%dma_wait3A_147 : memref<10000x128xf32, #tpu.memory_space<vmem_shared>>)
            tpu.yield
          }) : () -> ()
        }
        %while3A_103 = arith.constant 1 : i32
        scf.for %while3A_104 = %while3A_101 to %while3A_97 step %while3A_103  : i32 {
          %mul3A_105 = arith.constant 2 : i32
          %mul3A_106 = arith.muli %while3A_104, %mul3A_105 : i32
          %add3A_107 = arith.constant 1 : i32
          %add3A_108 = arith.addi %mul3A_106, %add3A_107 : i32
          %dma_start3A_109 = arith.constant 0 : i32
          %dma_start3A_110 = tpu.memref_slice %arg9[%add3A_108, %dma_start3A_109] : memref<40x128xi32, #tpu.memory_space<vmem>> -> memref<1x128xi32, #tpu.memory_space<vmem>>
          %dma_start3A_111 = tpu.memref_squeeze %dma_start3A_110 : memref<1x128xi32, #tpu.memory_space<vmem>> -> memref<128xi32, #tpu.memory_space<vmem>>
          %dma_start3A_112 = arith.constant 0 : i32
          %dma_start3A_113 = arith.constant 0 : i32
          %dma_start3A_114 = tpu.memref_slice %arg2[%dma_start3A_112, %dma_start3A_113] : memref<10000x128xf32, #tpu.memory_space<hbm>> -> memref<10000x128xf32, #tpu.memory_space<hbm>>
          tpu.enqueue_indirect_dma source(%dma_start3A_114 : memref<10000x128xf32, #tpu.memory_space<hbm>>) target(%arg12 : memref<128x128xf32, #tpu.memory_space<vmem>>) offsets(%dma_start3A_111 : memref<128xi32, #tpu.memory_space<vmem>>) semaphore(%arg14 : memref<!tpu.dma_semaphore, #tpu.memory_space<semaphore_mem>>)
          %dma_wait3A = arith.constant 0 : i32
          %dma_wait3A_115 = tpu.memref_slice %arg9[%mul3A_106, %dma_wait3A] : memref<40x128xi32, #tpu.memory_space<vmem>> -> memref<1x128xi32, #tpu.memory_space<vmem>>
          %dma_wait3A_116 = tpu.memref_squeeze %dma_wait3A_115 : memref<1x128xi32, #tpu.memory_space<vmem>> -> memref<128xi32, #tpu.memory_space<vmem>>
          %dma_wait3A_117 = arith.constant 0 : i32
          %dma_wait3A_118 = arith.constant 0 : i32
          %dma_wait3A_119 = tpu.memref_slice %arg2[%dma_wait3A_117, %dma_wait3A_118] : memref<10000x128xf32, #tpu.memory_space<hbm>> -> memref<10000x128xf32, #tpu.memory_space<hbm>>
          tpu.wait_indirect_dma semaphore(%arg13 : memref<!tpu.dma_semaphore, #tpu.memory_space<semaphore_mem>>) src(%dma_wait3A_119 : memref<10000x128xf32, #tpu.memory_space<hbm>>) dst(%arg11 : memref<128x128xf32, #tpu.memory_space<vmem>>)
          "tpu.region"() ({
            %run_scoped3A_135 = tpu.sem_alloc : memref<!tpu.dma_semaphore, #tpu.memory_space<semaphore_mem>>
            %dma_start3A_136 = arith.constant 0 : i32
            %dma_start3A_137 = tpu.memref_slice %arg10[%mul3A_106, %dma_start3A_136] : memref<40x128xi32, #tpu.memory_space<vmem>> -> memref<1x128xi32, #tpu.memory_space<vmem>>
            %dma_start3A_138 = tpu.memref_squeeze %dma_start3A_137 : memref<1x128xi32, #tpu.memory_space<vmem>> -> memref<128xi32, #tpu.memory_space<vmem>>
            %dma_start3A_139 = arith.constant 0 : i32
            %dma_start3A_140 = arith.constant 0 : i32
            %dma_start3A_141 = tpu.memref_slice %arg8[%dma_start3A_139, %dma_start3A_140] : memref<10000x128xf32, #tpu.memory_space<vmem_shared>> -> memref<10000x128xf32, #tpu.memory_space<vmem_shared>>
            tpu.enqueue_indirect_dma source(%arg11 : memref<128x128xf32, #tpu.memory_space<vmem>>) target(%dma_start3A_141 : memref<10000x128xf32, #tpu.memory_space<vmem_shared>>) offsets(%dma_start3A_138 : memref<128xi32, #tpu.memory_space<vmem>>) semaphore(%run_scoped3A_135 : memref<!tpu.dma_semaphore, #tpu.memory_space<semaphore_mem>>) {add = true}
            %dma_wait3A_142 = arith.constant 0 : i32
            %dma_wait3A_143 = tpu.memref_slice %arg10[%mul3A_106, %dma_wait3A_142] : memref<40x128xi32, #tpu.memory_space<vmem>> -> memref<1x128xi32, #tpu.memory_space<vmem>>
            %dma_wait3A_144 = tpu.memref_squeeze %dma_wait3A_143 : memref<1x128xi32, #tpu.memory_space<vmem>> -> memref<128xi32, #tpu.memory_space<vmem>>
            %dma_wait3A_145 = arith.constant 0 : i32
            %dma_wait3A_146 = arith.constant 0 : i32
            %dma_wait3A_147 = tpu.memref_slice %arg8[%dma_wait3A_145, %dma_wait3A_146] : memref<10000x128xf32, #tpu.memory_space<vmem_shared>> -> memref<10000x128xf32, #tpu.memory_space<vmem_shared>>
            tpu.wait_indirect_dma semaphore(%run_scoped3A_135 : memref<!tpu.dma_semaphore, #tpu.memory_space<semaphore_mem>>) src(%arg11 : memref<128x128xf32, #tpu.memory_space<vmem>>) dst(%dma_wait3A_147 : memref<10000x128xf32, #tpu.memory_space<vmem_shared>>)
            tpu.yield
          }) : () -> ()
          %add3A_120 = arith.constant 1 : i32
          %add3A_121 = arith.addi %while3A_104, %add3A_120 : i32
          %lt3A = arith.cmpi slt, %add3A_121, %select_n3A_86 : i32
          %convert_element_type3A_122 = arith.extui %lt3A : i1 to i32
          %cond3A_123 = arith.constant 0 : i32
          %cond3A_124 = arith.cmpi ne, %convert_element_type3A_122, %cond3A_123 : i32
          scf.if %cond3A_124 {
            %add3A_135 = arith.constant 2 : i32
            %add3A_136 = arith.addi %mul3A_106, %add3A_135 : i32
            %dma_start3A_137 = arith.constant 0 : i32
            %dma_start3A_138 = tpu.memref_slice %arg9[%add3A_136, %dma_start3A_137] : memref<40x128xi32, #tpu.memory_space<vmem>> -> memref<1x128xi32, #tpu.memory_space<vmem>>
            %dma_start3A_139 = tpu.memref_squeeze %dma_start3A_138 : memref<1x128xi32, #tpu.memory_space<vmem>> -> memref<128xi32, #tpu.memory_space<vmem>>
            %dma_start3A_140 = arith.constant 0 : i32
            %dma_start3A_141 = arith.constant 0 : i32
            %dma_start3A_142 = tpu.memref_slice %arg2[%dma_start3A_140, %dma_start3A_141] : memref<10000x128xf32, #tpu.memory_space<hbm>> -> memref<10000x128xf32, #tpu.memory_space<hbm>>
            tpu.enqueue_indirect_dma source(%dma_start3A_142 : memref<10000x128xf32, #tpu.memory_space<hbm>>) target(%arg11 : memref<128x128xf32, #tpu.memory_space<vmem>>) offsets(%dma_start3A_139 : memref<128xi32, #tpu.memory_space<vmem>>) semaphore(%arg13 : memref<!tpu.dma_semaphore, #tpu.memory_space<semaphore_mem>>)
          } else {
          }
          %add3A_125 = arith.constant 1 : i32
          %add3A_126 = arith.addi %mul3A_106, %add3A_125 : i32
          %dma_wait3A_127 = arith.constant 0 : i32
          %dma_wait3A_128 = tpu.memref_slice %arg9[%add3A_126, %dma_wait3A_127] : memref<40x128xi32, #tpu.memory_space<vmem>> -> memref<1x128xi32, #tpu.memory_space<vmem>>
          %dma_wait3A_129 = tpu.memref_squeeze %dma_wait3A_128 : memref<1x128xi32, #tpu.memory_space<vmem>> -> memref<128xi32, #tpu.memory_space<vmem>>
          %dma_wait3A_130 = arith.constant 0 : i32
          %dma_wait3A_131 = arith.constant 0 : i32
          %dma_wait3A_132 = tpu.memref_slice %arg2[%dma_wait3A_130, %dma_wait3A_131] : memref<10000x128xf32, #tpu.memory_space<hbm>> -> memref<10000x128xf32, #tpu.memory_space<hbm>>
          tpu.wait_indirect_dma semaphore(%arg14 : memref<!tpu.dma_semaphore, #tpu.memory_space<semaphore_mem>>) src(%dma_wait3A_132 : memref<10000x128xf32, #tpu.memory_space<hbm>>) dst(%arg12 : memref<128x128xf32, #tpu.memory_space<vmem>>)
          %add3A_133 = arith.constant 1 : i32
          %add3A_134 = arith.addi %mul3A_106, %add3A_133 : i32
          "tpu.region"() ({
            %run_scoped3A_135 = tpu.sem_alloc : memref<!tpu.dma_semaphore, #tpu.memory_space<semaphore_mem>>
            %dma_start3A_136 = arith.constant 0 : i32
            %dma_start3A_137 = tpu.memref_slice %arg10[%add3A_134, %dma_start3A_136] : memref<40x128xi32, #tpu.memory_space<vmem>> -> memref<1x128xi32, #tpu.memory_space<vmem>>
            %dma_start3A_138 = tpu.memref_squeeze %dma_start3A_137 : memref<1x128xi32, #tpu.memory_space<vmem>> -> memref<128xi32, #tpu.memory_space<vmem>>
            %dma_start3A_139 = arith.constant 0 : i32
            %dma_start3A_140 = arith.constant 0 : i32
            %dma_start3A_141 = tpu.memref_slice %arg8[%dma_start3A_139, %dma_start3A_140] : memref<10000x128xf32, #tpu.memory_space<vmem_shared>> -> memref<10000x128xf32, #tpu.memory_space<vmem_shared>>
            tpu.enqueue_indirect_dma source(%arg12 : memref<128x128xf32, #tpu.memory_space<vmem>>) target(%dma_start3A_141 : memref<10000x128xf32, #tpu.memory_space<vmem_shared>>) offsets(%dma_start3A_138 : memref<128xi32, #tpu.memory_space<vmem>>) semaphore(%run_scoped3A_135 : memref<!tpu.dma_semaphore, #tpu.memory_space<semaphore_mem>>) {add = true}
            %dma_wait3A_142 = arith.constant 0 : i32
            %dma_wait3A_143 = tpu.memref_slice %arg10[%add3A_134, %dma_wait3A_142] : memref<40x128xi32, #tpu.memory_space<vmem>> -> memref<1x128xi32, #tpu.memory_space<vmem>>
            %dma_wait3A_144 = tpu.memref_squeeze %dma_wait3A_143 : memref<1x128xi32, #tpu.memory_space<vmem>> -> memref<128xi32, #tpu.memory_space<vmem>>
            %dma_wait3A_145 = arith.constant 0 : i32
            %dma_wait3A_146 = arith.constant 0 : i32
            %dma_wait3A_147 = tpu.memref_slice %arg8[%dma_wait3A_145, %dma_wait3A_146] : memref<10000x128xf32, #tpu.memory_space<vmem_shared>> -> memref<10000x128xf32, #tpu.memory_space<vmem_shared>>
            tpu.wait_indirect_dma semaphore(%run_scoped3A_135 : memref<!tpu.dma_semaphore, #tpu.memory_space<semaphore_mem>>) src(%arg12 : memref<128x128xf32, #tpu.memory_space<vmem>>) dst(%dma_wait3A_147 : memref<10000x128xf32, #tpu.memory_space<vmem_shared>>)
            tpu.yield
          }) : () -> ()
        }
      }
    } else {
    }
    %eq3A_11 = arith.constant 1 : i32
    %eq3A_12 = arith.cmpi eq, %arg0, %eq3A_11 : i32
    %convert_element_type3A_13 = arith.extui %eq3A_12 : i1 to i32
    %cond3A_14 = arith.constant 0 : i32
    %cond3A_15 = arith.cmpi ne, %convert_element_type3A_13, %cond3A_14 : i32
    scf.if %cond3A_15 {
      %add3A = arith.constant 39 : i32
      %add3A_27 = arith.addi %select_n3A, %add3A : i32
      %jit3A_28 = arith.constant 40 : i32
      %div3A = arith.divsi %add3A_27, %jit3A_28 : i32
      %sign3A = arith.constant 0 : i32
      %sign3A_29 = arith.cmpi sgt, %add3A_27, %sign3A : i32
      %sign3A_30 = arith.extui %sign3A_29 : i1 to i32
      %sign3A_31 = arith.constant 0 : i32
      %sign3A_32 = arith.cmpi slt, %add3A_27, %sign3A_31 : i32
      %sign3A_33 = arith.extui %sign3A_32 : i1 to i32
      %sign3A_34 = arith.subi %sign3A_30, %sign3A_33 : i32
      %sign3A_35 = arith.constant 0 : i32
      %sign3A_36 = arith.cmpi sgt, %jit3A_28, %sign3A_35 : i32
      %sign3A_37 = arith.extui %sign3A_36 : i1 to i32
      %sign3A_38 = arith.constant 0 : i32
      %sign3A_39 = arith.cmpi slt, %jit3A_28, %sign3A_38 : i32
      %sign3A_40 = arith.extui %sign3A_39 : i1 to i32
      %sign3A_41 = arith.subi %sign3A_37, %sign3A_40 : i32
      %ne3A = arith.cmpi ne, %sign3A_34, %sign3A_41 : i32
      %rem3A = arith.remsi %add3A_27, %jit3A_28 : i32
      %ne3A_42 = arith.constant 0 : i32
      %ne3A_43 = arith.cmpi ne, %rem3A, %ne3A_42 : i32
      %and3A = arith.andi %ne3A, %ne3A_43 : i1
      %sub3A = arith.constant 1 : i32
      %sub3A_44 = arith.subi %div3A, %sub3A : i32
      %select_n3A_45 = arith.select %and3A, %sub3A_44, %div3A : i32
      %while3A = arith.constant 0 : i32
      %while3A_46 = arith.constant 0 : i32
      %while3A_47 = arith.subi %select_n3A_45, %while3A_46 : i32
      %while3A_48 = arith.addi %while3A_46, %while3A_47 : i32
      %while3A_49 = arith.constant 1 : i32
      %while3A_50 = arith.divsi %while3A_47, %while3A_49 : i32
      %while3A_51 = arith.muli %while3A_50, %while3A_49 : i32
      %while3A_52 = arith.addi %while3A_46, %while3A_51 : i32
      %while3A_53 = arith.constant 1 : i32
      scf.for %while3A_55 = %while3A_46 to %while3A_52 step %while3A_53  : i32 {
        %mul3A_56 = arith.constant 40 : i32
        %mul3A_57 = arith.muli %while3A_55, %mul3A_56 : i32
        %add3A_58 = arith.addi %mul3A_2, %mul3A_57 : i32
        %multiple_of3A = tpu.assume_multiple %add3A_58, 8 : i32
        %mul3A_59 = arith.constant 40 : i32
        %mul3A_60 = arith.muli %while3A_55, %mul3A_59 : i32
        %sub3A_61 = arith.subi %select_n3A, %mul3A_60 : i32
        %min3A = arith.constant 40 : i32
        %min3A_62 = arith.minsi %min3A, %sub3A_61 : i32
        %jit3A_63 = arith.constant 2 : i32
        %div3A_64 = arith.divsi %min3A_62, %jit3A_63 : i32
        %sign3A_65 = arith.constant 0 : i32
        %sign3A_66 = arith.cmpi sgt, %min3A_62, %sign3A_65 : i32
        %sign3A_67 = arith.extui %sign3A_66 : i1 to i32
        %sign3A_68 = arith.constant 0 : i32
        %sign3A_69 = arith.cmpi slt, %min3A_62, %sign3A_68 : i32
        %sign3A_70 = arith.extui %sign3A_69 : i1 to i32
        %sign3A_71 = arith.subi %sign3A_67, %sign3A_70 : i32
        %sign3A_72 = arith.constant 0 : i32
        %sign3A_73 = arith.cmpi sgt, %jit3A_63, %sign3A_72 : i32
        %sign3A_74 = arith.extui %sign3A_73 : i1 to i32
        %sign3A_75 = arith.constant 0 : i32
        %sign3A_76 = arith.cmpi slt, %jit3A_63, %sign3A_75 : i32
        %sign3A_77 = arith.extui %sign3A_76 : i1 to i32
        %sign3A_78 = arith.subi %sign3A_74, %sign3A_77 : i32
        %ne3A_79 = arith.cmpi ne, %sign3A_71, %sign3A_78 : i32
        %rem3A_80 = arith.remsi %min3A_62, %jit3A_63 : i32
        %ne3A_81 = arith.constant 0 : i32
        %ne3A_82 = arith.cmpi ne, %rem3A_80, %ne3A_81 : i32
        %and3A_83 = arith.andi %ne3A_79, %ne3A_82 : i1
        %sub3A_84 = arith.constant 1 : i32
        %sub3A_85 = arith.subi %div3A_64, %sub3A_84 : i32
        %select_n3A_86 = arith.select %and3A_83, %sub3A_85, %div3A_64 : i32
        %run_scoped3A = arith.constant 0 : i32
        "tpu.region"() ({
          %run_scoped3A_104 = tpu.sem_alloc : memref<!tpu.dma_semaphore, #tpu.memory_space<semaphore_mem>>
          %dma_start3A_105 = arith.constant 0 : i32
          %dma_start3A_106 = tpu.memref_slice %arg4[%run_scoped3A, %multiple_of3A, %dma_start3A_105] : memref<2x2560x128xi32, #tpu.memory_space<hbm>> -> memref<1x40x128xi32, #tpu.memory_space<hbm>>
          %dma_start3A_107 = tpu.memref_squeeze %dma_start3A_106 : memref<1x40x128xi32, #tpu.memory_space<hbm>> -> memref<40x128xi32, #tpu.memory_space<hbm>>
          %dma_start3A_108 = arith.constant 0 : i32
          %dma_start3A_109 = tpu.memref_slice %arg4[%run_scoped3A, %multiple_of3A, %dma_start3A_108] : memref<2x2560x128xi32, #tpu.memory_space<hbm>> -> memref<1x40x128xi32, #tpu.memory_space<hbm>>
          %dma_start3A_110 = tpu.memref_squeeze %dma_start3A_109 : memref<1x40x128xi32, #tpu.memory_space<hbm>> -> memref<40x128xi32, #tpu.memory_space<hbm>>
          tpu.enqueue_dma source(%dma_start3A_110 : memref<40x128xi32, #tpu.memory_space<hbm>>) target(%arg9 : memref<40x128xi32, #tpu.memory_space<vmem>>) target_semaphore(%run_scoped3A_104 : memref<!tpu.dma_semaphore, #tpu.memory_space<semaphore_mem>>)
          %dma_wait3A = arith.constant 0 : i32
          %dma_wait3A_111 = tpu.memref_slice %arg4[%run_scoped3A, %multiple_of3A, %dma_wait3A] : memref<2x2560x128xi32, #tpu.memory_space<hbm>> -> memref<1x40x128xi32, #tpu.memory_space<hbm>>
          %dma_wait3A_112 = tpu.memref_squeeze %dma_wait3A_111 : memref<1x40x128xi32, #tpu.memory_space<hbm>> -> memref<40x128xi32, #tpu.memory_space<hbm>>
          %dma_wait3A_113 = arith.constant 0 : i32
          %dma_wait3A_114 = tpu.memref_slice %arg4[%run_scoped3A, %multiple_of3A, %dma_wait3A_113] : memref<2x2560x128xi32, #tpu.memory_space<hbm>> -> memref<1x40x128xi32, #tpu.memory_space<hbm>>
          %dma_wait3A_115 = tpu.memref_squeeze %dma_wait3A_114 : memref<1x40x128xi32, #tpu.memory_space<hbm>> -> memref<40x128xi32, #tpu.memory_space<hbm>>
          tpu.wait_dma2 semaphore(%run_scoped3A_104 : memref<!tpu.dma_semaphore, #tpu.memory_space<semaphore_mem>>) src(%dma_wait3A_115 : memref<40x128xi32, #tpu.memory_space<hbm>>) dst(%arg9 : memref<40x128xi32, #tpu.memory_space<vmem>>)
          tpu.yield
        }) : () -> ()
        %run_scoped3A_87 = arith.constant 1 : i32
        "tpu.region"() ({
          %run_scoped3A_104 = tpu.sem_alloc : memref<!tpu.dma_semaphore, #tpu.memory_space<semaphore_mem>>
          %dma_start3A_105 = arith.constant 0 : i32
          %dma_start3A_106 = tpu.memref_slice %arg4[%run_scoped3A_87, %multiple_of3A, %dma_start3A_105] : memref<2x2560x128xi32, #tpu.memory_space<hbm>> -> memref<1x40x128xi32, #tpu.memory_space<hbm>>
          %dma_start3A_107 = tpu.memref_squeeze %dma_start3A_106 : memref<1x40x128xi32, #tpu.memory_space<hbm>> -> memref<40x128xi32, #tpu.memory_space<hbm>>
          %dma_start3A_108 = arith.constant 0 : i32
          %dma_start3A_109 = tpu.memref_slice %arg4[%run_scoped3A_87, %multiple_of3A, %dma_start3A_108] : memref<2x2560x128xi32, #tpu.memory_space<hbm>> -> memref<1x40x128xi32, #tpu.memory_space<hbm>>
          %dma_start3A_110 = tpu.memref_squeeze %dma_start3A_109 : memref<1x40x128xi32, #tpu.memory_space<hbm>> -> memref<40x128xi32, #tpu.memory_space<hbm>>
          tpu.enqueue_dma source(%dma_start3A_110 : memref<40x128xi32, #tpu.memory_space<hbm>>) target(%arg10 : memref<40x128xi32, #tpu.memory_space<vmem>>) target_semaphore(%run_scoped3A_104 : memref<!tpu.dma_semaphore, #tpu.memory_space<semaphore_mem>>)
          %dma_wait3A = arith.constant 0 : i32
          %dma_wait3A_111 = tpu.memref_slice %arg4[%run_scoped3A_87, %multiple_of3A, %dma_wait3A] : memref<2x2560x128xi32, #tpu.memory_space<hbm>> -> memref<1x40x128xi32, #tpu.memory_space<hbm>>
          %dma_wait3A_112 = tpu.memref_squeeze %dma_wait3A_111 : memref<1x40x128xi32, #tpu.memory_space<hbm>> -> memref<40x128xi32, #tpu.memory_space<hbm>>
          %dma_wait3A_113 = arith.constant 0 : i32
          %dma_wait3A_114 = tpu.memref_slice %arg4[%run_scoped3A_87, %multiple_of3A, %dma_wait3A_113] : memref<2x2560x128xi32, #tpu.memory_space<hbm>> -> memref<1x40x128xi32, #tpu.memory_space<hbm>>
          %dma_wait3A_115 = tpu.memref_squeeze %dma_wait3A_114 : memref<1x40x128xi32, #tpu.memory_space<hbm>> -> memref<40x128xi32, #tpu.memory_space<hbm>>
          tpu.wait_dma2 semaphore(%run_scoped3A_104 : memref<!tpu.dma_semaphore, #tpu.memory_space<semaphore_mem>>) src(%dma_wait3A_115 : memref<40x128xi32, #tpu.memory_space<hbm>>) dst(%arg10 : memref<40x128xi32, #tpu.memory_space<vmem>>)
          tpu.yield
        }) : () -> ()
        %dma_start3A = arith.constant 0 : i32
        %dma_start3A_88 = arith.constant 0 : i32
        %dma_start3A_89 = tpu.memref_slice %arg9[%dma_start3A, %dma_start3A_88] : memref<40x128xi32, #tpu.memory_space<vmem>> -> memref<1x128xi32, #tpu.memory_space<vmem>>
        %dma_start3A_90 = tpu.memref_squeeze %dma_start3A_89 : memref<1x128xi32, #tpu.memory_space<vmem>> -> memref<128xi32, #tpu.memory_space<vmem>>
        %dma_start3A_91 = arith.constant 0 : i32
        %dma_start3A_92 = arith.constant 0 : i32
        %dma_start3A_93 = tpu.memref_slice %arg3[%dma_start3A_91, %dma_start3A_92] : memref<10000x128xf32, #tpu.memory_space<hbm>> -> memref<10000x128xf32, #tpu.memory_space<hbm>>
        tpu.enqueue_indirect_dma source(%dma_start3A_93 : memref<10000x128xf32, #tpu.memory_space<hbm>>) target(%arg11 : memref<128x128xf32, #tpu.memory_space<vmem>>) offsets(%dma_start3A_90 : memref<128xi32, #tpu.memory_space<vmem>>) semaphore(%arg13 : memref<!tpu.dma_semaphore, #tpu.memory_space<semaphore_mem>>)
        %while3A_94 = arith.constant 0 : i32
        %while3A_95 = arith.constant 0 : i32
        %while3A_96 = arith.subi %select_n3A_86, %while3A_95 : i32
        %while3A_97 = arith.addi %while3A_95, %while3A_96 : i32
        %while3A_98 = arith.constant 1 : i32
        %while3A_99 = arith.divsi %while3A_96, %while3A_98 : i32
        %while3A_100 = arith.muli %while3A_99, %while3A_98 : i32
        %while3A_101 = arith.addi %while3A_95, %while3A_100 : i32
        %while3A_102 = arith.constant 1 : i32
        scf.for %while3A_104 = %while3A_95 to %while3A_101 step %while3A_102  : i32 {
          %mul3A_105 = arith.constant 2 : i32
          %mul3A_106 = arith.muli %while3A_104, %mul3A_105 : i32
          %add3A_107 = arith.constant 1 : i32
          %add3A_108 = arith.addi %mul3A_106, %add3A_107 : i32
          %dma_start3A_109 = arith.constant 0 : i32
          %dma_start3A_110 = tpu.memref_slice %arg9[%add3A_108, %dma_start3A_109] : memref<40x128xi32, #tpu.memory_space<vmem>> -> memref<1x128xi32, #tpu.memory_space<vmem>>
          %dma_start3A_111 = tpu.memref_squeeze %dma_start3A_110 : memref<1x128xi32, #tpu.memory_space<vmem>> -> memref<128xi32, #tpu.memory_space<vmem>>
          %dma_start3A_112 = arith.constant 0 : i32
          %dma_start3A_113 = arith.constant 0 : i32
          %dma_start3A_114 = tpu.memref_slice %arg3[%dma_start3A_112, %dma_start3A_113] : memref<10000x128xf32, #tpu.memory_space<hbm>> -> memref<10000x128xf32, #tpu.memory_space<hbm>>
          tpu.enqueue_indirect_dma source(%dma_start3A_114 : memref<10000x128xf32, #tpu.memory_space<hbm>>) target(%arg12 : memref<128x128xf32, #tpu.memory_space<vmem>>) offsets(%dma_start3A_111 : memref<128xi32, #tpu.memory_space<vmem>>) semaphore(%arg14 : memref<!tpu.dma_semaphore, #tpu.memory_space<semaphore_mem>>)
          %dma_wait3A = arith.constant 0 : i32
          %dma_wait3A_115 = tpu.memref_slice %arg9[%mul3A_106, %dma_wait3A] : memref<40x128xi32, #tpu.memory_space<vmem>> -> memref<1x128xi32, #tpu.memory_space<vmem>>
          %dma_wait3A_116 = tpu.memref_squeeze %dma_wait3A_115 : memref<1x128xi32, #tpu.memory_space<vmem>> -> memref<128xi32, #tpu.memory_space<vmem>>
          %dma_wait3A_117 = arith.constant 0 : i32
          %dma_wait3A_118 = arith.constant 0 : i32
          %dma_wait3A_119 = tpu.memref_slice %arg3[%dma_wait3A_117, %dma_wait3A_118] : memref<10000x128xf32, #tpu.memory_space<hbm>> -> memref<10000x128xf32, #tpu.memory_space<hbm>>
          tpu.wait_indirect_dma semaphore(%arg13 : memref<!tpu.dma_semaphore, #tpu.memory_space<semaphore_mem>>) src(%dma_wait3A_119 : memref<10000x128xf32, #tpu.memory_space<hbm>>) dst(%arg11 : memref<128x128xf32, #tpu.memory_space<vmem>>)
          "tpu.region"() ({
            %run_scoped3A_135 = tpu.sem_alloc : memref<!tpu.dma_semaphore, #tpu.memory_space<semaphore_mem>>
            %dma_start3A_136 = arith.constant 0 : i32
            %dma_start3A_137 = tpu.memref_slice %arg10[%mul3A_106, %dma_start3A_136] : memref<40x128xi32, #tpu.memory_space<vmem>> -> memref<1x128xi32, #tpu.memory_space<vmem>>
            %dma_start3A_138 = tpu.memref_squeeze %dma_start3A_137 : memref<1x128xi32, #tpu.memory_space<vmem>> -> memref<128xi32, #tpu.memory_space<vmem>>
            %dma_start3A_139 = arith.constant 0 : i32
            %dma_start3A_140 = arith.constant 0 : i32
            %dma_start3A_141 = tpu.memref_slice %arg8[%dma_start3A_139, %dma_start3A_140] : memref<10000x128xf32, #tpu.memory_space<vmem_shared>> -> memref<10000x128xf32, #tpu.memory_space<vmem_shared>>
            tpu.enqueue_indirect_dma source(%arg11 : memref<128x128xf32, #tpu.memory_space<vmem>>) target(%dma_start3A_141 : memref<10000x128xf32, #tpu.memory_space<vmem_shared>>) offsets(%dma_start3A_138 : memref<128xi32, #tpu.memory_space<vmem>>) semaphore(%run_scoped3A_135 : memref<!tpu.dma_semaphore, #tpu.memory_space<semaphore_mem>>) {add = true}
            %dma_wait3A_142 = arith.constant 0 : i32
            %dma_wait3A_143 = tpu.memref_slice %arg10[%mul3A_106, %dma_wait3A_142] : memref<40x128xi32, #tpu.memory_space<vmem>> -> memref<1x128xi32, #tpu.memory_space<vmem>>
            %dma_wait3A_144 = tpu.memref_squeeze %dma_wait3A_143 : memref<1x128xi32, #tpu.memory_space<vmem>> -> memref<128xi32, #tpu.memory_space<vmem>>
            %dma_wait3A_145 = arith.constant 0 : i32
            %dma_wait3A_146 = arith.constant 0 : i32
            %dma_wait3A_147 = tpu.memref_slice %arg8[%dma_wait3A_145, %dma_wait3A_146] : memref<10000x128xf32, #tpu.memory_space<vmem_shared>> -> memref<10000x128xf32, #tpu.memory_space<vmem_shared>>
            tpu.wait_indirect_dma semaphore(%run_scoped3A_135 : memref<!tpu.dma_semaphore, #tpu.memory_space<semaphore_mem>>) src(%arg11 : memref<128x128xf32, #tpu.memory_space<vmem>>) dst(%dma_wait3A_147 : memref<10000x128xf32, #tpu.memory_space<vmem_shared>>)
            tpu.yield
          }) : () -> ()
          %add3A_120 = arith.constant 1 : i32
          %add3A_121 = arith.addi %while3A_104, %add3A_120 : i32
          %lt3A = arith.cmpi slt, %add3A_121, %select_n3A_86 : i32
          %convert_element_type3A_122 = arith.extui %lt3A : i1 to i32
          %cond3A_123 = arith.constant 0 : i32
          %cond3A_124 = arith.cmpi ne, %convert_element_type3A_122, %cond3A_123 : i32
          scf.if %cond3A_124 {
            %add3A_135 = arith.constant 2 : i32
            %add3A_136 = arith.addi %mul3A_106, %add3A_135 : i32
            %dma_start3A_137 = arith.constant 0 : i32
            %dma_start3A_138 = tpu.memref_slice %arg9[%add3A_136, %dma_start3A_137] : memref<40x128xi32, #tpu.memory_space<vmem>> -> memref<1x128xi32, #tpu.memory_space<vmem>>
            %dma_start3A_139 = tpu.memref_squeeze %dma_start3A_138 : memref<1x128xi32, #tpu.memory_space<vmem>> -> memref<128xi32, #tpu.memory_space<vmem>>
            %dma_start3A_140 = arith.constant 0 : i32
            %dma_start3A_141 = arith.constant 0 : i32
            %dma_start3A_142 = tpu.memref_slice %arg3[%dma_start3A_140, %dma_start3A_141] : memref<10000x128xf32, #tpu.memory_space<hbm>> -> memref<10000x128xf32, #tpu.memory_space<hbm>>
            tpu.enqueue_indirect_dma source(%dma_start3A_142 : memref<10000x128xf32, #tpu.memory_space<hbm>>) target(%arg11 : memref<128x128xf32, #tpu.memory_space<vmem>>) offsets(%dma_start3A_139 : memref<128xi32, #tpu.memory_space<vmem>>) semaphore(%arg13 : memref<!tpu.dma_semaphore, #tpu.memory_space<semaphore_mem>>)
          } else {
          }
          %add3A_125 = arith.constant 1 : i32
          %add3A_126 = arith.addi %mul3A_106, %add3A_125 : i32
          %dma_wait3A_127 = arith.constant 0 : i32
          %dma_wait3A_128 = tpu.memref_slice %arg9[%add3A_126, %dma_wait3A_127] : memref<40x128xi32, #tpu.memory_space<vmem>> -> memref<1x128xi32, #tpu.memory_space<vmem>>
          %dma_wait3A_129 = tpu.memref_squeeze %dma_wait3A_128 : memref<1x128xi32, #tpu.memory_space<vmem>> -> memref<128xi32, #tpu.memory_space<vmem>>
          %dma_wait3A_130 = arith.constant 0 : i32
          %dma_wait3A_131 = arith.constant 0 : i32
          %dma_wait3A_132 = tpu.memref_slice %arg3[%dma_wait3A_130, %dma_wait3A_131] : memref<10000x128xf32, #tpu.memory_space<hbm>> -> memref<10000x128xf32, #tpu.memory_space<hbm>>
          tpu.wait_indirect_dma semaphore(%arg14 : memref<!tpu.dma_semaphore, #tpu.memory_space<semaphore_mem>>) src(%dma_wait3A_132 : memref<10000x128xf32, #tpu.memory_space<hbm>>) dst(%arg12 : memref<128x128xf32, #tpu.memory_space<vmem>>)
          %add3A_133 = arith.constant 1 : i32
          %add3A_134 = arith.addi %mul3A_106, %add3A_133 : i32
          "tpu.region"() ({
            %run_scoped3A_135 = tpu.sem_alloc : memref<!tpu.dma_semaphore, #tpu.memory_space<semaphore_mem>>
            %dma_start3A_136 = arith.constant 0 : i32
            %dma_start3A_137 = tpu.memref_slice %arg10[%add3A_134, %dma_start3A_136] : memref<40x128xi32, #tpu.memory_space<vmem>> -> memref<1x128xi32, #tpu.memory_space<vmem>>
            %dma_start3A_138 = tpu.memref_squeeze %dma_start3A_137 : memref<1x128xi32, #tpu.memory_space<vmem>> -> memref<128xi32, #tpu.memory_space<vmem>>
            %dma_start3A_139 = arith.constant 0 : i32
            %dma_start3A_140 = arith.constant 0 : i32
            %dma_start3A_141 = tpu.memref_slice %arg8[%dma_start3A_139, %dma_start3A_140] : memref<10000x128xf32, #tpu.memory_space<vmem_shared>> -> memref<10000x128xf32, #tpu.memory_space<vmem_shared>>
            tpu.enqueue_indirect_dma source(%arg12 : memref<128x128xf32, #tpu.memory_space<vmem>>) target(%dma_start3A_141 : memref<10000x128xf32, #tpu.memory_space<vmem_shared>>) offsets(%dma_start3A_138 : memref<128xi32, #tpu.memory_space<vmem>>) semaphore(%run_scoped3A_135 : memref<!tpu.dma_semaphore, #tpu.memory_space<semaphore_mem>>) {add = true}
            %dma_wait3A_142 = arith.constant 0 : i32
            %dma_wait3A_143 = tpu.memref_slice %arg10[%add3A_134, %dma_wait3A_142] : memref<40x128xi32, #tpu.memory_space<vmem>> -> memref<1x128xi32, #tpu.memory_space<vmem>>
            %dma_wait3A_144 = tpu.memref_squeeze %dma_wait3A_143 : memref<1x128xi32, #tpu.memory_space<vmem>> -> memref<128xi32, #tpu.memory_space<vmem>>
            %dma_wait3A_145 = arith.constant 0 : i32
            %dma_wait3A_146 = arith.constant 0 : i32
            %dma_wait3A_147 = tpu.memref_slice %arg8[%dma_wait3A_145, %dma_wait3A_146] : memref<10000x128xf32, #tpu.memory_space<vmem_shared>> -> memref<10000x128xf32, #tpu.memory_space<vmem_shared>>
            tpu.wait_indirect_dma semaphore(%run_scoped3A_135 : memref<!tpu.dma_semaphore, #tpu.memory_space<semaphore_mem>>) src(%arg12 : memref<128x128xf32, #tpu.memory_space<vmem>>) dst(%dma_wait3A_147 : memref<10000x128xf32, #tpu.memory_space<vmem_shared>>)
            tpu.yield
          }) : () -> ()
        }
        %while3A_103 = arith.constant 1 : i32
        scf.for %while3A_104 = %while3A_101 to %while3A_97 step %while3A_103  : i32 {
          %mul3A_105 = arith.constant 2 : i32
          %mul3A_106 = arith.muli %while3A_104, %mul3A_105 : i32
          %add3A_107 = arith.constant 1 : i32
          %add3A_108 = arith.addi %mul3A_106, %add3A_107 : i32
          %dma_start3A_109 = arith.constant 0 : i32
          %dma_start3A_110 = tpu.memref_slice %arg9[%add3A_108, %dma_start3A_109] : memref<40x128xi32, #tpu.memory_space<vmem>> -> memref<1x128xi32, #tpu.memory_space<vmem>>
          %dma_start3A_111 = tpu.memref_squeeze %dma_start3A_110 : memref<1x128xi32, #tpu.memory_space<vmem>> -> memref<128xi32, #tpu.memory_space<vmem>>
          %dma_start3A_112 = arith.constant 0 : i32
          %dma_start3A_113 = arith.constant 0 : i32
          %dma_start3A_114 = tpu.memref_slice %arg3[%dma_start3A_112, %dma_start3A_113] : memref<10000x128xf32, #tpu.memory_space<hbm>> -> memref<10000x128xf32, #tpu.memory_space<hbm>>
          tpu.enqueue_indirect_dma source(%dma_start3A_114 : memref<10000x128xf32, #tpu.memory_space<hbm>>) target(%arg12 : memref<128x128xf32, #tpu.memory_space<vmem>>) offsets(%dma_start3A_111 : memref<128xi32, #tpu.memory_space<vmem>>) semaphore(%arg14 : memref<!tpu.dma_semaphore, #tpu.memory_space<semaphore_mem>>)
          %dma_wait3A = arith.constant 0 : i32
          %dma_wait3A_115 = tpu.memref_slice %arg9[%mul3A_106, %dma_wait3A] : memref<40x128xi32, #tpu.memory_space<vmem>> -> memref<1x128xi32, #tpu.memory_space<vmem>>
          %dma_wait3A_116 = tpu.memref_squeeze %dma_wait3A_115 : memref<1x128xi32, #tpu.memory_space<vmem>> -> memref<128xi32, #tpu.memory_space<vmem>>
          %dma_wait3A_117 = arith.constant 0 : i32
          %dma_wait3A_118 = arith.constant 0 : i32
          %dma_wait3A_119 = tpu.memref_slice %arg3[%dma_wait3A_117, %dma_wait3A_118] : memref<10000x128xf32, #tpu.memory_space<hbm>> -> memref<10000x128xf32, #tpu.memory_space<hbm>>
          tpu.wait_indirect_dma semaphore(%arg13 : memref<!tpu.dma_semaphore, #tpu.memory_space<semaphore_mem>>) src(%dma_wait3A_119 : memref<10000x128xf32, #tpu.memory_space<hbm>>) dst(%arg11 : memref<128x128xf32, #tpu.memory_space<vmem>>)
          "tpu.region"() ({
            %run_scoped3A_135 = tpu.sem_alloc : memref<!tpu.dma_semaphore, #tpu.memory_space<semaphore_mem>>
            %dma_start3A_136 = arith.constant 0 : i32
            %dma_start3A_137 = tpu.memref_slice %arg10[%mul3A_106, %dma_start3A_136] : memref<40x128xi32, #tpu.memory_space<vmem>> -> memref<1x128xi32, #tpu.memory_space<vmem>>
            %dma_start3A_138 = tpu.memref_squeeze %dma_start3A_137 : memref<1x128xi32, #tpu.memory_space<vmem>> -> memref<128xi32, #tpu.memory_space<vmem>>
            %dma_start3A_139 = arith.constant 0 : i32
            %dma_start3A_140 = arith.constant 0 : i32
            %dma_start3A_141 = tpu.memref_slice %arg8[%dma_start3A_139, %dma_start3A_140] : memref<10000x128xf32, #tpu.memory_space<vmem_shared>> -> memref<10000x128xf32, #tpu.memory_space<vmem_shared>>
            tpu.enqueue_indirect_dma source(%arg11 : memref<128x128xf32, #tpu.memory_space<vmem>>) target(%dma_start3A_141 : memref<10000x128xf32, #tpu.memory_space<vmem_shared>>) offsets(%dma_start3A_138 : memref<128xi32, #tpu.memory_space<vmem>>) semaphore(%run_scoped3A_135 : memref<!tpu.dma_semaphore, #tpu.memory_space<semaphore_mem>>) {add = true}
            %dma_wait3A_142 = arith.constant 0 : i32
            %dma_wait3A_143 = tpu.memref_slice %arg10[%mul3A_106, %dma_wait3A_142] : memref<40x128xi32, #tpu.memory_space<vmem>> -> memref<1x128xi32, #tpu.memory_space<vmem>>
            %dma_wait3A_144 = tpu.memref_squeeze %dma_wait3A_143 : memref<1x128xi32, #tpu.memory_space<vmem>> -> memref<128xi32, #tpu.memory_space<vmem>>
            %dma_wait3A_145 = arith.constant 0 : i32
            %dma_wait3A_146 = arith.constant 0 : i32
            %dma_wait3A_147 = tpu.memref_slice %arg8[%dma_wait3A_145, %dma_wait3A_146] : memref<10000x128xf32, #tpu.memory_space<vmem_shared>> -> memref<10000x128xf32, #tpu.memory_space<vmem_shared>>
            tpu.wait_indirect_dma semaphore(%run_scoped3A_135 : memref<!tpu.dma_semaphore, #tpu.memory_space<semaphore_mem>>) src(%arg11 : memref<128x128xf32, #tpu.memory_space<vmem>>) dst(%dma_wait3A_147 : memref<10000x128xf32, #tpu.memory_space<vmem_shared>>)
            tpu.yield
          }) : () -> ()
          %add3A_120 = arith.constant 1 : i32
          %add3A_121 = arith.addi %while3A_104, %add3A_120 : i32
          %lt3A = arith.cmpi slt, %add3A_121, %select_n3A_86 : i32
          %convert_element_type3A_122 = arith.extui %lt3A : i1 to i32
          %cond3A_123 = arith.constant 0 : i32
          %cond3A_124 = arith.cmpi ne, %convert_element_type3A_122, %cond3A_123 : i32
          scf.if %cond3A_124 {
            %add3A_135 = arith.constant 2 : i32
            %add3A_136 = arith.addi %mul3A_106, %add3A_135 : i32
            %dma_start3A_137 = arith.constant 0 : i32
            %dma_start3A_138 = tpu.memref_slice %arg9[%add3A_136, %dma_start3A_137] : memref<40x128xi32, #tpu.memory_space<vmem>> -> memref<1x128xi32, #tpu.memory_space<vmem>>
            %dma_start3A_139 = tpu.memref_squeeze %dma_start3A_138 : memref<1x128xi32, #tpu.memory_space<vmem>> -> memref<128xi32, #tpu.memory_space<vmem>>
            %dma_start3A_140 = arith.constant 0 : i32
            %dma_start3A_141 = arith.constant 0 : i32
            %dma_start3A_142 = tpu.memref_slice %arg3[%dma_start3A_140, %dma_start3A_141] : memref<10000x128xf32, #tpu.memory_space<hbm>> -> memref<10000x128xf32, #tpu.memory_space<hbm>>
            tpu.enqueue_indirect_dma source(%dma_start3A_142 : memref<10000x128xf32, #tpu.memory_space<hbm>>) target(%arg11 : memref<128x128xf32, #tpu.memory_space<vmem>>) offsets(%dma_start3A_139 : memref<128xi32, #tpu.memory_space<vmem>>) semaphore(%arg13 : memref<!tpu.dma_semaphore, #tpu.memory_space<semaphore_mem>>)
          } else {
          }
          %add3A_125 = arith.constant 1 : i32
          %add3A_126 = arith.addi %mul3A_106, %add3A_125 : i32
          %dma_wait3A_127 = arith.constant 0 : i32
          %dma_wait3A_128 = tpu.memref_slice %arg9[%add3A_126, %dma_wait3A_127] : memref<40x128xi32, #tpu.memory_space<vmem>> -> memref<1x128xi32, #tpu.memory_space<vmem>>
          %dma_wait3A_129 = tpu.memref_squeeze %dma_wait3A_128 : memref<1x128xi32, #tpu.memory_space<vmem>> -> memref<128xi32, #tpu.memory_space<vmem>>
          %dma_wait3A_130 = arith.constant 0 : i32
          %dma_wait3A_131 = arith.constant 0 : i32
          %dma_wait3A_132 = tpu.memref_slice %arg3[%dma_wait3A_130, %dma_wait3A_131] : memref<10000x128xf32, #tpu.memory_space<hbm>> -> memref<10000x128xf32, #tpu.memory_space<hbm>>
          tpu.wait_indirect_dma semaphore(%arg14 : memref<!tpu.dma_semaphore, #tpu.memory_space<semaphore_mem>>) src(%dma_wait3A_132 : memref<10000x128xf32, #tpu.memory_space<hbm>>) dst(%arg12 : memref<128x128xf32, #tpu.memory_space<vmem>>)
          %add3A_133 = arith.constant 1 : i32
          %add3A_134 = arith.addi %mul3A_106, %add3A_133 : i32
          "tpu.region"() ({
            %run_scoped3A_135 = tpu.sem_alloc : memref<!tpu.dma_semaphore, #tpu.memory_space<semaphore_mem>>
            %dma_start3A_136 = arith.constant 0 : i32
            %dma_start3A_137 = tpu.memref_slice %arg10[%add3A_134, %dma_start3A_136] : memref<40x128xi32, #tpu.memory_space<vmem>> -> memref<1x128xi32, #tpu.memory_space<vmem>>
            %dma_start3A_138 = tpu.memref_squeeze %dma_start3A_137 : memref<1x128xi32, #tpu.memory_space<vmem>> -> memref<128xi32, #tpu.memory_space<vmem>>
            %dma_start3A_139 = arith.constant 0 : i32
            %dma_start3A_140 = arith.constant 0 : i32
            %dma_start3A_141 = tpu.memref_slice %arg8[%dma_start3A_139, %dma_start3A_140] : memref<10000x128xf32, #tpu.memory_space<vmem_shared>> -> memref<10000x128xf32, #tpu.memory_space<vmem_shared>>
            tpu.enqueue_indirect_dma source(%arg12 : memref<128x128xf32, #tpu.memory_space<vmem>>) target(%dma_start3A_141 : memref<10000x128xf32, #tpu.memory_space<vmem_shared>>) offsets(%dma_start3A_138 : memref<128xi32, #tpu.memory_space<vmem>>) semaphore(%run_scoped3A_135 : memref<!tpu.dma_semaphore, #tpu.memory_space<semaphore_mem>>) {add = true}
            %dma_wait3A_142 = arith.constant 0 : i32
            %dma_wait3A_143 = tpu.memref_slice %arg10[%add3A_134, %dma_wait3A_142] : memref<40x128xi32, #tpu.memory_space<vmem>> -> memref<1x128xi32, #tpu.memory_space<vmem>>
            %dma_wait3A_144 = tpu.memref_squeeze %dma_wait3A_143 : memref<1x128xi32, #tpu.memory_space<vmem>> -> memref<128xi32, #tpu.memory_space<vmem>>
            %dma_wait3A_145 = arith.constant 0 : i32
            %dma_wait3A_146 = arith.constant 0 : i32
            %dma_wait3A_147 = tpu.memref_slice %arg8[%dma_wait3A_145, %dma_wait3A_146] : memref<10000x128xf32, #tpu.memory_space<vmem_shared>> -> memref<10000x128xf32, #tpu.memory_space<vmem_shared>>
            tpu.wait_indirect_dma semaphore(%run_scoped3A_135 : memref<!tpu.dma_semaphore, #tpu.memory_space<semaphore_mem>>) src(%arg12 : memref<128x128xf32, #tpu.memory_space<vmem>>) dst(%dma_wait3A_147 : memref<10000x128xf32, #tpu.memory_space<vmem_shared>>)
            tpu.yield
          }) : () -> ()
        }
      }
      %while3A_54 = arith.constant 1 : i32
      scf.for %while3A_55 = %while3A_52 to %while3A_48 step %while3A_54  : i32 {
        %mul3A_56 = arith.constant 40 : i32
        %mul3A_57 = arith.muli %while3A_55, %mul3A_56 : i32
        %add3A_58 = arith.addi %mul3A_2, %mul3A_57 : i32
        %multiple_of3A = tpu.assume_multiple %add3A_58, 8 : i32
        %mul3A_59 = arith.constant 40 : i32
        %mul3A_60 = arith.muli %while3A_55, %mul3A_59 : i32
        %sub3A_61 = arith.subi %select_n3A, %mul3A_60 : i32
        %min3A = arith.constant 40 : i32
        %min3A_62 = arith.minsi %min3A, %sub3A_61 : i32
        %jit3A_63 = arith.constant 2 : i32
        %div3A_64 = arith.divsi %min3A_62, %jit3A_63 : i32
        %sign3A_65 = arith.constant 0 : i32
        %sign3A_66 = arith.cmpi sgt, %min3A_62, %sign3A_65 : i32
        %sign3A_67 = arith.extui %sign3A_66 : i1 to i32
        %sign3A_68 = arith.constant 0 : i32
        %sign3A_69 = arith.cmpi slt, %min3A_62, %sign3A_68 : i32
        %sign3A_70 = arith.extui %sign3A_69 : i1 to i32
        %sign3A_71 = arith.subi %sign3A_67, %sign3A_70 : i32
        %sign3A_72 = arith.constant 0 : i32
        %sign3A_73 = arith.cmpi sgt, %jit3A_63, %sign3A_72 : i32
        %sign3A_74 = arith.extui %sign3A_73 : i1 to i32
        %sign3A_75 = arith.constant 0 : i32
        %sign3A_76 = arith.cmpi slt, %jit3A_63, %sign3A_75 : i32
        %sign3A_77 = arith.extui %sign3A_76 : i1 to i32
        %sign3A_78 = arith.subi %sign3A_74, %sign3A_77 : i32
        %ne3A_79 = arith.cmpi ne, %sign3A_71, %sign3A_78 : i32
        %rem3A_80 = arith.remsi %min3A_62, %jit3A_63 : i32
        %ne3A_81 = arith.constant 0 : i32
        %ne3A_82 = arith.cmpi ne, %rem3A_80, %ne3A_81 : i32
        %and3A_83 = arith.andi %ne3A_79, %ne3A_82 : i1
        %sub3A_84 = arith.constant 1 : i32
        %sub3A_85 = arith.subi %div3A_64, %sub3A_84 : i32
        %select_n3A_86 = arith.select %and3A_83, %sub3A_85, %div3A_64 : i32
        %run_scoped3A = arith.constant 0 : i32
        "tpu.region"() ({
          %run_scoped3A_104 = tpu.sem_alloc : memref<!tpu.dma_semaphore, #tpu.memory_space<semaphore_mem>>
          %dma_start3A_105 = arith.constant 0 : i32
          %dma_start3A_106 = tpu.memref_slice %arg4[%run_scoped3A, %multiple_of3A, %dma_start3A_105] : memref<2x2560x128xi32, #tpu.memory_space<hbm>> -> memref<1x40x128xi32, #tpu.memory_space<hbm>>
          %dma_start3A_107 = tpu.memref_squeeze %dma_start3A_106 : memref<1x40x128xi32, #tpu.memory_space<hbm>> -> memref<40x128xi32, #tpu.memory_space<hbm>>
          %dma_start3A_108 = arith.constant 0 : i32
          %dma_start3A_109 = tpu.memref_slice %arg4[%run_scoped3A, %multiple_of3A, %dma_start3A_108] : memref<2x2560x128xi32, #tpu.memory_space<hbm>> -> memref<1x40x128xi32, #tpu.memory_space<hbm>>
          %dma_start3A_110 = tpu.memref_squeeze %dma_start3A_109 : memref<1x40x128xi32, #tpu.memory_space<hbm>> -> memref<40x128xi32, #tpu.memory_space<hbm>>
          tpu.enqueue_dma source(%dma_start3A_110 : memref<40x128xi32, #tpu.memory_space<hbm>>) target(%arg9 : memref<40x128xi32, #tpu.memory_space<vmem>>) target_semaphore(%run_scoped3A_104 : memref<!tpu.dma_semaphore, #tpu.memory_space<semaphore_mem>>)
          %dma_wait3A = arith.constant 0 : i32
          %dma_wait3A_111 = tpu.memref_slice %arg4[%run_scoped3A, %multiple_of3A, %dma_wait3A] : memref<2x2560x128xi32, #tpu.memory_space<hbm>> -> memref<1x40x128xi32, #tpu.memory_space<hbm>>
          %dma_wait3A_112 = tpu.memref_squeeze %dma_wait3A_111 : memref<1x40x128xi32, #tpu.memory_space<hbm>> -> memref<40x128xi32, #tpu.memory_space<hbm>>
          %dma_wait3A_113 = arith.constant 0 : i32
          %dma_wait3A_114 = tpu.memref_slice %arg4[%run_scoped3A, %multiple_of3A, %dma_wait3A_113] : memref<2x2560x128xi32, #tpu.memory_space<hbm>> -> memref<1x40x128xi32, #tpu.memory_space<hbm>>
          %dma_wait3A_115 = tpu.memref_squeeze %dma_wait3A_114 : memref<1x40x128xi32, #tpu.memory_space<hbm>> -> memref<40x128xi32, #tpu.memory_space<hbm>>
          tpu.wait_dma2 semaphore(%run_scoped3A_104 : memref<!tpu.dma_semaphore, #tpu.memory_space<semaphore_mem>>) src(%dma_wait3A_115 : memref<40x128xi32, #tpu.memory_space<hbm>>) dst(%arg9 : memref<40x128xi32, #tpu.memory_space<vmem>>)
          tpu.yield
        }) : () -> ()
        %run_scoped3A_87 = arith.constant 1 : i32
        "tpu.region"() ({
          %run_scoped3A_104 = tpu.sem_alloc : memref<!tpu.dma_semaphore, #tpu.memory_space<semaphore_mem>>
          %dma_start3A_105 = arith.constant 0 : i32
          %dma_start3A_106 = tpu.memref_slice %arg4[%run_scoped3A_87, %multiple_of3A, %dma_start3A_105] : memref<2x2560x128xi32, #tpu.memory_space<hbm>> -> memref<1x40x128xi32, #tpu.memory_space<hbm>>
          %dma_start3A_107 = tpu.memref_squeeze %dma_start3A_106 : memref<1x40x128xi32, #tpu.memory_space<hbm>> -> memref<40x128xi32, #tpu.memory_space<hbm>>
          %dma_start3A_108 = arith.constant 0 : i32
          %dma_start3A_109 = tpu.memref_slice %arg4[%run_scoped3A_87, %multiple_of3A, %dma_start3A_108] : memref<2x2560x128xi32, #tpu.memory_space<hbm>> -> memref<1x40x128xi32, #tpu.memory_space<hbm>>
          %dma_start3A_110 = tpu.memref_squeeze %dma_start3A_109 : memref<1x40x128xi32, #tpu.memory_space<hbm>> -> memref<40x128xi32, #tpu.memory_space<hbm>>
          tpu.enqueue_dma source(%dma_start3A_110 : memref<40x128xi32, #tpu.memory_space<hbm>>) target(%arg10 : memref<40x128xi32, #tpu.memory_space<vmem>>) target_semaphore(%run_scoped3A_104 : memref<!tpu.dma_semaphore, #tpu.memory_space<semaphore_mem>>)
          %dma_wait3A = arith.constant 0 : i32
          %dma_wait3A_111 = tpu.memref_slice %arg4[%run_scoped3A_87, %multiple_of3A, %dma_wait3A] : memref<2x2560x128xi32, #tpu.memory_space<hbm>> -> memref<1x40x128xi32, #tpu.memory_space<hbm>>
          %dma_wait3A_112 = tpu.memref_squeeze %dma_wait3A_111 : memref<1x40x128xi32, #tpu.memory_space<hbm>> -> memref<40x128xi32, #tpu.memory_space<hbm>>
          %dma_wait3A_113 = arith.constant 0 : i32
          %dma_wait3A_114 = tpu.memref_slice %arg4[%run_scoped3A_87, %multiple_of3A, %dma_wait3A_113] : memref<2x2560x128xi32, #tpu.memory_space<hbm>> -> memref<1x40x128xi32, #tpu.memory_space<hbm>>
          %dma_wait3A_115 = tpu.memref_squeeze %dma_wait3A_114 : memref<1x40x128xi32, #tpu.memory_space<hbm>> -> memref<40x128xi32, #tpu.memory_space<hbm>>
          tpu.wait_dma2 semaphore(%run_scoped3A_104 : memref<!tpu.dma_semaphore, #tpu.memory_space<semaphore_mem>>) src(%dma_wait3A_115 : memref<40x128xi32, #tpu.memory_space<hbm>>) dst(%arg10 : memref<40x128xi32, #tpu.memory_space<vmem>>)
          tpu.yield
        }) : () -> ()
        %dma_start3A = arith.constant 0 : i32
        %dma_start3A_88 = arith.constant 0 : i32
        %dma_start3A_89 = tpu.memref_slice %arg9[%dma_start3A, %dma_start3A_88] : memref<40x128xi32, #tpu.memory_space<vmem>> -> memref<1x128xi32, #tpu.memory_space<vmem>>
        %dma_start3A_90 = tpu.memref_squeeze %dma_start3A_89 : memref<1x128xi32, #tpu.memory_space<vmem>> -> memref<128xi32, #tpu.memory_space<vmem>>
        %dma_start3A_91 = arith.constant 0 : i32
        %dma_start3A_92 = arith.constant 0 : i32
        %dma_start3A_93 = tpu.memref_slice %arg3[%dma_start3A_91, %dma_start3A_92] : memref<10000x128xf32, #tpu.memory_space<hbm>> -> memref<10000x128xf32, #tpu.memory_space<hbm>>
        tpu.enqueue_indirect_dma source(%dma_start3A_93 : memref<10000x128xf32, #tpu.memory_space<hbm>>) target(%arg11 : memref<128x128xf32, #tpu.memory_space<vmem>>) offsets(%dma_start3A_90 : memref<128xi32, #tpu.memory_space<vmem>>) semaphore(%arg13 : memref<!tpu.dma_semaphore, #tpu.memory_space<semaphore_mem>>)
        %while3A_94 = arith.constant 0 : i32
        %while3A_95 = arith.constant 0 : i32
        %while3A_96 = arith.subi %select_n3A_86, %while3A_95 : i32
        %while3A_97 = arith.addi %while3A_95, %while3A_96 : i32
        %while3A_98 = arith.constant 1 : i32
        %while3A_99 = arith.divsi %while3A_96, %while3A_98 : i32
        %while3A_100 = arith.muli %while3A_99, %while3A_98 : i32
        %while3A_101 = arith.addi %while3A_95, %while3A_100 : i32
        %while3A_102 = arith.constant 1 : i32
        scf.for %while3A_104 = %while3A_95 to %while3A_101 step %while3A_102  : i32 {
          %mul3A_105 = arith.constant 2 : i32
          %mul3A_106 = arith.muli %while3A_104, %mul3A_105 : i32
          %add3A_107 = arith.constant 1 : i32
          %add3A_108 = arith.addi %mul3A_106, %add3A_107 : i32
          %dma_start3A_109 = arith.constant 0 : i32
          %dma_start3A_110 = tpu.memref_slice %arg9[%add3A_108, %dma_start3A_109] : memref<40x128xi32, #tpu.memory_space<vmem>> -> memref<1x128xi32, #tpu.memory_space<vmem>>
          %dma_start3A_111 = tpu.memref_squeeze %dma_start3A_110 : memref<1x128xi32, #tpu.memory_space<vmem>> -> memref<128xi32, #tpu.memory_space<vmem>>
          %dma_start3A_112 = arith.constant 0 : i32
          %dma_start3A_113 = arith.constant 0 : i32
          %dma_start3A_114 = tpu.memref_slice %arg3[%dma_start3A_112, %dma_start3A_113] : memref<10000x128xf32, #tpu.memory_space<hbm>> -> memref<10000x128xf32, #tpu.memory_space<hbm>>
          tpu.enqueue_indirect_dma source(%dma_start3A_114 : memref<10000x128xf32, #tpu.memory_space<hbm>>) target(%arg12 : memref<128x128xf32, #tpu.memory_space<vmem>>) offsets(%dma_start3A_111 : memref<128xi32, #tpu.memory_space<vmem>>) semaphore(%arg14 : memref<!tpu.dma_semaphore, #tpu.memory_space<semaphore_mem>>)
          %dma_wait3A = arith.constant 0 : i32
          %dma_wait3A_115 = tpu.memref_slice %arg9[%mul3A_106, %dma_wait3A] : memref<40x128xi32, #tpu.memory_space<vmem>> -> memref<1x128xi32, #tpu.memory_space<vmem>>
          %dma_wait3A_116 = tpu.memref_squeeze %dma_wait3A_115 : memref<1x128xi32, #tpu.memory_space<vmem>> -> memref<128xi32, #tpu.memory_space<vmem>>
          %dma_wait3A_117 = arith.constant 0 : i32
          %dma_wait3A_118 = arith.constant 0 : i32
          %dma_wait3A_119 = tpu.memref_slice %arg3[%dma_wait3A_117, %dma_wait3A_118] : memref<10000x128xf32, #tpu.memory_space<hbm>> -> memref<10000x128xf32, #tpu.memory_space<hbm>>
          tpu.wait_indirect_dma semaphore(%arg13 : memref<!tpu.dma_semaphore, #tpu.memory_space<semaphore_mem>>) src(%dma_wait3A_119 : memref<10000x128xf32, #tpu.memory_space<hbm>>) dst(%arg11 : memref<128x128xf32, #tpu.memory_space<vmem>>)
          "tpu.region"() ({
            %run_scoped3A_135 = tpu.sem_alloc : memref<!tpu.dma_semaphore, #tpu.memory_space<semaphore_mem>>
            %dma_start3A_136 = arith.constant 0 : i32
            %dma_start3A_137 = tpu.memref_slice %arg10[%mul3A_106, %dma_start3A_136] : memref<40x128xi32, #tpu.memory_space<vmem>> -> memref<1x128xi32, #tpu.memory_space<vmem>>
            %dma_start3A_138 = tpu.memref_squeeze %dma_start3A_137 : memref<1x128xi32, #tpu.memory_space<vmem>> -> memref<128xi32, #tpu.memory_space<vmem>>
            %dma_start3A_139 = arith.constant 0 : i32
            %dma_start3A_140 = arith.constant 0 : i32
            %dma_start3A_141 = tpu.memref_slice %arg8[%dma_start3A_139, %dma_start3A_140] : memref<10000x128xf32, #tpu.memory_space<vmem_shared>> -> memref<10000x128xf32, #tpu.memory_space<vmem_shared>>
            tpu.enqueue_indirect_dma source(%arg11 : memref<128x128xf32, #tpu.memory_space<vmem>>) target(%dma_start3A_141 : memref<10000x128xf32, #tpu.memory_space<vmem_shared>>) offsets(%dma_start3A_138 : memref<128xi32, #tpu.memory_space<vmem>>) semaphore(%run_scoped3A_135 : memref<!tpu.dma_semaphore, #tpu.memory_space<semaphore_mem>>) {add = true}
            %dma_wait3A_142 = arith.constant 0 : i32
            %dma_wait3A_143 = tpu.memref_slice %arg10[%mul3A_106, %dma_wait3A_142] : memref<40x128xi32, #tpu.memory_space<vmem>> -> memref<1x128xi32, #tpu.memory_space<vmem>>
            %dma_wait3A_144 = tpu.memref_squeeze %dma_wait3A_143 : memref<1x128xi32, #tpu.memory_space<vmem>> -> memref<128xi32, #tpu.memory_space<vmem>>
            %dma_wait3A_145 = arith.constant 0 : i32
            %dma_wait3A_146 = arith.constant 0 : i32
            %dma_wait3A_147 = tpu.memref_slice %arg8[%dma_wait3A_145, %dma_wait3A_146] : memref<10000x128xf32, #tpu.memory_space<vmem_shared>> -> memref<10000x128xf32, #tpu.memory_space<vmem_shared>>
            tpu.wait_indirect_dma semaphore(%run_scoped3A_135 : memref<!tpu.dma_semaphore, #tpu.memory_space<semaphore_mem>>) src(%arg11 : memref<128x128xf32, #tpu.memory_space<vmem>>) dst(%dma_wait3A_147 : memref<10000x128xf32, #tpu.memory_space<vmem_shared>>)
            tpu.yield
          }) : () -> ()
          %add3A_120 = arith.constant 1 : i32
          %add3A_121 = arith.addi %while3A_104, %add3A_120 : i32
          %lt3A = arith.cmpi slt, %add3A_121, %select_n3A_86 : i32
          %convert_element_type3A_122 = arith.extui %lt3A : i1 to i32
          %cond3A_123 = arith.constant 0 : i32
          %cond3A_124 = arith.cmpi ne, %convert_element_type3A_122, %cond3A_123 : i32
          scf.if %cond3A_124 {
            %add3A_135 = arith.constant 2 : i32
            %add3A_136 = arith.addi %mul3A_106, %add3A_135 : i32
            %dma_start3A_137 = arith.constant 0 : i32
            %dma_start3A_138 = tpu.memref_slice %arg9[%add3A_136, %dma_start3A_137] : memref<40x128xi32, #tpu.memory_space<vmem>> -> memref<1x128xi32, #tpu.memory_space<vmem>>
            %dma_start3A_139 = tpu.memref_squeeze %dma_start3A_138 : memref<1x128xi32, #tpu.memory_space<vmem>> -> memref<128xi32, #tpu.memory_space<vmem>>
            %dma_start3A_140 = arith.constant 0 : i32
            %dma_start3A_141 = arith.constant 0 : i32
            %dma_start3A_142 = tpu.memref_slice %arg3[%dma_start3A_140, %dma_start3A_141] : memref<10000x128xf32, #tpu.memory_space<hbm>> -> memref<10000x128xf32, #tpu.memory_space<hbm>>
            tpu.enqueue_indirect_dma source(%dma_start3A_142 : memref<10000x128xf32, #tpu.memory_space<hbm>>) target(%arg11 : memref<128x128xf32, #tpu.memory_space<vmem>>) offsets(%dma_start3A_139 : memref<128xi32, #tpu.memory_space<vmem>>) semaphore(%arg13 : memref<!tpu.dma_semaphore, #tpu.memory_space<semaphore_mem>>)
          } else {
          }
          %add3A_125 = arith.constant 1 : i32
          %add3A_126 = arith.addi %mul3A_106, %add3A_125 : i32
          %dma_wait3A_127 = arith.constant 0 : i32
          %dma_wait3A_128 = tpu.memref_slice %arg9[%add3A_126, %dma_wait3A_127] : memref<40x128xi32, #tpu.memory_space<vmem>> -> memref<1x128xi32, #tpu.memory_space<vmem>>
          %dma_wait3A_129 = tpu.memref_squeeze %dma_wait3A_128 : memref<1x128xi32, #tpu.memory_space<vmem>> -> memref<128xi32, #tpu.memory_space<vmem>>
          %dma_wait3A_130 = arith.constant 0 : i32
          %dma_wait3A_131 = arith.constant 0 : i32
          %dma_wait3A_132 = tpu.memref_slice %arg3[%dma_wait3A_130, %dma_wait3A_131] : memref<10000x128xf32, #tpu.memory_space<hbm>> -> memref<10000x128xf32, #tpu.memory_space<hbm>>
          tpu.wait_indirect_dma semaphore(%arg14 : memref<!tpu.dma_semaphore, #tpu.memory_space<semaphore_mem>>) src(%dma_wait3A_132 : memref<10000x128xf32, #tpu.memory_space<hbm>>) dst(%arg12 : memref<128x128xf32, #tpu.memory_space<vmem>>)
          %add3A_133 = arith.constant 1 : i32
          %add3A_134 = arith.addi %mul3A_106, %add3A_133 : i32
          "tpu.region"() ({
            %run_scoped3A_135 = tpu.sem_alloc : memref<!tpu.dma_semaphore, #tpu.memory_space<semaphore_mem>>
            %dma_start3A_136 = arith.constant 0 : i32
            %dma_start3A_137 = tpu.memref_slice %arg10[%add3A_134, %dma_start3A_136] : memref<40x128xi32, #tpu.memory_space<vmem>> -> memref<1x128xi32, #tpu.memory_space<vmem>>
            %dma_start3A_138 = tpu.memref_squeeze %dma_start3A_137 : memref<1x128xi32, #tpu.memory_space<vmem>> -> memref<128xi32, #tpu.memory_space<vmem>>
            %dma_start3A_139 = arith.constant 0 : i32
            %dma_start3A_140 = arith.constant 0 : i32
            %dma_start3A_141 = tpu.memref_slice %arg8[%dma_start3A_139, %dma_start3A_140] : memref<10000x128xf32, #tpu.memory_space<vmem_shared>> -> memref<10000x128xf32, #tpu.memory_space<vmem_shared>>
            tpu.enqueue_indirect_dma source(%arg12 : memref<128x128xf32, #tpu.memory_space<vmem>>) target(%dma_start3A_141 : memref<10000x128xf32, #tpu.memory_space<vmem_shared>>) offsets(%dma_start3A_138 : memref<128xi32, #tpu.memory_space<vmem>>) semaphore(%run_scoped3A_135 : memref<!tpu.dma_semaphore, #tpu.memory_space<semaphore_mem>>) {add = true}
            %dma_wait3A_142 = arith.constant 0 : i32
            %dma_wait3A_143 = tpu.memref_slice %arg10[%add3A_134, %dma_wait3A_142] : memref<40x128xi32, #tpu.memory_space<vmem>> -> memref<1x128xi32, #tpu.memory_space<vmem>>
            %dma_wait3A_144 = tpu.memref_squeeze %dma_wait3A_143 : memref<1x128xi32, #tpu.memory_space<vmem>> -> memref<128xi32, #tpu.memory_space<vmem>>
            %dma_wait3A_145 = arith.constant 0 : i32
            %dma_wait3A_146 = arith.constant 0 : i32
            %dma_wait3A_147 = tpu.memref_slice %arg8[%dma_wait3A_145, %dma_wait3A_146] : memref<10000x128xf32, #tpu.memory_space<vmem_shared>> -> memref<10000x128xf32, #tpu.memory_space<vmem_shared>>
            tpu.wait_indirect_dma semaphore(%run_scoped3A_135 : memref<!tpu.dma_semaphore, #tpu.memory_space<semaphore_mem>>) src(%arg12 : memref<128x128xf32, #tpu.memory_space<vmem>>) dst(%dma_wait3A_147 : memref<10000x128xf32, #tpu.memory_space<vmem_shared>>)
            tpu.yield
          }) : () -> ()
        }
        %while3A_103 = arith.constant 1 : i32
        scf.for %while3A_104 = %while3A_101 to %while3A_97 step %while3A_103  : i32 {
          %mul3A_105 = arith.constant 2 : i32
          %mul3A_106 = arith.muli %while3A_104, %mul3A_105 : i32
          %add3A_107 = arith.constant 1 : i32
          %add3A_108 = arith.addi %mul3A_106, %add3A_107 : i32
          %dma_start3A_109 = arith.constant 0 : i32
          %dma_start3A_110 = tpu.memref_slice %arg9[%add3A_108, %dma_start3A_109] : memref<40x128xi32, #tpu.memory_space<vmem>> -> memref<1x128xi32, #tpu.memory_space<vmem>>
          %dma_start3A_111 = tpu.memref_squeeze %dma_start3A_110 : memref<1x128xi32, #tpu.memory_space<vmem>> -> memref<128xi32, #tpu.memory_space<vmem>>
          %dma_start3A_112 = arith.constant 0 : i32
          %dma_start3A_113 = arith.constant 0 : i32
          %dma_start3A_114 = tpu.memref_slice %arg3[%dma_start3A_112, %dma_start3A_113] : memref<10000x128xf32, #tpu.memory_space<hbm>> -> memref<10000x128xf32, #tpu.memory_space<hbm>>
          tpu.enqueue_indirect_dma source(%dma_start3A_114 : memref<10000x128xf32, #tpu.memory_space<hbm>>) target(%arg12 : memref<128x128xf32, #tpu.memory_space<vmem>>) offsets(%dma_start3A_111 : memref<128xi32, #tpu.memory_space<vmem>>) semaphore(%arg14 : memref<!tpu.dma_semaphore, #tpu.memory_space<semaphore_mem>>)
          %dma_wait3A = arith.constant 0 : i32
          %dma_wait3A_115 = tpu.memref_slice %arg9[%mul3A_106, %dma_wait3A] : memref<40x128xi32, #tpu.memory_space<vmem>> -> memref<1x128xi32, #tpu.memory_space<vmem>>
          %dma_wait3A_116 = tpu.memref_squeeze %dma_wait3A_115 : memref<1x128xi32, #tpu.memory_space<vmem>> -> memref<128xi32, #tpu.memory_space<vmem>>
          %dma_wait3A_117 = arith.constant 0 : i32
          %dma_wait3A_118 = arith.constant 0 : i32
          %dma_wait3A_119 = tpu.memref_slice %arg3[%dma_wait3A_117, %dma_wait3A_118] : memref<10000x128xf32, #tpu.memory_space<hbm>> -> memref<10000x128xf32, #tpu.memory_space<hbm>>
          tpu.wait_indirect_dma semaphore(%arg13 : memref<!tpu.dma_semaphore, #tpu.memory_space<semaphore_mem>>) src(%dma_wait3A_119 : memref<10000x128xf32, #tpu.memory_space<hbm>>) dst(%arg11 : memref<128x128xf32, #tpu.memory_space<vmem>>)
          "tpu.region"() ({
            %run_scoped3A_135 = tpu.sem_alloc : memref<!tpu.dma_semaphore, #tpu.memory_space<semaphore_mem>>
            %dma_start3A_136 = arith.constant 0 : i32
            %dma_start3A_137 = tpu.memref_slice %arg10[%mul3A_106, %dma_start3A_136] : memref<40x128xi32, #tpu.memory_space<vmem>> -> memref<1x128xi32, #tpu.memory_space<vmem>>
            %dma_start3A_138 = tpu.memref_squeeze %dma_start3A_137 : memref<1x128xi32, #tpu.memory_space<vmem>> -> memref<128xi32, #tpu.memory_space<vmem>>
            %dma_start3A_139 = arith.constant 0 : i32
            %dma_start3A_140 = arith.constant 0 : i32
            %dma_start3A_141 = tpu.memref_slice %arg8[%dma_start3A_139, %dma_start3A_140] : memref<10000x128xf32, #tpu.memory_space<vmem_shared>> -> memref<10000x128xf32, #tpu.memory_space<vmem_shared>>
            tpu.enqueue_indirect_dma source(%arg11 : memref<128x128xf32, #tpu.memory_space<vmem>>) target(%dma_start3A_141 : memref<10000x128xf32, #tpu.memory_space<vmem_shared>>) offsets(%dma_start3A_138 : memref<128xi32, #tpu.memory_space<vmem>>) semaphore(%run_scoped3A_135 : memref<!tpu.dma_semaphore, #tpu.memory_space<semaphore_mem>>) {add = true}
            %dma_wait3A_142 = arith.constant 0 : i32
            %dma_wait3A_143 = tpu.memref_slice %arg10[%mul3A_106, %dma_wait3A_142] : memref<40x128xi32, #tpu.memory_space<vmem>> -> memref<1x128xi32, #tpu.memory_space<vmem>>
            %dma_wait3A_144 = tpu.memref_squeeze %dma_wait3A_143 : memref<1x128xi32, #tpu.memory_space<vmem>> -> memref<128xi32, #tpu.memory_space<vmem>>
            %dma_wait3A_145 = arith.constant 0 : i32
            %dma_wait3A_146 = arith.constant 0 : i32
            %dma_wait3A_147 = tpu.memref_slice %arg8[%dma_wait3A_145, %dma_wait3A_146] : memref<10000x128xf32, #tpu.memory_space<vmem_shared>> -> memref<10000x128xf32, #tpu.memory_space<vmem_shared>>
            tpu.wait_indirect_dma semaphore(%run_scoped3A_135 : memref<!tpu.dma_semaphore, #tpu.memory_space<semaphore_mem>>) src(%arg11 : memref<128x128xf32, #tpu.memory_space<vmem>>) dst(%dma_wait3A_147 : memref<10000x128xf32, #tpu.memory_space<vmem_shared>>)
            tpu.yield
          }) : () -> ()
          %add3A_120 = arith.constant 1 : i32
          %add3A_121 = arith.addi %while3A_104, %add3A_120 : i32
          %lt3A = arith.cmpi slt, %add3A_121, %select_n3A_86 : i32
          %convert_element_type3A_122 = arith.extui %lt3A : i1 to i32
          %cond3A_123 = arith.constant 0 : i32
          %cond3A_124 = arith.cmpi ne, %convert_element_type3A_122, %cond3A_123 : i32
          scf.if %cond3A_124 {
            %add3A_135 = arith.constant 2 : i32
            %add3A_136 = arith.addi %mul3A_106, %add3A_135 : i32
            %dma_start3A_137 = arith.constant 0 : i32
            %dma_start3A_138 = tpu.memref_slice %arg9[%add3A_136, %dma_start3A_137] : memref<40x128xi32, #tpu.memory_space<vmem>> -> memref<1x128xi32, #tpu.memory_space<vmem>>
            %dma_start3A_139 = tpu.memref_squeeze %dma_start3A_138 : memref<1x128xi32, #tpu.memory_space<vmem>> -> memref<128xi32, #tpu.memory_space<vmem>>
            %dma_start3A_140 = arith.constant 0 : i32
            %dma_start3A_141 = arith.constant 0 : i32
            %dma_start3A_142 = tpu.memref_slice %arg3[%dma_start3A_140, %dma_start3A_141] : memref<10000x128xf32, #tpu.memory_space<hbm>> -> memref<10000x128xf32, #tpu.memory_space<hbm>>
            tpu.enqueue_indirect_dma source(%dma_start3A_142 : memref<10000x128xf32, #tpu.memory_space<hbm>>) target(%arg11 : memref<128x128xf32, #tpu.memory_space<vmem>>) offsets(%dma_start3A_139 : memref<128xi32, #tpu.memory_space<vmem>>) semaphore(%arg13 : memref<!tpu.dma_semaphore, #tpu.memory_space<semaphore_mem>>)
          } else {
          }
          %add3A_125 = arith.constant 1 : i32
          %add3A_126 = arith.addi %mul3A_106, %add3A_125 : i32
          %dma_wait3A_127 = arith.constant 0 : i32
          %dma_wait3A_128 = tpu.memref_slice %arg9[%add3A_126, %dma_wait3A_127] : memref<40x128xi32, #tpu.memory_space<vmem>> -> memref<1x128xi32, #tpu.memory_space<vmem>>
          %dma_wait3A_129 = tpu.memref_squeeze %dma_wait3A_128 : memref<1x128xi32, #tpu.memory_space<vmem>> -> memref<128xi32, #tpu.memory_space<vmem>>
          %dma_wait3A_130 = arith.constant 0 : i32
          %dma_wait3A_131 = arith.constant 0 : i32
          %dma_wait3A_132 = tpu.memref_slice %arg3[%dma_wait3A_130, %dma_wait3A_131] : memref<10000x128xf32, #tpu.memory_space<hbm>> -> memref<10000x128xf32, #tpu.memory_space<hbm>>
          tpu.wait_indirect_dma semaphore(%arg14 : memref<!tpu.dma_semaphore, #tpu.memory_space<semaphore_mem>>) src(%dma_wait3A_132 : memref<10000x128xf32, #tpu.memory_space<hbm>>) dst(%arg12 : memref<128x128xf32, #tpu.memory_space<vmem>>)
          %add3A_133 = arith.constant 1 : i32
          %add3A_134 = arith.addi %mul3A_106, %add3A_133 : i32
          "tpu.region"() ({
            %run_scoped3A_135 = tpu.sem_alloc : memref<!tpu.dma_semaphore, #tpu.memory_space<semaphore_mem>>
            %dma_start3A_136 = arith.constant 0 : i32
            %dma_start3A_137 = tpu.memref_slice %arg10[%add3A_134, %dma_start3A_136] : memref<40x128xi32, #tpu.memory_space<vmem>> -> memref<1x128xi32, #tpu.memory_space<vmem>>
            %dma_start3A_138 = tpu.memref_squeeze %dma_start3A_137 : memref<1x128xi32, #tpu.memory_space<vmem>> -> memref<128xi32, #tpu.memory_space<vmem>>
            %dma_start3A_139 = arith.constant 0 : i32
            %dma_start3A_140 = arith.constant 0 : i32
            %dma_start3A_141 = tpu.memref_slice %arg8[%dma_start3A_139, %dma_start3A_140] : memref<10000x128xf32, #tpu.memory_space<vmem_shared>> -> memref<10000x128xf32, #tpu.memory_space<vmem_shared>>
            tpu.enqueue_indirect_dma source(%arg12 : memref<128x128xf32, #tpu.memory_space<vmem>>) target(%dma_start3A_141 : memref<10000x128xf32, #tpu.memory_space<vmem_shared>>) offsets(%dma_start3A_138 : memref<128xi32, #tpu.memory_space<vmem>>) semaphore(%run_scoped3A_135 : memref<!tpu.dma_semaphore, #tpu.memory_space<semaphore_mem>>) {add = true}
            %dma_wait3A_142 = arith.constant 0 : i32
            %dma_wait3A_143 = tpu.memref_slice %arg10[%add3A_134, %dma_wait3A_142] : memref<40x128xi32, #tpu.memory_space<vmem>> -> memref<1x128xi32, #tpu.memory_space<vmem>>
            %dma_wait3A_144 = tpu.memref_squeeze %dma_wait3A_143 : memref<1x128xi32, #tpu.memory_space<vmem>> -> memref<128xi32, #tpu.memory_space<vmem>>
            %dma_wait3A_145 = arith.constant 0 : i32
            %dma_wait3A_146 = arith.constant 0 : i32
            %dma_wait3A_147 = tpu.memref_slice %arg8[%dma_wait3A_145, %dma_wait3A_146] : memref<10000x128xf32, #tpu.memory_space<vmem_shared>> -> memref<10000x128xf32, #tpu.memory_space<vmem_shared>>
            tpu.wait_indirect_dma semaphore(%run_scoped3A_135 : memref<!tpu.dma_semaphore, #tpu.memory_space<semaphore_mem>>) src(%arg12 : memref<128x128xf32, #tpu.memory_space<vmem>>) dst(%dma_wait3A_147 : memref<10000x128xf32, #tpu.memory_space<vmem_shared>>)
            tpu.yield
          }) : () -> ()
        }
      }
    } else {
    }
    %barrier3A_16 = arith.constant 0 : index
    tpu.barrier barrier_id(%barrier3A_16)
    %eq3A_17 = arith.constant 0 : i32
    %eq3A_18 = arith.cmpi eq, %arg0, %eq3A_17 : i32
    %convert_element_type3A_19 = arith.extui %eq3A_18 : i1 to i32
    %cond3A_20 = arith.constant 0 : i32
    %cond3A_21 = arith.cmpi ne, %convert_element_type3A_19, %cond3A_20 : i32
    scf.if %cond3A_21 {
      %lt3A = arith.constant 15 : i32
      %lt3A_27 = arith.cmpi slt, %arg1, %lt3A : i32
      %convert_element_type3A_28 = arith.extui %lt3A_27 : i1 to i32
      %cond3A_29 = arith.constant 0 : i32
      %cond3A_30 = arith.cmpi ne, %convert_element_type3A_28, %cond3A_29 : i32
      scf.if %cond3A_30 {
        %mul3A_36 = arith.constant 624 : i32
        %mul3A_37 = arith.muli %arg1, %mul3A_36 : i32
        %multiple_of3A = tpu.assume_multiple %mul3A_37, 8 : i32
        "tpu.region"() ({
          %run_scoped3A = tpu.sem_alloc : memref<!tpu.dma_semaphore, #tpu.memory_space<semaphore_mem>>
          %dma_start3A = arith.constant 0 : i32
          %dma_start3A_38 = tpu.memref_slice %arg6[%multiple_of3A, %dma_start3A] : memref<10000x128xf32, #tpu.memory_space<hbm>> -> memref<624x128xf32, #tpu.memory_space<hbm>>
          %dma_start3A_39 = arith.constant 0 : i32
          %dma_start3A_40 = tpu.memref_slice %arg8[%multiple_of3A, %dma_start3A_39] : memref<10000x128xf32, #tpu.memory_space<vmem_shared>> -> memref<624x128xf32, #tpu.memory_space<vmem_shared>>
          tpu.enqueue_dma source(%dma_start3A_40 : memref<624x128xf32, #tpu.memory_space<vmem_shared>>) target(%dma_start3A_38 : memref<624x128xf32, #tpu.memory_space<hbm>>) target_semaphore(%run_scoped3A : memref<!tpu.dma_semaphore, #tpu.memory_space<semaphore_mem>>)
          %dma_wait3A = arith.constant 0 : i32
          %dma_wait3A_41 = tpu.memref_slice %arg6[%multiple_of3A, %dma_wait3A] : memref<10000x128xf32, #tpu.memory_space<hbm>> -> memref<624x128xf32, #tpu.memory_space<hbm>>
          %dma_wait3A_42 = arith.constant 0 : i32
          %dma_wait3A_43 = tpu.memref_slice %arg8[%multiple_of3A, %dma_wait3A_42] : memref<10000x128xf32, #tpu.memory_space<vmem_shared>> -> memref<624x128xf32, #tpu.memory_space<vmem_shared>>
          tpu.wait_dma2 semaphore(%run_scoped3A : memref<!tpu.dma_semaphore, #tpu.memory_space<semaphore_mem>>) src(%dma_wait3A_43 : memref<624x128xf32, #tpu.memory_space<vmem_shared>>) dst(%dma_wait3A_41 : memref<624x128xf32, #tpu.memory_space<hbm>>)
          tpu.yield
        }) : () -> ()
      } else {
      }
      %eq3A_31 = arith.constant 15 : i32
      %eq3A_32 = arith.cmpi eq, %arg1, %eq3A_31 : i32
      %convert_element_type3A_33 = arith.extui %eq3A_32 : i1 to i32
      %cond3A_34 = arith.constant 0 : i32
      %cond3A_35 = arith.cmpi ne, %convert_element_type3A_33, %cond3A_34 : i32
      scf.if %cond3A_35 {
        "tpu.region"() ({
          %run_scoped3A = tpu.sem_alloc : memref<!tpu.dma_semaphore, #tpu.memory_space<semaphore_mem>>
          %dma_start3A = arith.constant 9360 : i32
          %dma_start3A_36 = arith.constant 0 : i32
          %dma_start3A_37 = tpu.memref_slice %arg6[%dma_start3A, %dma_start3A_36] : memref<10000x128xf32, #tpu.memory_space<hbm>> -> memref<640x128xf32, #tpu.memory_space<hbm>>
          %dma_start3A_38 = arith.constant 9360 : i32
          %dma_start3A_39 = arith.constant 0 : i32
          %dma_start3A_40 = tpu.memref_slice %arg8[%dma_start3A_38, %dma_start3A_39] : memref<10000x128xf32, #tpu.memory_space<vmem_shared>> -> memref<640x128xf32, #tpu.memory_space<vmem_shared>>
          tpu.enqueue_dma source(%dma_start3A_40 : memref<640x128xf32, #tpu.memory_space<vmem_shared>>) target(%dma_start3A_37 : memref<640x128xf32, #tpu.memory_space<hbm>>) target_semaphore(%run_scoped3A : memref<!tpu.dma_semaphore, #tpu.memory_space<semaphore_mem>>)
          %dma_wait3A = arith.constant 9360 : i32
          %dma_wait3A_41 = arith.constant 0 : i32
          %dma_wait3A_42 = tpu.memref_slice %arg6[%dma_wait3A, %dma_wait3A_41] : memref<10000x128xf32, #tpu.memory_space<hbm>> -> memref<640x128xf32, #tpu.memory_space<hbm>>
          %dma_wait3A_43 = arith.constant 9360 : i32
          %dma_wait3A_44 = arith.constant 0 : i32
          %dma_wait3A_45 = tpu.memref_slice %arg8[%dma_wait3A_43, %dma_wait3A_44] : memref<10000x128xf32, #tpu.memory_space<vmem_shared>> -> memref<640x128xf32, #tpu.memory_space<vmem_shared>>
          tpu.wait_dma2 semaphore(%run_scoped3A : memref<!tpu.dma_semaphore, #tpu.memory_space<semaphore_mem>>) src(%dma_wait3A_45 : memref<640x128xf32, #tpu.memory_space<vmem_shared>>) dst(%dma_wait3A_42 : memref<640x128xf32, #tpu.memory_space<hbm>>)
          tpu.yield
        }) : () -> ()
      } else {
      }
    } else {
    }
    %eq3A_22 = arith.constant 1 : i32
    %eq3A_23 = arith.cmpi eq, %arg0, %eq3A_22 : i32
    %convert_element_type3A_24 = arith.extui %eq3A_23 : i1 to i32
    %cond3A_25 = arith.constant 0 : i32
    %cond3A_26 = arith.cmpi ne, %convert_element_type3A_24, %cond3A_25 : i32
    scf.if %cond3A_26 {
      %lt3A = arith.constant 15 : i32
      %lt3A_27 = arith.cmpi slt, %arg1, %lt3A : i32
      %convert_element_type3A_28 = arith.extui %lt3A_27 : i1 to i32
      %cond3A_29 = arith.constant 0 : i32
      %cond3A_30 = arith.cmpi ne, %convert_element_type3A_28, %cond3A_29 : i32
      scf.if %cond3A_30 {
        %mul3A_36 = arith.constant 624 : i32
        %mul3A_37 = arith.muli %arg1, %mul3A_36 : i32
        %multiple_of3A = tpu.assume_multiple %mul3A_37, 8 : i32
        "tpu.region"() ({
          %run_scoped3A = tpu.sem_alloc : memref<!tpu.dma_semaphore, #tpu.memory_space<semaphore_mem>>
          %dma_start3A = arith.constant 0 : i32
          %dma_start3A_38 = tpu.memref_slice %arg7[%multiple_of3A, %dma_start3A] : memref<10000x128xf32, #tpu.memory_space<hbm>> -> memref<624x128xf32, #tpu.memory_space<hbm>>
          %dma_start3A_39 = arith.constant 0 : i32
          %dma_start3A_40 = tpu.memref_slice %arg8[%multiple_of3A, %dma_start3A_39] : memref<10000x128xf32, #tpu.memory_space<vmem_shared>> -> memref<624x128xf32, #tpu.memory_space<vmem_shared>>
          tpu.enqueue_dma source(%dma_start3A_40 : memref<624x128xf32, #tpu.memory_space<vmem_shared>>) target(%dma_start3A_38 : memref<624x128xf32, #tpu.memory_space<hbm>>) target_semaphore(%run_scoped3A : memref<!tpu.dma_semaphore, #tpu.memory_space<semaphore_mem>>)
          %dma_wait3A = arith.constant 0 : i32
          %dma_wait3A_41 = tpu.memref_slice %arg7[%multiple_of3A, %dma_wait3A] : memref<10000x128xf32, #tpu.memory_space<hbm>> -> memref<624x128xf32, #tpu.memory_space<hbm>>
          %dma_wait3A_42 = arith.constant 0 : i32
          %dma_wait3A_43 = tpu.memref_slice %arg8[%multiple_of3A, %dma_wait3A_42] : memref<10000x128xf32, #tpu.memory_space<vmem_shared>> -> memref<624x128xf32, #tpu.memory_space<vmem_shared>>
          tpu.wait_dma2 semaphore(%run_scoped3A : memref<!tpu.dma_semaphore, #tpu.memory_space<semaphore_mem>>) src(%dma_wait3A_43 : memref<624x128xf32, #tpu.memory_space<vmem_shared>>) dst(%dma_wait3A_41 : memref<624x128xf32, #tpu.memory_space<hbm>>)
          tpu.yield
        }) : () -> ()
      } else {
      }
      %eq3A_31 = arith.constant 15 : i32
      %eq3A_32 = arith.cmpi eq, %arg1, %eq3A_31 : i32
      %convert_element_type3A_33 = arith.extui %eq3A_32 : i1 to i32
      %cond3A_34 = arith.constant 0 : i32
      %cond3A_35 = arith.cmpi ne, %convert_element_type3A_33, %cond3A_34 : i32
      scf.if %cond3A_35 {
        "tpu.region"() ({
          %run_scoped3A = tpu.sem_alloc : memref<!tpu.dma_semaphore, #tpu.memory_space<semaphore_mem>>
          %dma_start3A = arith.constant 9360 : i32
          %dma_start3A_36 = arith.constant 0 : i32
          %dma_start3A_37 = tpu.memref_slice %arg7[%dma_start3A, %dma_start3A_36] : memref<10000x128xf32, #tpu.memory_space<hbm>> -> memref<640x128xf32, #tpu.memory_space<hbm>>
          %dma_start3A_38 = arith.constant 9360 : i32
          %dma_start3A_39 = arith.constant 0 : i32
          %dma_start3A_40 = tpu.memref_slice %arg8[%dma_start3A_38, %dma_start3A_39] : memref<10000x128xf32, #tpu.memory_space<vmem_shared>> -> memref<640x128xf32, #tpu.memory_space<vmem_shared>>
          tpu.enqueue_dma source(%dma_start3A_40 : memref<640x128xf32, #tpu.memory_space<vmem_shared>>) target(%dma_start3A_37 : memref<640x128xf32, #tpu.memory_space<hbm>>) target_semaphore(%run_scoped3A : memref<!tpu.dma_semaphore, #tpu.memory_space<semaphore_mem>>)
          %dma_wait3A = arith.constant 9360 : i32
          %dma_wait3A_41 = arith.constant 0 : i32
          %dma_wait3A_42 = tpu.memref_slice %arg7[%dma_wait3A, %dma_wait3A_41] : memref<10000x128xf32, #tpu.memory_space<hbm>> -> memref<640x128xf32, #tpu.memory_space<hbm>>
          %dma_wait3A_43 = arith.constant 9360 : i32
          %dma_wait3A_44 = arith.constant 0 : i32
          %dma_wait3A_45 = tpu.memref_slice %arg8[%dma_wait3A_43, %dma_wait3A_44] : memref<10000x128xf32, #tpu.memory_space<vmem_shared>> -> memref<640x128xf32, #tpu.memory_space<vmem_shared>>
          tpu.wait_dma2 semaphore(%run_scoped3A : memref<!tpu.dma_semaphore, #tpu.memory_space<semaphore_mem>>) src(%dma_wait3A_45 : memref<640x128xf32, #tpu.memory_space<vmem_shared>>) dst(%dma_wait3A_42 : memref<640x128xf32, #tpu.memory_space<hbm>>)
          tpu.yield
        }) : () -> ()
      } else {
      }
    } else {
    }
    return
  }
}

module attributes {stable_mosaic.version = 14 : i64} {
  func.func @_tc_root1_body(%arg0: i32, %arg1: memref<1000x128xf32, #tpu.memory_space<vmem>>, %arg2: memref<128x256xf32, #tpu.memory_space<vmem>>, %arg3: memref<1x256xf32, #tpu.memory_space<vmem>>, %arg4: memref<1000x256xf32, #tpu.memory_space<vmem>>) attributes {dimension_semantics = [#tpu.dimension_semantics<arbitrary>], iteration_bounds = array<i64: 10>, scalar_prefetch = 0 : i64, scratch_operands = 0 : i64, tpu.core_type = #tpu.core_type<tc>, window_params = [{transform_indices = @transform_0, window_bounds = array<i64: 1000, 128>}, {pipeline_mode = #tpu.pipeline_mode<synchronous>, transform_indices = @transform_1, window_bounds = array<i64: 128, 256>}, {pipeline_mode = #tpu.pipeline_mode<synchronous>, transform_indices = @transform_2, window_bounds = array<i64: 1, 256>}, {transform_indices = @transform_3, window_bounds = array<i64: 1000, 256>}]} {
    %get3A = arith.constant 0 : index
    %get3A_0 = arith.constant 0 : index
    %get3A_1 = vector.load %arg1[%get3A, %get3A_0] : memref<1000x128xf32, #tpu.memory_space<vmem>>, vector<1000x128xf32>
    %get3A_2 = arith.constant 0 : index
    %get3A_3 = arith.constant 0 : index
    %get3A_4 = vector.load %arg2[%get3A_2, %get3A_3] : memref<128x256xf32, #tpu.memory_space<vmem>>, vector<128x256xf32>
    %dot_general3A = arith.constant dense<0.000000e+00> : vector<1000x256xf32>
    %dot_general3A_5 = tpu.matmul %get3A_1, %get3A_4, %dot_general3A {dimension_numbers = #tpu.dot_dimension_numbers<[1], [0], [0], [1], [0, 0, 1, 1], [], []>, transpose_lhs_hint = false} : vector<1000x128xf32>, vector<128x256xf32>, vector<1000x256xf32> -> vector<1000x256xf32>
    %get3A_6 = arith.constant 0 : index
    %get3A_7 = arith.constant 0 : index
    %get3A_8 = vector.load %arg3[%get3A_6, %get3A_7] : memref<1x256xf32, #tpu.memory_space<vmem>>, vector<1x256xf32>
    %add3A = vector.broadcast %get3A_8 : vector<1x256xf32> to vector<1000x256xf32>
    %add3A_9 = arith.addf %dot_general3A_5, %add3A : vector<1000x256xf32>
    %swap3A = arith.constant 0 : index
    %swap3A_10 = arith.constant 0 : index
    %swap3A_11 = vector.load %arg4[%swap3A, %swap3A_10] : memref<1000x256xf32, #tpu.memory_space<vmem>>, vector<1000x256xf32>
    tpu.vector_store %arg4[%swap3A, %swap3A_10], %add3A_9 {strides = array<i32>} : memref<1000x256xf32, #tpu.memory_space<vmem>>, vector<1000x256xf32>,
    return
  }
  func.func @transform_0(%arg0: i32) -> (i32, i32) {
    %c0_i32 = arith.constant 0 : i32
    %c0_i32_0 = arith.constant 0 : i32
    return %arg0, %c0_i32 : i32, i32
  }
  func.func @transform_1(%arg0: i32) -> (i32, i32) {
    %c0_i32 = arith.constant 0 : i32
    %c0_i32_0 = arith.constant 0 : i32
    %c0_i32_1 = arith.constant 0 : i32
    return %c0_i32, %c0_i32_0 : i32, i32
  }
  func.func @transform_2(%arg0: i32) -> (i32, i32) {
    %c0_i32 = arith.constant 0 : i32
    %c0_i32_0 = arith.constant 0 : i32
    %c0_i32_1 = arith.constant 0 : i32
    return %c0_i32, %c0_i32_0 : i32, i32
  }
  func.func @transform_3(%arg0: i32) -> (i32, i32) {
    %c0_i32 = arith.constant 0 : i32
    %c0_i32_0 = arith.constant 0 : i32
    return %arg0, %c0_i32 : i32, i32
  }
}

module attributes {stable_mosaic.version = 14 : i64} {
  func.func @_tc_fin1_body(%arg0: i32, %arg1: memref<1000x128xf32, #tpu.memory_space<vmem>>, %arg2: memref<1000x128xf32, #tpu.memory_space<vmem>>, %arg3: memref<1000x256xf32, #tpu.memory_space<vmem>>, %arg4: memref<128x256xf32, #tpu.memory_space<vmem>>, %arg5: memref<1000x128xf32, #tpu.memory_space<vmem>>, %arg6: memref<1000x128xf32, #tpu.memory_space<vmem>>) attributes {dimension_semantics = [#tpu.dimension_semantics<arbitrary>], iteration_bounds = array<i64: 10>, scalar_prefetch = 0 : i64, scratch_operands = 0 : i64, tpu.core_type = #tpu.core_type<tc>, window_params = [{transform_indices = @transform_0, window_bounds = array<i64: 1000, 128>}, {transform_indices = @transform_1, window_bounds = array<i64: 1000, 128>}, {transform_indices = @transform_2, window_bounds = array<i64: 1000, 256>}, {pipeline_mode = #tpu.pipeline_mode<synchronous>, transform_indices = @transform_3, window_bounds = array<i64: 128, 256>}, {transform_indices = @transform_4, window_bounds = array<i64: 1000, 128>}, {transform_indices = @transform_5, window_bounds = array<i64: 1000, 128>}]} {
    %get3A = arith.constant 0 : index
    %get3A_0 = arith.constant 0 : index
    %get3A_1 = vector.load %arg1[%get3A, %get3A_0] : memref<1000x128xf32, #tpu.memory_space<vmem>>, vector<1000x128xf32>
    %get3A_2 = arith.constant 0 : index
    %get3A_3 = arith.constant 0 : index
    %get3A_4 = vector.load %arg2[%get3A_2, %get3A_3] : memref<1000x128xf32, #tpu.memory_space<vmem>>, vector<1000x128xf32>
    %add3A = arith.addf %get3A_1, %get3A_4 : vector<1000x128xf32>
    %get3A_5 = arith.constant 0 : index
    %get3A_6 = arith.constant 0 : index
    %get3A_7 = vector.load %arg4[%get3A_5, %get3A_6] : memref<128x256xf32, #tpu.memory_space<vmem>>, vector<128x256xf32>
    %dot_general3A = arith.constant dense<0.000000e+00> : vector<1000x256xf32>
    %dot_general3A_8 = tpu.matmul %add3A, %get3A_7, %dot_general3A {dimension_numbers = #tpu.dot_dimension_numbers<[1], [0], [0], [1], [0, 0, 1, 1], [], []>, transpose_lhs_hint = false} : vector<1000x128xf32>, vector<128x256xf32>, vector<1000x256xf32> -> vector<1000x256xf32>
    %get3A_9 = arith.constant 0 : index
    %get3A_10 = arith.constant 0 : index
    %get3A_11 = vector.load %arg3[%get3A_9, %get3A_10] : memref<1000x256xf32, #tpu.memory_space<vmem>>, vector<1000x256xf32>
    %add3A_12 = arith.addf %dot_general3A_8, %get3A_11 : vector<1000x256xf32>
    %max3A = arith.constant 0.000000e+00 : f32
    %max3A_13 = vector.broadcast %max3A : f32 to vector<1000x256xf32>
    %max3A_14 = arith.maximumf %add3A_12, %max3A_13 : vector<1000x256xf32>
    %slice3A = vector.extract_strided_slice %max3A_14 {offsets = [0, 0], sizes = [1000, 128], strides = [1, 1]} : vector<1000x256xf32> to vector<1000x128xf32>
    %swap3A = arith.constant 0 : index
    %swap3A_15 = arith.constant 0 : index
    %swap3A_16 = vector.load %arg5[%swap3A, %swap3A_15] : memref<1000x128xf32, #tpu.memory_space<vmem>>, vector<1000x128xf32>
    tpu.vector_store %arg5[%swap3A, %swap3A_15], %slice3A {strides = array<i32>} : memref<1000x128xf32, #tpu.memory_space<vmem>>, vector<1000x128xf32>,
    %slice3A_17 = vector.extract_strided_slice %max3A_14 {offsets = [0, 128], sizes = [1000, 128], strides = [1, 1]} : vector<1000x256xf32> to vector<1000x128xf32>
    %swap3A_18 = arith.constant 0 : index
    %swap3A_19 = arith.constant 0 : index
    %swap3A_20 = vector.load %arg6[%swap3A_18, %swap3A_19] : memref<1000x128xf32, #tpu.memory_space<vmem>>, vector<1000x128xf32>
    tpu.vector_store %arg6[%swap3A_18, %swap3A_19], %slice3A_17 {strides = array<i32>} : memref<1000x128xf32, #tpu.memory_space<vmem>>, vector<1000x128xf32>,
    return
  }
  func.func @transform_0(%arg0: i32) -> (i32, i32) {
    %c0_i32 = arith.constant 0 : i32
    %c0_i32_0 = arith.constant 0 : i32
    return %arg0, %c0_i32 : i32, i32
  }
  func.func @transform_1(%arg0: i32) -> (i32, i32) {
    %c0_i32 = arith.constant 0 : i32
    %c0_i32_0 = arith.constant 0 : i32
    return %arg0, %c0_i32 : i32, i32
  }
  func.func @transform_2(%arg0: i32) -> (i32, i32) {
    %c0_i32 = arith.constant 0 : i32
    %c0_i32_0 = arith.constant 0 : i32
    return %arg0, %c0_i32 : i32, i32
  }
  func.func @transform_3(%arg0: i32) -> (i32, i32) {
    %c0_i32 = arith.constant 0 : i32
    %c0_i32_0 = arith.constant 0 : i32
    %c0_i32_1 = arith.constant 0 : i32
    return %c0_i32, %c0_i32_0 : i32, i32
  }
  func.func @transform_4(%arg0: i32) -> (i32, i32) {
    %c0_i32 = arith.constant 0 : i32
    %c0_i32_0 = arith.constant 0 : i32
    return %arg0, %c0_i32 : i32, i32
  }
  func.func @transform_5(%arg0: i32) -> (i32, i32) {
    %c0_i32 = arith.constant 0 : i32
    %c0_i32_0 = arith.constant 0 : i32
    return %arg0, %c0_i32 : i32, i32
  }
}

module attributes {stable_mosaic.version = 14 : i64} {
  func.func @_tc_fin2_body(%arg0: i32, %arg1: memref<1000x128xf32, #tpu.memory_space<vmem>>, %arg2: memref<1000x128xf32, #tpu.memory_space<vmem>>, %arg3: memref<1000x256xf32, #tpu.memory_space<vmem>>, %arg4: memref<128x256xf32, #tpu.memory_space<vmem>>, %arg5: memref<128x256xf32, #tpu.memory_space<vmem>>, %arg6: memref<1000x256xf32, #tpu.memory_space<vmem>>) attributes {dimension_semantics = [#tpu.dimension_semantics<arbitrary>], iteration_bounds = array<i64: 10>, scalar_prefetch = 0 : i64, scratch_operands = 0 : i64, tpu.core_type = #tpu.core_type<tc>, window_params = [{transform_indices = @transform_0, window_bounds = array<i64: 1000, 128>}, {transform_indices = @transform_1, window_bounds = array<i64: 1000, 128>}, {transform_indices = @transform_2, window_bounds = array<i64: 1000, 256>}, {pipeline_mode = #tpu.pipeline_mode<synchronous>, transform_indices = @transform_3, window_bounds = array<i64: 128, 256>}, {pipeline_mode = #tpu.pipeline_mode<synchronous>, transform_indices = @transform_4, window_bounds = array<i64: 128, 256>}, {transform_indices = @transform_5, window_bounds = array<i64: 1000, 256>}]} {
    %get3A = arith.constant 0 : index
    %get3A_0 = arith.constant 0 : index
    %get3A_1 = vector.load %arg1[%get3A, %get3A_0] : memref<1000x128xf32, #tpu.memory_space<vmem>>, vector<1000x128xf32>
    %get3A_2 = arith.constant 0 : index
    %get3A_3 = arith.constant 0 : index
    %get3A_4 = vector.load %arg4[%get3A_2, %get3A_3] : memref<128x256xf32, #tpu.memory_space<vmem>>, vector<128x256xf32>
    %dot_general3A = arith.constant dense<0.000000e+00> : vector<1000x256xf32>
    %dot_general3A_5 = tpu.matmul %get3A_1, %get3A_4, %dot_general3A {dimension_numbers = #tpu.dot_dimension_numbers<[1], [0], [0], [1], [0, 0, 1, 1], [], []>, transpose_lhs_hint = false} : vector<1000x128xf32>, vector<128x256xf32>, vector<1000x256xf32> -> vector<1000x256xf32>
    %get3A_6 = arith.constant 0 : index
    %get3A_7 = arith.constant 0 : index
    %get3A_8 = vector.load %arg2[%get3A_6, %get3A_7] : memref<1000x128xf32, #tpu.memory_space<vmem>>, vector<1000x128xf32>
    %get3A_9 = arith.constant 0 : index
    %get3A_10 = arith.constant 0 : index
    %get3A_11 = vector.load %arg5[%get3A_9, %get3A_10] : memref<128x256xf32, #tpu.memory_space<vmem>>, vector<128x256xf32>
    %dot_general3A_12 = arith.constant dense<0.000000e+00> : vector<1000x256xf32>
    %dot_general3A_13 = tpu.matmul %get3A_8, %get3A_11, %dot_general3A_12 {dimension_numbers = #tpu.dot_dimension_numbers<[1], [0], [0], [1], [0, 0, 1, 1], [], []>, transpose_lhs_hint = false} : vector<1000x128xf32>, vector<128x256xf32>, vector<1000x256xf32> -> vector<1000x256xf32>
    %add3A = arith.addf %dot_general3A_5, %dot_general3A_13 : vector<1000x256xf32>
    %get3A_14 = arith.constant 0 : index
    %get3A_15 = arith.constant 0 : index
    %get3A_16 = vector.load %arg3[%get3A_14, %get3A_15] : memref<1000x256xf32, #tpu.memory_space<vmem>>, vector<1000x256xf32>
    %add3A_17 = arith.addf %add3A, %get3A_16 : vector<1000x256xf32>
    %swap3A = arith.constant 0 : index
    %swap3A_18 = arith.constant 0 : index
    %swap3A_19 = vector.load %arg6[%swap3A, %swap3A_18] : memref<1000x256xf32, #tpu.memory_space<vmem>>, vector<1000x256xf32>
    tpu.vector_store %arg6[%swap3A, %swap3A_18], %add3A_17 {strides = array<i32>} : memref<1000x256xf32, #tpu.memory_space<vmem>>, vector<1000x256xf32>,
    return
  }
  func.func @transform_0(%arg0: i32) -> (i32, i32) {
    %c0_i32 = arith.constant 0 : i32
    %c0_i32_0 = arith.constant 0 : i32
    return %arg0, %c0_i32 : i32, i32
  }
  func.func @transform_1(%arg0: i32) -> (i32, i32) {
    %c0_i32 = arith.constant 0 : i32
    %c0_i32_0 = arith.constant 0 : i32
    return %arg0, %c0_i32 : i32, i32
  }
  func.func @transform_2(%arg0: i32) -> (i32, i32) {
    %c0_i32 = arith.constant 0 : i32
    %c0_i32_0 = arith.constant 0 : i32
    return %arg0, %c0_i32 : i32, i32
  }
  func.func @transform_3(%arg0: i32) -> (i32, i32) {
    %c0_i32 = arith.constant 0 : i32
    %c0_i32_0 = arith.constant 0 : i32
    %c0_i32_1 = arith.constant 0 : i32
    return %c0_i32, %c0_i32_0 : i32, i32
  }
  func.func @transform_4(%arg0: i32) -> (i32, i32) {
    %c0_i32 = arith.constant 0 : i32
    %c0_i32_0 = arith.constant 0 : i32
    %c0_i32_1 = arith.constant 0 : i32
    return %c0_i32, %c0_i32_0 : i32, i32
  }
  func.func @transform_5(%arg0: i32) -> (i32, i32) {
    %c0_i32 = arith.constant 0 : i32
    %c0_i32_0 = arith.constant 0 : i32
    return %arg0, %c0_i32 : i32, i32
  }
}

module attributes {stable_mosaic.version = 14 : i64} {
  func.func @_tc_root2_body(%arg0: i32, %arg1: memref<1000x128xf32, #tpu.memory_space<vmem>>, %arg2: memref<1000x128xf32, #tpu.memory_space<vmem>>, %arg3: memref<128x256xf32, #tpu.memory_space<vmem>>, %arg4: memref<128x256xf32, #tpu.memory_space<vmem>>, %arg5: memref<1x256xf32, #tpu.memory_space<vmem>>, %arg6: memref<1000x256xf32, #tpu.memory_space<vmem>>) attributes {dimension_semantics = [#tpu.dimension_semantics<arbitrary>], iteration_bounds = array<i64: 10>, scalar_prefetch = 0 : i64, scratch_operands = 0 : i64, tpu.core_type = #tpu.core_type<tc>, window_params = [{transform_indices = @transform_0, window_bounds = array<i64: 1000, 128>}, {transform_indices = @transform_1, window_bounds = array<i64: 1000, 128>}, {pipeline_mode = #tpu.pipeline_mode<synchronous>, transform_indices = @transform_2, window_bounds = array<i64: 128, 256>}, {pipeline_mode = #tpu.pipeline_mode<synchronous>, transform_indices = @transform_3, window_bounds = array<i64: 128, 256>}, {pipeline_mode = #tpu.pipeline_mode<synchronous>, transform_indices = @transform_4, window_bounds = array<i64: 1, 256>}, {transform_indices = @transform_5, window_bounds = array<i64: 1000, 256>}]} {
    %get3A = arith.constant 0 : index
    %get3A_0 = arith.constant 0 : index
    %get3A_1 = vector.load %arg1[%get3A, %get3A_0] : memref<1000x128xf32, #tpu.memory_space<vmem>>, vector<1000x128xf32>
    %get3A_2 = arith.constant 0 : index
    %get3A_3 = arith.constant 0 : index
    %get3A_4 = vector.load %arg3[%get3A_2, %get3A_3] : memref<128x256xf32, #tpu.memory_space<vmem>>, vector<128x256xf32>
    %dot_general3A = arith.constant dense<0.000000e+00> : vector<1000x256xf32>
    %dot_general3A_5 = tpu.matmul %get3A_1, %get3A_4, %dot_general3A {dimension_numbers = #tpu.dot_dimension_numbers<[1], [0], [0], [1], [0, 0, 1, 1], [], []>, transpose_lhs_hint = false} : vector<1000x128xf32>, vector<128x256xf32>, vector<1000x256xf32> -> vector<1000x256xf32>
    %get3A_6 = arith.constant 0 : index
    %get3A_7 = arith.constant 0 : index
    %get3A_8 = vector.load %arg2[%get3A_6, %get3A_7] : memref<1000x128xf32, #tpu.memory_space<vmem>>, vector<1000x128xf32>
    %get3A_9 = arith.constant 0 : index
    %get3A_10 = arith.constant 0 : index
    %get3A_11 = vector.load %arg4[%get3A_9, %get3A_10] : memref<128x256xf32, #tpu.memory_space<vmem>>, vector<128x256xf32>
    %dot_general3A_12 = arith.constant dense<0.000000e+00> : vector<1000x256xf32>
    %dot_general3A_13 = tpu.matmul %get3A_8, %get3A_11, %dot_general3A_12 {dimension_numbers = #tpu.dot_dimension_numbers<[1], [0], [0], [1], [0, 0, 1, 1], [], []>, transpose_lhs_hint = false} : vector<1000x128xf32>, vector<128x256xf32>, vector<1000x256xf32> -> vector<1000x256xf32>
    %add3A = arith.addf %dot_general3A_5, %dot_general3A_13 : vector<1000x256xf32>
    %get3A_14 = arith.constant 0 : index
    %get3A_15 = arith.constant 0 : index
    %get3A_16 = vector.load %arg5[%get3A_14, %get3A_15] : memref<1x256xf32, #tpu.memory_space<vmem>>, vector<1x256xf32>
    %add3A_17 = vector.broadcast %get3A_16 : vector<1x256xf32> to vector<1000x256xf32>
    %add3A_18 = arith.addf %add3A, %add3A_17 : vector<1000x256xf32>
    %swap3A = arith.constant 0 : index
    %swap3A_19 = arith.constant 0 : index
    %swap3A_20 = vector.load %arg6[%swap3A, %swap3A_19] : memref<1000x256xf32, #tpu.memory_space<vmem>>, vector<1000x256xf32>
    tpu.vector_store %arg6[%swap3A, %swap3A_19], %add3A_18 {strides = array<i32>} : memref<1000x256xf32, #tpu.memory_space<vmem>>, vector<1000x256xf32>,
    return
  }
  func.func @transform_0(%arg0: i32) -> (i32, i32) {
    %c0_i32 = arith.constant 0 : i32
    %c0_i32_0 = arith.constant 0 : i32
    return %arg0, %c0_i32 : i32, i32
  }
  func.func @transform_1(%arg0: i32) -> (i32, i32) {
    %c0_i32 = arith.constant 0 : i32
    %c0_i32_0 = arith.constant 0 : i32
    return %arg0, %c0_i32 : i32, i32
  }
  func.func @transform_2(%arg0: i32) -> (i32, i32) {
    %c0_i32 = arith.constant 0 : i32
    %c0_i32_0 = arith.constant 0 : i32
    %c0_i32_1 = arith.constant 0 : i32
    return %c0_i32, %c0_i32_0 : i32, i32
  }
  func.func @transform_3(%arg0: i32) -> (i32, i32) {
    %c0_i32 = arith.constant 0 : i32
    %c0_i32_0 = arith.constant 0 : i32
    %c0_i32_1 = arith.constant 0 : i32
    return %c0_i32, %c0_i32_0 : i32, i32
  }
  func.func @transform_4(%arg0: i32) -> (i32, i32) {
    %c0_i32 = arith.constant 0 : i32
    %c0_i32_0 = arith.constant 0 : i32
    %c0_i32_1 = arith.constant 0 : i32
    return %c0_i32, %c0_i32_0 : i32, i32
  }
  func.func @transform_5(%arg0: i32) -> (i32, i32) {
    %c0_i32 = arith.constant 0 : i32
    %c0_i32_0 = arith.constant 0 : i32
    return %arg0, %c0_i32 : i32, i32
  }
}

</mosaic_0001>

<sc_bundles>
// kernel: kernel.11.cloned.1.call-start
scs
__scs_entry_jumppad:
0x0: {  	(pc) =	sbr.rel $0x88, $3  }
0x1: {  	(tag) =	ssettag $0x0;
	lr =	simm.s32 $0x1  }
0x2: {  	[smem:$0x3F99] =	sst lr;
	_ =	strace $0xD0000000  }
0x3: {  	_ = 	snop  }
0x4: {  	_ = 	snop  }
0x5: {  	_ = 	snop  }
0x6: {  	_ = 	snop  }
0x7: {  	_ = 	snop  }
__scs_overlays_trampoline_lowered:
0x8: {  	[smem:$0x3FA8] =	sst s0  }
0x9: {  	[smem:$0x3FA9] =	sst s1  }
0xa: {  	[smem:$0x3FAA] =	sst s2  }
0xb: {  	[smem:$0x3FAB] =	sst s3  }
0xc: {  	[smem:$0x3FAC] =	sst s4  }
0xd: {  	[smem:$0x3FAD] =	sst s5  }
0xe: {  	[smem:$0x3FAE] =	sst s6  }
0xf: {  	[smem:$0x3FAF] =	sst s7  }
0x10: {  	[smem:$0x3FB0] =	sst s8  }
0x11: {  	[smem:$0x3FB1] =	sst s9;
	s0 =	simm.s32 @!p0 $0x0  }
0x12: {  	s1 =	sld [smem:$0x3F97];
	s0 =	simm.s32 @p0 $0x1  }
0x13: {  	[smem:$0x3FB2] =	sst s0;
	s0 =	simm.s32 @!p1 $0x0  }
0x14: {  	s2 =	sld [smem:$0x3F96];
	s0 =	simm.s32 @p1 $0x1  }
0x15: {  	[smem:$0x3FB3] =	sst s0;
	s0 =	simm.s32 @!p2 $0x0  }
0x16: {  	s3 =	sld [smem:$0x3FDB];
	s0 =	simm.s32 @p2 $0x1  }
0x17: {  	s4 =	simm.s32 $0x1BF5;
	[smem:$0x3FB5] =	sst s0  }
0x18: {  	s0 =	sld [smem:$0x3F98];
	_ =	swait.ge [sflag:s4], $0x0  }
0x19: {  	s7 =	sld [smem:$0x3F99]  }
0x1a: {  	s8 =	sadd.s32 $0xFFFFE003, lr  }
0x1b: {  	s9 =	sadd.s32 $0xFFFFFEF7, lr;
	s5 =	simm.s32 $0xFFFFFFFF;
	p2 =	slt.u32 s8, $0xFFFFF086  }
0x1c: {  	p1 =	slt.u32 s9, $0xF7A;
	s5 =	simm.s32 @!p2 $0x0  }
0x1d: {  	s5 =	simm.s32 @p1 $0x1;
	p0 =	seq.s32 s7, s2  }
0x1e: {  	s7 =	smul.u32 @!p0 $0xF7A, s2;
	p2 =	seq.s32 @!p0 s5, $0x0  }
0x1f: {  	s9 =	smul.u32 $0xF7A, s1;
	s8 =	simm.s32 @!p0 $0x1BF5;
	p2 =	por !p2, p0  }
0x20: {  	[sflag:s8] =	ssyncset.s32 @!p0 $0xFFFFF086;
	s6 =	sadd.s32 @!p0 s3, s7;
	s7 =	simm.s32 @!p0 $0x108  }
0x21: {  	s3 =	sadd.s32 s3, s9;
	s6 =	sadd.s32 @!p0 $0x88, s6;
	s7 =	simm.s32 @p2 $0x1082  }
0x22: {  	[simem:s7], [sflag:s8] =	dma.local @!p0 [hbm:s6], $0xF7A  }
0x23: {  	s9 =	sor.u32 $0xD0000000, s2;
	s6 =	simm.s32 $0x108;
	_ =	swait.ge @!p0 [sflag:s8], $0x0  }
0x24: {  	s3 =	sadd.s32 $0x88, s3;
	s6 =	simm.s32 @!p1 $0x1082;
	[sflag:s4] =	ssyncset.s32 $0xFFFFF086  }
0x25: {  	[simem:s6], [sflag:s4] =	dma.local [hbm:s3], $0xF7A  }
0x26: {  	[smem:$0x3F99] =	sst s1;
	(tag) =	ssettag s2;
	_ =	strace s9  }
0x27: {  	s1 =	sld [smem:$0x3FA9]  }
0x28: {  	s2 =	sld [smem:$0x3FAA]  }
0x29: {  	s4 =	sld [smem:$0x3FAC]  }
0x2a: {  	p0 =	seq.s32 s5, $0x0;
	s5 =	sld [smem:$0x3FAD]  }
0x2b: {  	s6 =	sld [smem:$0x3FAE]  }
0x2c: {  	s7 =	sld [smem:$0x3FAF]  }
0x2d: {  	s3 =	simm.s32 $0x108;
	s8 =	sld [smem:$0x3FB0]  }
0x2e: {  	s3 =	simm.s32 @!p0 $0x1082;
	s9 =	sld [smem:$0x3FB1]  }
0x2f: {  	lr =	sadd.s32 s0, s3;
	s0 =	sld [smem:$0x3FA8]  }
0x30: {  	s3 =	sld [smem:$0x3FAB]  }
0x31: {  	[smem:$0x3FB4] =	sst s10  }
0x32: {  	s10 =	sld [smem:$0x3FB2];
	_ =	sdelay $0x3  }
0x33: {  	p0 =	seq.s32 s10, $0x1;
	s10 =	sld [smem:$0x3FB4];
	_ =	sdelay $0x3  }
0x34: {  	[smem:$0x3FB4] =	sst s10  }
0x35: {  	s10 =	sld [smem:$0x3FB3];
	_ =	sdelay $0x3  }
0x36: {  	p1 =	seq.s32 s10, $0x1;
	s10 =	sld [smem:$0x3FB4];
	_ =	sdelay $0x3  }
0x37: {  	[smem:$0x3FB4] =	sst s10  }
0x38: {  	s10 =	sld [smem:$0x3FB5]  }
0x39: {  	_ = 	snop;
	(pc) =	sbr.ind lr, $3  }
0x3a: {  	_ = 	snop  }
0x3b: {  	_ = 	snop  }
0x3c: {  	p2 =	seq.s32 s10, $0x1;
	s10 =	sld [smem:$0x3FB4]  }
0x3d: {  	_ =	shalt  }
0x3e: {  	_ =	shalt  }
0x3f: {  	_ =	shalt  }
0x40: {  	_ =	shalt  }
0x41: {  	_ =	shalt  }
0x42: {  	_ =	shalt  }
0x43: {  	_ =	shalt  }
0x44: {  	_ =	shalt  }
0x45: {  	_ =	shalt  }
0x46: {  	_ =	shalt  }
0x47: {  	_ =	shalt  }
0x48: {  	_ =	shalt  }
0x49: {  	_ =	shalt  }
0x4a: {  	_ =	shalt  }
0x4b: {  	_ =	shalt  }
0x4c: {  	_ =	shalt  }
0x4d: {  	_ =	shalt  }
0x4e: {  	_ =	shalt  }
0x4f: {  	_ =	shalt  }
0x50: {  	_ =	shalt  }
0x51: {  	_ =	shalt  }
0x52: {  	_ =	shalt  }
0x53: {  	_ =	shalt  }
0x54: {  	_ =	shalt  }
0x55: {  	_ =	shalt  }
0x56: {  	_ =	shalt  }
0x57: {  	_ =	shalt  }
0x58: {  	_ =	shalt  }
0x59: {  	_ =	shalt  }
0x5a: {  	_ =	shalt  }
0x5b: {  	_ =	shalt  }
0x5c: {  	_ =	shalt  }
0x5d: {  	_ =	shalt  }
0x5e: {  	_ =	shalt  }
0x5f: {  	_ =	shalt  }
0x60: {  	_ =	shalt  }
0x61: {  	_ =	shalt  }
0x62: {  	_ =	shalt  }
0x63: {  	_ =	shalt  }
0x64: {  	_ =	shalt  }
0x65: {  	_ =	shalt  }
0x66: {  	_ =	shalt  }
0x67: {  	_ =	shalt  }
0x68: {  	_ =	shalt  }
0x69: {  	_ =	shalt  }
0x6a: {  	_ =	shalt  }
0x6b: {  	_ =	shalt  }
0x6c: {  	_ =	shalt  }
0x6d: {  	_ =	shalt  }
0x6e: {  	_ =	shalt  }
0x6f: {  	_ =	shalt  }
0x70: {  	_ =	shalt  }
0x71: {  	_ =	shalt  }
0x72: {  	_ =	shalt  }
0x73: {  	_ =	shalt  }
0x74: {  	_ =	shalt  }
0x75: {  	_ =	shalt  }
0x76: {  	_ =	shalt  }
0x77: {  	_ =	shalt  }
0x78: {  	_ =	shalt  }
0x79: {  	_ =	shalt  }
0x7a: {  	_ =	shalt  }
0x7b: {  	_ =	shalt  }
0x7c: {  	_ =	shalt  }
0x7d: {  	_ =	shalt  }
0x7e: {  	_ =	shalt  }
0x7f: {  	_ =	shalt  }
0x80: {  	_ =	shalt  }
0x81: {  	_ =	shalt  }
0x82: {  	_ =	shalt  }
0x83: {  	_ =	shalt  }
0x84: {  	_ =	shalt  }
0x85: {  	_ =	shalt  }
0x86: {  	_ =	shalt  }
0x87: {  	_ =	shalt  }
.Lfunc_end0:
.L_simem_size_0:
called_computation.1_lowered:
.L_overlay_start_0:
0x88: {  	s2 =	sld [smem:$0x3FD9]  }
0x89: {  	s3 =	sld [smem:$0x3FFE];
	_ =	sdelay $0x1  }
0x8a: {  	s1 =	srdreg.scid  }
0x8b: {  	s0 =	sand.u32 $0x1, s1  }
0x8c: {  	s17 =	sshll.u32 s0, $0xA;
	s2 =	sadd.s32 s3, s2  }
0x8d: {  	s2 =	sadd.s32 s2, s17  }
0x8e: {  	[smem:$0x3FC0] =	sst s2  }
0x8f: {  	_ = 	snop  }
0x90: {  	s2 =	sld [smem:$0x3FD0];
	(tm) =	ssettm $0x1  }
0x91: {  	s18 =	sld [smem:$0x3FFB];
	_ =	sdelay $0x3  }
0x92: {  	_ =	strace s18  }
0x93: {  	s3 =	sld [smem:$0x3FFC];
	_ =	sdelay $0x3  }
0x94: {  	_ =	strace s3  }
0x95: {  	s3 =	sld [smem:$0x3FFD];
	_ =	sdelay $0x3  }
0x96: {  	_ =	strace s3  }
0x97: {  	_ =	strace $0x8FFFFFFF  }
0x98: {  	s19 =	sld [smem:$0x3FDB];
	_ =	sdelay $0x1  }
0x99: {  	s4 =	simm.s32 $_scs_section_size  }
0x9a: {  	s5 =	simm.s32 $_size__tile_overlayer_lowered;
	s6 =	simm.s32 $_tile_overlayer_lowered  }
0x9b: {  	s22 =	simm.s32 $0x1BFF;
	s21 =	sshll.u32 s6, $0x1;
	s3 =	sadd.s32 s4, s19  }
0x9c: {  	s7 =	simm.s32 $0x0;
	s20 =	sshll.u32 s5, $0x1;
	s5 =	sadd.s32 s21, s3  }
0x9d: {  	[timem:s7], [sflag:s22] =	dma.local [hbm:s5], s20  }
0x9e: {  	_ =	swait.ge [sflag:s22], s20  }
0x9f: {  	s4 =	ssub.s32 $0x0, s20;
	[sflag:s22] =	ssyncset.done $0x0  }
0xa0: {  	[sflag:s22] =	ssyncadd.s32 s4;
	_ =	sdelay $0x1  }
0xa1: {  	s23 =	simm.s32 $0x1B8B  }
0xa2: {  	_ =	swait.ge [sflag:s23], $0x1  }
0xa3: {  	[sflag:s23] =	ssyncset.done $0x0  }
0xa4: {  	s25 =	simm.s32 $0x1B8E;
	s24 =	sld [smem:$0x3FFE];
	[sflag:s23] =	ssyncadd.s32 $0xFFFFFFFF  }
0xa5: {  	s26 =	simm.s32 $execute0_lowered;
	[smem:$0x3FD2] =	sst s25  }
0xa6: {  	s5 =	sshll.u32 s26, $0x1;
	_ =	strace $0x80000049;
	[dreg:$0x1] =	wrdreg $0xFFFFFFFF  }
0xa7: {  	s28 =	simm.s32 $_size_execute0_lowered;
	s3 =	sadd.s32 s3, s5;
	[dreg:$0x0] =	wrdreg $0x0  }
0xa8: {  	s5 =	sshll.u32 s28, $0x1;
	[dreg:$0x2] =	wrdreg s3  }
0xa9: {  	[dreg:$0x3] =	wrdreg s5  }
0xaa: {  	[dreg:$0x4] =	wrdreg $0xC0  }
0xab: {  	_ =	task [dreg:s7], $0x5FFFF  }
0xac: {  	[dreg:$0x1] =	wrdreg $0xFFFFFFFF  }
0xad: {  	[dreg:$0x0] =	wrdreg $0x60  }
0xae: {  	[dreg:$0x2] =	wrdreg s2  }
0xaf: {  	[dreg:$0x3] =	wrdreg s24  }
0xb0: {  	[dreg:$0x4] =	wrdreg $0x0  }
0xb1: {  	[dreg:$0x5] =	wrdreg $0x9  }
0xb2: {  	_ =	task.clear_ibuf [dreg:s7], $0x6FFFF;
	_ =	strace $0x90000049  }
0xb3: {  	s29 =	simm.s32 $0x9;
	_ =	strace $0x8000004B  }
0xb4: {  	_ =	swait.ge [sflag:s29], $0x1  }
0xb5: {  	[sflag:s29] =	ssyncadd.s32 $0xFFFFFFFF  }
0xb6: {  	_ =	strace $0x9000004B  }
0xb7: {  	_ =	sfence  }
0xb8: {  	s30 =	sld [smem:$0x0];
	_ =	sdelay $0x2  }
0xb9: {  	s31 =	sshll.u32 s1, $0xD;
	s1 =	sshrl.u32 s1, $0x2  }
0xba: {  	s3 =	sand.u32 $0x4000, s31;
	s1 =	sadd.s32 s1, s30  }
0xbb: {  	s0 =	sor.u32 s3, s0;
	s1 =	sshll.u32 s1, $0x11  }
0xbc: {  	s0 =	sor.u32 s1, s0  }
0xbd: {  	s0 =	sadd.s32 $0x8F2B, s0  }
0xbe: {  	[sflag:s0] =	ssyncadd.remote.s32 $0x1  }
0xbf: {  	_ =	sfence.sel $0xFFFF  }
0xc0: {  	[dreg:$0x0] =	wrdreg $0xFFFFFFFF;
	(pc) =	sbr.abs _section_cstart, $3  }
0xc1: {  	[dreg:$0x1] =	wrdreg $0xFFFFFFFF  }
0xc2: {  	_ =	task.clear_ibuf [dreg:s7], $0x2FFFF;
	_ =	strace $0x9FFFFFFF  }
0xc3: {  	(tm) =	ssettm $0x7FFFFFFF  }
tec
execute0_lowered:
.L_overlay_start_1:
0x0: {  	(tag) =	ssettag $0x1  }
0x1: {  	s1 =	rddreg [dreg:$0x0]  }
0x2: {  	s0 =	rddreg [dreg:$0x1]  }
0x3: {  	s2 =	rddreg [dreg:$0x2];
	s3 =	simm.s32 $0x0;
	s5 =	stileid.u32  }
0x4: {  	s7 =	simm.s32 $0x64;
	s9 =	srdreg.scid;
	s20 =	simm.s32 $0x3  }
0x5: {  	s21 =	simm.s32 $0x80;
	s22 =	simm.s32 $0x16080;
	s23 =	simm.s32 $0x1A080  }
0x6: {  	s24 =	simm.s32 $0x1;
	s25 =	simm.s32 $0x2;
	[smem:$0x7FF] =	sst s3  }
0x7: {  	s4 =	sadd.s32 $0x3EE00, s0;
	s6 =	sadd.s32 $0x3C00, s0;
	p0 =	seq.s32 s5, $0xF  }
0x8: {  	s8 =	sadd.s32 $0x17C00, s0;
	s10 =	smul.u32 $0x2700, s5;
	s19 =	sand.u32 $0x1, s9  }
0x9: {  	s12 =	smul.u32 $0x4E000, s5;
	s31 =	sadd.s32 $0xB1B00, s0;
	s16 =	sadd.s32 $0x8A900, s0  }
0xa: {  	p1 =	sne.s32 s5, $0x0;
	_ =	strace $0x8000004A;
	s7 =	simm.s32 @!p0 $0xA0  }
0xb: {  	s11 =	ssub.s32 $0x2, s19;
	[dreg:$0x5] =	wrdreg s31;
	s18 =	sshrl.u32 @!p1 s2, $0x3  }
0xc: {  	p2 =	sne.s32 s19, $0x0;
	s19 =	simm.s32 $0x13880;
	s26 =	sadd.s32 $0x24, s7  }
.Ltmp0:
0xd: {  	s15 =	sadd.s32 s10, s0;
	s28 =	sshrl.u32 s11, $0x1;
	(pc) =	sbr.rel .LBB2_1-.Ltmp0, $4  }
0xe: {  	s29 =	sshrl.u32 s12, $0x2;
	s9 =	sand.u32 $0xCC, s26;
	s17 =	ssub.s32 s11, s28  }
0xf: {  	s11 =	sadd.s32 s29, s2;
	s30 =	sadd.s32 $0x8D200, s15;
	s13 =	smul.u32 $0xCD, s9  }
0x10: {  	s15 =	sadd.s32 $0x66000, s15;
	s9 =	smul.u32 $0xA0, s5;
	[dreg:$0x4] =	wrdreg s30  }
0x11: {  	s17 =	smax.u32 s17, $0x1;
	s10 =	sshrl.u32 s13, $0xD;
	s13 =	sadd.s32 $0x124800, s2  }
.LBB2_15:
0x12: {  	[bflag:$0x0] =	sbarrier.arrive $0xFFFF  }
0x13: {  	s0 =	sshrl.u32 @p0 s13, $0x3;
	s12 =	simm.s32 @p0 $0x1FC3;
	s14 =	rddreg [dreg:$0x5]  }
0x14: {  	[hbm:s14], [sflag:s12] =	dma.local @p0 [spmem:s0], $0x2800  }
0x15: {  	s0 =	simm.s32 @p0 $0x3  }
0x16: {  	_ =	swait.ge @p0 [sflag:s0], $0x2800  }
0x17: {  	s12 =	sshll.u32 @!p0 s5, $0x6;
	[sflag:s0] =	ssyncset.done @p0 $0x0;
	s14 =	rddreg [dreg:$0x4]  }
0x18: {  	[sflag:s0] =	ssyncadd.s32 @p0 $0xFFFFD800;
	s0 =	sor.u32 @!p0 $0x1C03, s12;
	s12 =	sshrl.u32 @!p0 s11, $0x3  }
0x19: {  	[hbm:s14], [sflag:s0] =	dma.local @!p0 [spmem:s12], $0x2700  }
0x1a: {  	s0 =	simm.s32 @!p0 $0x3  }
0x1b: {  	_ =	swait.ge @!p0 [sflag:s0], $0x2700  }
0x1c: {  	[sflag:s0] =	ssyncset.done @!p0 $0x0  }
0x1d: {  	[sflag:s0] =	ssyncadd.s32 @!p0 $0xFFFFD900  }
.LBB2_16:
0x1e: {  	s3 =	sadd.s32 $0x1, s3  }
0x1f: {  	p3 =	sne.s32 s3, s17  }
.Ltmp1:
0x20: {  	_ = 	snop;
	(pc) =	sbr.rel @!p3 .LBB2_17-.Ltmp1, $1  }
0x21: {  	_ =	sdelay $0x3  }
.LBB2_1:
0x22: {  	s0 =	simm.s32 @!p1 $0x1C03  }
0x23: {  	[spmem:s18], [sflag:s0] =	dma.local @!p1 [hbm:s8], $0x27100  }
0x24: {  	s0 =	simm.s32 @!p1 $0x3  }
.Ltmp2:
0x25: {  	_ =	swait.ge @!p1 [sflag:s0], $0x27100;
	(pc) =	sbr.rel @p2 .LBB2_9-.Ltmp2, $4  }
.Ltmp3:
0x26: {  	[sflag:s0] =	ssyncset.done @!p1 $0x0;
	(pc) =	sbr.rel @!p2 .LBB2_2-.Ltmp3, $4  }
0x27: {  	[sflag:s0] =	ssyncadd.s32 @!p1 $0xFFFD8F00  }
0x28: {  	[bflag:$0x0] =	sbarrier.arrive $0xFFFF  }
0x29: {  	s26 =	simm.s32 $0x0;
	s28 =	simm.s32 $0x0  }
0x2a: {  	_ = 	snop  }
.LBB2_6:
0x2b: {  	s0 =	sadd.s32 $0xFFFFFF80, s30;
	[sflag:s20] =	ssyncadd.s32 @p3 $0xFFFFC000  }
0x2c: {  	[tilespmem:s23], [sflag:$0x2] =	stream.indirect.gather [hbm4b:s1+s21], $0x80, s0, s21, $0xb8;
	[tilespmem:$0x1E080] =	vst v63  }
0x2d: {  	_ =	swait.ge [sflag:s24], $0x4000  }
0x2e: {  	[sflag:s24] =	ssyncset.done $0x0  }
0x2f: {  	[sflag:s24] =	ssyncadd.s32 $0xFFFFC000  }
0x30: {  	[spmem:s2] =	stream.indirect.scatter.add.f32 [tilespmem:s22], [sflag:$0x3], $0x80, s29, s21, $0xb8;
	[tilespmem:$0x1E080] =	vst v63  }
0x31: {  	_ =	swait.ge [sflag:s20], $0x4000  }
0x32: {  	p3 =	sge.s32 s31, s28;
	[sflag:s20] =	ssyncset.done $0x0  }
0x33: {  	s0 =	simm.s32 @!p3 $0x80;
	s12 =	simm.s32 @!p3 $0x16080;
	[sflag:s20] =	ssyncadd.s32 $0xFFFFC000  }
0x34: {  	[tilespmem:s12], [sflag:$0x1] =	stream.indirect.gather @!p3 [hbm4b:s1+s0], $0x80, s30, s0, $0xb8;
	[tilespmem:$0x1E080] =	vst v63  }
0x35: {  	_ =	swait.ge [sflag:s25], $0x4000  }
0x36: {  	[sflag:s25] =	ssyncset.done $0x0  }
0x37: {  	s31 =	sadd.s32 $0x80, s29;
	[sflag:s25] =	ssyncadd.s32 $0xFFFFC000  }
0x38: {  	[spmem:s2] =	stream.indirect.scatter.add.f32 [tilespmem:s23], [sflag:$0x3], $0x80, s31, s21, $0xb8;
	[tilespmem:$0x1E080] =	vst v63  }
0x39: {  	_ =	swait.ge [sflag:s20], $0x4000  }
0x3a: {  	[sflag:s20] =	ssyncset.done $0x0  }
0x3b: {  	[sflag:s20] =	ssyncadd.s32 $0xFFFFC000  }
.LBB2_7:
0x3c: {  	s26 =	sadd.s32 $0x1, s26  }
0x3d: {  	p3 =	sne.s32 s26, s10  }
.Ltmp4:
0x3e: {  	_ = 	snop;
	(pc) =	sbr.rel @!p3 .LBB2_8-.Ltmp4, $1  }
0x3f: {  	_ =	sdelay $0x3  }
.LBB2_2:
0x40: {  	s0 =	smul.u32 $0x28, s26;
	_ =	sdelay $0x1  }
0x41: {  	s28 =	sadd.s32 s9, s0  }
0x42: {  	s28 =	sshll.u32 s28, $0x4  }
0x43: {  	s30 =	simm.s32 $0x0;
	s0 =	ssub.s32 s7, s0;
	s29 =	sadd.s32 s6, s28  }
0x44: {  	[tilespmem:s19], [sflag:$0x3] =	stream.linear.gather [hbm4b:s29+s30], $0x1400, $0x38;
	[tilespmem:$0x1E080] =	vst v63  }
0x45: {  	p3 =	slt.s32 s0, $0x28;
	s28 =	sand.u32 $0x1FFFFFF0, s28;
	_ =	swait.ge [sflag:s20], $0x1400  }
0x46: {  	s0 =	simm.s32 @!p3 $0x28;
	s28 =	sadd.s32 s6, s28;
	[sflag:s20] =	ssyncset.done $0x0  }
0x47: {  	s29 =	simm.s32 $0x14C80;
	s28 =	sadd.s32 $0xA000, s28;
	[sflag:s20] =	ssyncadd.s32 $0xFFFFEC00  }
0x48: {  	[tilespmem:s29], [sflag:$0x3] =	stream.linear.gather [hbm4b:s28+s30], $0x1400, $0x38;
	[tilespmem:$0x1E080] =	vst v63  }
0x49: {  	s28 =	sshra.s32 s0, $0x1  }
0x4a: {  	p3 =	slt.s32 s28, $0x1  }
.Ltmp5:
0x4b: {  	_ = 	snop;
	(pc) =	sbr.rel @p3 .LBB2_7-.Ltmp5, $4  }
0x4c: {  	_ =	swait.ge [sflag:s20], $0x1400  }
0x4d: {  	[sflag:s20] =	ssyncset.done $0x0  }
0x4e: {  	s30 =	simm.s32 $0x13980;
	[sflag:s20] =	ssyncadd.s32 $0xFFFFEC00  }
0x4f: {  	[tilespmem:s22], [sflag:$0x1] =	stream.indirect.gather [hbm4b:s1+s21], $0x80, s19, s21, $0xb8;
	[tilespmem:$0x1E080] =	vst v63  }
0x50: {  	p4 =	sne.s32 s28, $0x1  }
.Ltmp6:
0x51: {  	_ = 	snop;
	(pc) =	sbr.rel @!p4 .LBB2_6-.Ltmp6, $2  }
0x52: {  	_ =	sdelay $0x2  }
0x53: {  	s31 =	simm.s32 $0x1;
	p3 =	por $0x0, $0x0  }
0x54: {  	s0 =	simm.s32 $0x13900  }
0x55: {  	[tilespmem:s23], [sflag:$0x2] =	stream.indirect.gather [hbm4b:s1+s21], $0x80, s0, s21, $0xb8;
	[tilespmem:$0x1E080] =	vst v63  }
0x56: {  	_ =	swait.ge [sflag:s24], $0x4000  }
0x57: {  	[sflag:s24] =	ssyncset.done $0x0  }
0x58: {  	[sflag:s24] =	ssyncadd.s32 $0xFFFFC000  }
0x59: {  	[spmem:s2] =	stream.indirect.scatter.add.f32 [tilespmem:s22], [sflag:$0x3], $0x80, s29, s21, $0xb8;
	[tilespmem:$0x1E080] =	vst v63  }
0x5a: {  	_ =	swait.ge [sflag:s20], $0x4000  }
0x5b: {  	p3 =	sle.s32 s28, $0x1;
	[sflag:s20] =	ssyncset.done $0x0  }
0x5c: {  	s0 =	simm.s32 @!p3 $0x80;
	s29 =	simm.s32 @!p3 $0x16080;
	[sflag:s20] =	ssyncadd.s32 $0xFFFFC000  }
0x5d: {  	[tilespmem:s29], [sflag:$0x1] =	stream.indirect.gather @!p3 [hbm4b:s1+s0], $0x80, s30, s0, $0xb8;
	[tilespmem:$0x1E080] =	vst v63  }
0x5e: {  	p4 =	sne.s32 s28, $0x2;
	_ =	swait.ge [sflag:s25], $0x4000  }
.Ltmp7:
0x5f: {  	[sflag:s25] =	ssyncset.done $0x0;
	(pc) =	sbr.rel @!p4 .LBB2_6-.Ltmp7, $4  }
0x60: {  	s14 =	simm.s32 $0x14D00;
	s31 =	simm.s32 $0x2;
	[sflag:s25] =	ssyncadd.s32 $0xFFFFC000  }
0x61: {  	[spmem:s2] =	stream.indirect.scatter.add.f32 [tilespmem:s23], [sflag:$0x3], $0x80, s14, s21, $0xb8;
	[tilespmem:$0x1E080] =	vst v63  }
0x62: {  	s30 =	simm.s32 $0x13A80;
	s29 =	simm.s32 $0x14D80;
	_ =	swait.ge [sflag:s20], $0x4000  }
0x63: {  	p3 =	por $0x1, $0x1;
	s0 =	simm.s32 $0x2;
	[sflag:s20] =	ssyncset.done $0x0  }
.LBB2_5:
0x64: {  	s0 =	sadd.s32 $0x1, s0;
	s12 =	sadd.s32 $0xFFFFFF80, s30;
	[sflag:s20] =	ssyncadd.s32 $0xFFFFC000  }
0x65: {  	[tilespmem:s23], [sflag:$0x2] =	stream.indirect.gather [hbm4b:s1+s21], $0x80, s12, s21, $0xb8;
	[tilespmem:$0x1E080] =	vst v63  }
0x66: {  	p4 =	sne.s32 s28, s0;
	_ =	swait.ge [sflag:s24], $0x4000  }
0x67: {  	[sflag:s24] =	ssyncset.done $0x0  }
0x68: {  	[sflag:s24] =	ssyncadd.s32 $0xFFFFC000  }
0x69: {  	[spmem:s2] =	stream.indirect.scatter.add.f32 [tilespmem:s22], [sflag:$0x3], $0x80, s29, s21, $0xb8;
	[tilespmem:$0x1E080] =	vst v63  }
0x6a: {  	_ =	swait.ge [sflag:s20], $0x4000  }
0x6b: {  	p5 =	sge.s32 s31, s28;
	s31 =	smov.u32 s0;
	[sflag:s20] =	ssyncset.done $0x0  }
0x6c: {  	s12 =	simm.s32 @!p5 $0x80;
	s14 =	simm.s32 @!p5 $0x16080;
	[sflag:s20] =	ssyncadd.s32 $0xFFFFC000  }
0x6d: {  	[tilespmem:s14], [sflag:$0x1] =	stream.indirect.gather @!p5 [hbm4b:s1+s12], $0x80, s30, s12, $0xb8;
	[tilespmem:$0x1E080] =	vst v63  }
0x6e: {  	_ =	swait.ge [sflag:s25], $0x4000  }
.Ltmp8:
0x6f: {  	[sflag:s25] =	ssyncset.done $0x0;
	(pc) =	sbr.rel @p4 .LBB2_5-.Ltmp8, $4  }
0x70: {  	s12 =	sadd.s32 $0x80, s29;
	[sflag:s25] =	ssyncadd.s32 $0xFFFFC000  }
0x71: {  	[spmem:s2] =	stream.indirect.scatter.add.f32 [tilespmem:s23], [sflag:$0x3], $0x80, s12, s21, $0xb8;
	[tilespmem:$0x1E080] =	vst v63  }
0x72: {  	_ =	swait.ge [sflag:s20], $0x4000  }
0x73: {  	s30 =	sadd.s32 $0x100, s30;
	s29 =	sadd.s32 $0x100, s29;
	[sflag:s20] =	ssyncset.done $0x0  }
.Ltmp9:
0x74: {  	_ = 	snop;
	(pc) =	sbr.rel .LBB2_6-.Ltmp9, $1  }
0x75: {  	_ =	sdelay $0x3  }
.LBB2_13:
0x76: {  	s0 =	sadd.s32 $0xFFFFFF80, s30;
	[sflag:s20] =	ssyncadd.s32 @p3 $0xFFFFC000  }
0x77: {  	[tilespmem:s23], [sflag:$0x2] =	stream.indirect.gather [hbm4b:s4+s21], $0x80, s0, s21, $0xb8;
	[tilespmem:$0x1E080] =	vst v63  }
0x78: {  	_ =	swait.ge [sflag:s24], $0x4000  }
0x79: {  	[sflag:s24] =	ssyncset.done $0x0  }
0x7a: {  	[sflag:s24] =	ssyncadd.s32 $0xFFFFC000  }
0x7b: {  	[spmem:s2] =	stream.indirect.scatter.add.f32 [tilespmem:s22], [sflag:$0x3], $0x80, s29, s21, $0xb8;
	[tilespmem:$0x1E080] =	vst v63  }
0x7c: {  	_ =	swait.ge [sflag:s20], $0x4000  }
0x7d: {  	p3 =	sge.s32 s31, s26;
	[sflag:s20] =	ssyncset.done $0x0  }
0x7e: {  	s0 =	simm.s32 @!p3 $0x80;
	s12 =	simm.s32 @!p3 $0x16080;
	[sflag:s20] =	ssyncadd.s32 $0xFFFFC000  }
0x7f: {  	[tilespmem:s12], [sflag:$0x1] =	stream.indirect.gather @!p3 [hbm4b:s4+s0], $0x80, s30, s0, $0xb8;
	[tilespmem:$0x1E080] =	vst v63  }
0x80: {  	_ =	swait.ge [sflag:s25], $0x4000  }
0x81: {  	[sflag:s25] =	ssyncset.done $0x0  }
0x82: {  	s31 =	sadd.s32 $0x80, s29;
	[sflag:s25] =	ssyncadd.s32 $0xFFFFC000  }
0x83: {  	[spmem:s2] =	stream.indirect.scatter.add.f32 [tilespmem:s23], [sflag:$0x3], $0x80, s31, s21, $0xb8;
	[tilespmem:$0x1E080] =	vst v63  }
0x84: {  	_ =	swait.ge [sflag:s20], $0x4000  }
0x85: {  	[sflag:s20] =	ssyncset.done $0x0  }
0x86: {  	[sflag:s20] =	ssyncadd.s32 $0xFFFFC000  }
.LBB2_14:
0x87: {  	s28 =	sadd.s32 $0x1, s28  }
0x88: {  	p3 =	sne.s32 s28, s10  }
.Ltmp10:
0x89: {  	_ = 	snop;
	(pc) =	sbr.rel @!p3 .LBB2_15-.Ltmp10, $1  }
0x8a: {  	_ =	sdelay $0x3  }
.LBB2_9:
0x8b: {  	s0 =	smul.u32 $0x28, s28;
	_ =	sdelay $0x1  }
0x8c: {  	s12 =	sadd.s32 s9, s0  }
0x8d: {  	s12 =	sshll.u32 s12, $0x4  }
0x8e: {  	s26 =	simm.s32 $0x0;
	s29 =	simm.s32 $0x14C80;
	s14 =	sadd.s32 s6, s12  }
0x8f: {  	[tilespmem:s19], [sflag:$0x3] =	stream.linear.gather [hbm4b:s14+s26], $0x1400, $0x38;
	[tilespmem:$0x1E080] =	vst v63  }
0x90: {  	s0 =	ssub.s32 s7, s0;
	s12 =	sand.u32 $0x1FFFFFF0, s12;
	_ =	swait.ge [sflag:s20], $0x1400  }
0x91: {  	p3 =	slt.s32 s0, $0x28;
	s12 =	sadd.s32 s6, s12;
	[sflag:s20] =	ssyncset.done $0x0  }
0x92: {  	s0 =	simm.s32 @!p3 $0x28;
	s12 =	sadd.s32 $0xA000, s12;
	[sflag:s20] =	ssyncadd.s32 $0xFFFFEC00  }
0x93: {  	[tilespmem:s29], [sflag:$0x3] =	stream.linear.gather [hbm4b:s12+s26], $0x1400, $0x38;
	[tilespmem:$0x1E080] =	vst v63  }
0x94: {  	s26 =	sshra.s32 s0, $0x1  }
0x95: {  	p3 =	slt.s32 s26, $0x1  }
.Ltmp11:
0x96: {  	_ = 	snop;
	(pc) =	sbr.rel @p3 .LBB2_14-.Ltmp11, $4  }
0x97: {  	_ =	swait.ge [sflag:s20], $0x1400  }
0x98: {  	[sflag:s20] =	ssyncset.done $0x0  }
0x99: {  	s30 =	simm.s32 $0x13980;
	[sflag:s20] =	ssyncadd.s32 $0xFFFFEC00  }
0x9a: {  	[tilespmem:s22], [sflag:$0x1] =	stream.indirect.gather [hbm4b:s4+s21], $0x80, s19, s21, $0xb8;
	[tilespmem:$0x1E080] =	vst v63  }
0x9b: {  	p4 =	sne.s32 s26, $0x1  }
.Ltmp12:
0x9c: {  	_ = 	snop;
	(pc) =	sbr.rel @!p4 .LBB2_13-.Ltmp12, $2  }
0x9d: {  	_ =	sdelay $0x2  }
0x9e: {  	s31 =	simm.s32 $0x1;
	p3 =	por $0x0, $0x0  }
0x9f: {  	s0 =	simm.s32 $0x13900  }
0xa0: {  	[tilespmem:s23], [sflag:$0x2] =	stream.indirect.gather [hbm4b:s4+s21], $0x80, s0, s21, $0xb8;
	[tilespmem:$0x1E080] =	vst v63  }
0xa1: {  	_ =	swait.ge [sflag:s24], $0x4000  }
0xa2: {  	[sflag:s24] =	ssyncset.done $0x0  }
0xa3: {  	[sflag:s24] =	ssyncadd.s32 $0xFFFFC000  }
0xa4: {  	[spmem:s2] =	stream.indirect.scatter.add.f32 [tilespmem:s22], [sflag:$0x3], $0x80, s29, s21, $0xb8;
	[tilespmem:$0x1E080] =	vst v63  }
0xa5: {  	_ =	swait.ge [sflag:s20], $0x4000  }
0xa6: {  	p3 =	sle.s32 s26, $0x1;
	[sflag:s20] =	ssyncset.done $0x0  }
0xa7: {  	s0 =	simm.s32 @!p3 $0x80;
	s12 =	simm.s32 @!p3 $0x16080;
	[sflag:s20] =	ssyncadd.s32 $0xFFFFC000  }
0xa8: {  	[tilespmem:s12], [sflag:$0x1] =	stream.indirect.gather @!p3 [hbm4b:s4+s0], $0x80, s30, s0, $0xb8;
	[tilespmem:$0x1E080] =	vst v63  }
0xa9: {  	p4 =	sne.s32 s26, $0x2;
	_ =	swait.ge [sflag:s25], $0x4000  }
.Ltmp13:
0xaa: {  	[sflag:s25] =	ssyncset.done $0x0;
	(pc) =	sbr.rel @!p4 .LBB2_13-.Ltmp13, $4  }
0xab: {  	s14 =	simm.s32 $0x14D00;
	s31 =	simm.s32 $0x2;
	[sflag:s25] =	ssyncadd.s32 $0xFFFFC000  }
0xac: {  	[spmem:s2] =	stream.indirect.scatter.add.f32 [tilespmem:s23], [sflag:$0x3], $0x80, s14, s21, $0xb8;
	[tilespmem:$0x1E080] =	vst v63  }
0xad: {  	s29 =	simm.s32 $0x14D80;
	s30 =	simm.s32 $0x13A80;
	_ =	swait.ge [sflag:s20], $0x4000  }
0xae: {  	p3 =	por $0x1, $0x1;
	s0 =	simm.s32 $0x2;
	[sflag:s20] =	ssyncset.done $0x0  }
.LBB2_12:
0xaf: {  	s0 =	sadd.s32 $0x1, s0;
	s12 =	sadd.s32 $0xFFFFFF80, s30;
	[sflag:s20] =	ssyncadd.s32 $0xFFFFC000  }
0xb0: {  	[tilespmem:s23], [sflag:$0x2] =	stream.indirect.gather [hbm4b:s4+s21], $0x80, s12, s21, $0xb8;
	[tilespmem:$0x1E080] =	vst v63  }
0xb1: {  	p4 =	sne.s32 s26, s0;
	_ =	swait.ge [sflag:s24], $0x4000  }
0xb2: {  	[sflag:s24] =	ssyncset.done $0x0  }
0xb3: {  	[sflag:s24] =	ssyncadd.s32 $0xFFFFC000  }
0xb4: {  	[spmem:s2] =	stream.indirect.scatter.add.f32 [tilespmem:s22], [sflag:$0x3], $0x80, s29, s21, $0xb8;
	[tilespmem:$0x1E080] =	vst v63  }
0xb5: {  	_ =	swait.ge [sflag:s20], $0x4000  }
0xb6: {  	p5 =	sge.s32 s31, s26;
	s31 =	smov.u32 s0;
	[sflag:s20] =	ssyncset.done $0x0  }
0xb7: {  	s12 =	simm.s32 @!p5 $0x80;
	s14 =	simm.s32 @!p5 $0x16080;
	[sflag:s20] =	ssyncadd.s32 $0xFFFFC000  }
0xb8: {  	[tilespmem:s14], [sflag:$0x1] =	stream.indirect.gather @!p5 [hbm4b:s4+s12], $0x80, s30, s12, $0xb8;
	[tilespmem:$0x1E080] =	vst v63  }
0xb9: {  	_ =	swait.ge [sflag:s25], $0x4000  }
.Ltmp14:
0xba: {  	[sflag:s25] =	ssyncset.done $0x0;
	(pc) =	sbr.rel @p4 .LBB2_12-.Ltmp14, $4  }
0xbb: {  	s12 =	sadd.s32 $0x80, s29;
	[sflag:s25] =	ssyncadd.s32 $0xFFFFC000  }
0xbc: {  	[spmem:s2] =	stream.indirect.scatter.add.f32 [tilespmem:s23], [sflag:$0x3], $0x80, s12, s21, $0xb8;
	[tilespmem:$0x1E080] =	vst v63  }
0xbd: {  	_ =	swait.ge [sflag:s20], $0x4000  }
0xbe: {  	s30 =	sadd.s32 $0x100, s30;
	s29 =	sadd.s32 $0x100, s29;
	[sflag:s20] =	ssyncset.done $0x0  }
.Ltmp15:
0xbf: {  	_ = 	snop;
	(pc) =	sbr.rel .LBB2_13-.Ltmp15, $1  }
0xc0: {  	_ =	sdelay $0x3  }
.LBB2_8:
0xc1: {  	[bflag:$0x0] =	sbarrier.arrive $0xFFFF;
	s0 =	sshrl.u32 @p0 s13, $0x3;
	s12 =	simm.s32 @p0 $0x1FC3  }
0xc2: {  	[hbm:s16], [sflag:s12] =	dma.local @p0 [spmem:s0], $0x2800  }
0xc3: {  	s0 =	simm.s32 @p0 $0x3  }
0xc4: {  	_ =	swait.ge @p0 [sflag:s0], $0x2800  }
0xc5: {  	s12 =	sshll.u32 @!p0 s5, $0x6;
	[sflag:s0] =	ssyncset.done @p0 $0x0  }
0xc6: {  	[sflag:s0] =	ssyncadd.s32 @p0 $0xFFFFD800;
	s0 =	sor.u32 @!p0 $0x1C03, s12;
	s12 =	sshrl.u32 @!p0 s11, $0x3  }
0xc7: {  	[hbm:s15], [sflag:s0] =	dma.local @!p0 [spmem:s12], $0x2700  }
.Ltmp16:
0xc8: {  	_ = 	snop;
	(pc) =	sbr.rel .LBB2_16-.Ltmp16, $4  }
0xc9: {  	s0 =	simm.s32 @!p0 $0x3  }
0xca: {  	_ =	swait.ge @!p0 [sflag:s0], $0x2700  }
0xcb: {  	[sflag:s0] =	ssyncset.done @!p0 $0x0  }
0xcc: {  	[sflag:s0] =	ssyncadd.s32 @!p0 $0xFFFFD900  }
.LBB2_17:
0xcd: {  	_ =	sfence.sel $0x180000  }
0xce: {  	[bflag:$0x0] =	sbarrier.arrive $0xFFFF  }
0xcf: {  	_ =	strace $0x9000004A  }
0xd0: {  	[bflag:$0x2] =	sbarrier.arrive $0xFFFF  }
0xd1: {  	s0 =	rddreg [dreg:$0x3]  }
0xd2: {  	s0 =	sadd.s32 @!p1 $0x100000, s0  }
0xd3: {  	[sflag:s0] =	ssyncadd.tile.s32 @!p1 $0x1;
	_ =	shalt  }
.Lfunc_end2:
_tile_overlayer_lowered:
.L_overlay_start_2:
0xd4: {  	(tag) =	ssettag $0x2  }
0xd5: {  	s0 =	rddreg [dreg:$0x0];
	s2 =	stileid.u32  }
0xd6: {  	s1 =	rddreg [dreg:$0x1];
	p0 =	sne.s32 s2, $0x0  }
0xd7: {  	s3 =	rddreg [dreg:$0x2];
	[bflag:$0x3] =	sbarrier.arrive $0xFFFF;
	s2 =	simm.s32 @!p0 $0x1C03  }
0xd8: {  	[timem:s3], [sflag:s2] =	dma.local @!p0 [hbm:s0], s1  }
0xd9: {  	s0 =	simm.s32 @!p0 $0x3  }
0xda: {  	_ =	swait.ge @!p0 [sflag:s0], s1  }
0xdb: {  	s1 =	ssub.s32 @!p0 $0x0, s1;
	[sflag:s0] =	ssyncset.done @!p0 $0x0  }
0xdc: {  	[sflag:s0] =	ssyncadd.s32 @!p0 s1  }
0xdd: {  	[bflag:$0x3] =	sbarrier.arrive $0xFFFF  }
0xde: {  	_ =	shalt  }

// kernel: kernel.8.cloned.1.call-start
scs
__scs_entry_jumppad:
0x0: {  	(pc) =	sbr.rel $0x88, $3  }
0x1: {  	(tag) =	ssettag $0x0;
	lr =	simm.s32 $0x1  }
0x2: {  	[smem:$0x3F99] =	sst lr;
	_ =	strace $0xD0000000  }
0x3: {  	_ = 	snop  }
0x4: {  	_ = 	snop  }
0x5: {  	_ = 	snop  }
0x6: {  	_ = 	snop  }
0x7: {  	_ = 	snop  }
__scs_overlays_trampoline_lowered:
0x8: {  	[smem:$0x3FA8] =	sst s0  }
0x9: {  	[smem:$0x3FA9] =	sst s1  }
0xa: {  	[smem:$0x3FAA] =	sst s2  }
0xb: {  	[smem:$0x3FAB] =	sst s3  }
0xc: {  	[smem:$0x3FAC] =	sst s4  }
0xd: {  	[smem:$0x3FAD] =	sst s5  }
0xe: {  	[smem:$0x3FAE] =	sst s6  }
0xf: {  	[smem:$0x3FAF] =	sst s7  }
0x10: {  	[smem:$0x3FB0] =	sst s8  }
0x11: {  	[smem:$0x3FB1] =	sst s9;
	s0 =	simm.s32 @!p0 $0x0  }
0x12: {  	s1 =	sld [smem:$0x3F97];
	s0 =	simm.s32 @p0 $0x1  }
0x13: {  	[smem:$0x3FB2] =	sst s0;
	s0 =	simm.s32 @!p1 $0x0  }
0x14: {  	s2 =	sld [smem:$0x3F96];
	s0 =	simm.s32 @p1 $0x1  }
0x15: {  	[smem:$0x3FB3] =	sst s0;
	s0 =	simm.s32 @!p2 $0x0  }
0x16: {  	s3 =	sld [smem:$0x3FDB];
	s0 =	simm.s32 @p2 $0x1  }
0x17: {  	s4 =	simm.s32 $0x1BF5;
	[smem:$0x3FB5] =	sst s0  }
0x18: {  	s0 =	sld [smem:$0x3F98];
	_ =	swait.ge [sflag:s4], $0x0  }
0x19: {  	s7 =	sld [smem:$0x3F99]  }
0x1a: {  	s8 =	sadd.s32 $0xFFFFE003, lr  }
0x1b: {  	s9 =	sadd.s32 $0xFFFFFEF7, lr;
	s5 =	simm.s32 $0xFFFFFFFF;
	p2 =	slt.u32 s8, $0xFFFFF086  }
0x1c: {  	p1 =	slt.u32 s9, $0xF7A;
	s5 =	simm.s32 @!p2 $0x0  }
0x1d: {  	s5 =	simm.s32 @p1 $0x1;
	p0 =	seq.s32 s7, s2  }
0x1e: {  	s7 =	smul.u32 @!p0 $0xF7A, s2;
	p2 =	seq.s32 @!p0 s5, $0x0  }
0x1f: {  	s9 =	smul.u32 $0xF7A, s1;
	s8 =	simm.s32 @!p0 $0x1BF5;
	p2 =	por !p2, p0  }
0x20: {  	[sflag:s8] =	ssyncset.s32 @!p0 $0xFFFFF086;
	s6 =	sadd.s32 @!p0 s3, s7;
	s7 =	simm.s32 @!p0 $0x108  }
0x21: {  	s3 =	sadd.s32 s3, s9;
	s6 =	sadd.s32 @!p0 $0x88, s6;
	s7 =	simm.s32 @p2 $0x1082  }
0x22: {  	[simem:s7], [sflag:s8] =	dma.local @!p0 [hbm:s6], $0xF7A  }
0x23: {  	s9 =	sor.u32 $0xD0000000, s2;
	s6 =	simm.s32 $0x108;
	_ =	swait.ge @!p0 [sflag:s8], $0x0  }
0x24: {  	s3 =	sadd.s32 $0x88, s3;
	s6 =	simm.s32 @!p1 $0x1082;
	[sflag:s4] =	ssyncset.s32 $0xFFFFF086  }
0x25: {  	[simem:s6], [sflag:s4] =	dma.local [hbm:s3], $0xF7A  }
0x26: {  	[smem:$0x3F99] =	sst s1;
	(tag) =	ssettag s2;
	_ =	strace s9  }
0x27: {  	s1 =	sld [smem:$0x3FA9]  }
0x28: {  	s2 =	sld [smem:$0x3FAA]  }
0x29: {  	s4 =	sld [smem:$0x3FAC]  }
0x2a: {  	p0 =	seq.s32 s5, $0x0;
	s5 =	sld [smem:$0x3FAD]  }
0x2b: {  	s6 =	sld [smem:$0x3FAE]  }
0x2c: {  	s7 =	sld [smem:$0x3FAF]  }
0x2d: {  	s3 =	simm.s32 $0x108;
	s8 =	sld [smem:$0x3FB0]  }
0x2e: {  	s3 =	simm.s32 @!p0 $0x1082;
	s9 =	sld [smem:$0x3FB1]  }
0x2f: {  	lr =	sadd.s32 s0, s3;
	s0 =	sld [smem:$0x3FA8]  }
0x30: {  	s3 =	sld [smem:$0x3FAB]  }
0x31: {  	[smem:$0x3FB4] =	sst s10  }
0x32: {  	s10 =	sld [smem:$0x3FB2];
	_ =	sdelay $0x3  }
0x33: {  	p0 =	seq.s32 s10, $0x1;
	s10 =	sld [smem:$0x3FB4];
	_ =	sdelay $0x3  }
0x34: {  	[smem:$0x3FB4] =	sst s10  }
0x35: {  	s10 =	sld [smem:$0x3FB3];
	_ =	sdelay $0x3  }
0x36: {  	p1 =	seq.s32 s10, $0x1;
	s10 =	sld [smem:$0x3FB4];
	_ =	sdelay $0x3  }
0x37: {  	[smem:$0x3FB4] =	sst s10  }
0x38: {  	s10 =	sld [smem:$0x3FB5]  }
0x39: {  	_ = 	snop;
	(pc) =	sbr.ind lr, $3  }
0x3a: {  	_ = 	snop  }
0x3b: {  	_ = 	snop  }
0x3c: {  	p2 =	seq.s32 s10, $0x1;
	s10 =	sld [smem:$0x3FB4]  }
0x3d: {  	_ =	shalt  }
0x3e: {  	_ =	shalt  }
0x3f: {  	_ =	shalt  }
0x40: {  	_ =	shalt  }
0x41: {  	_ =	shalt  }
0x42: {  	_ =	shalt  }
0x43: {  	_ =	shalt  }
0x44: {  	_ =	shalt  }
0x45: {  	_ =	shalt  }
0x46: {  	_ =	shalt  }
0x47: {  	_ =	shalt  }
0x48: {  	_ =	shalt  }
0x49: {  	_ =	shalt  }
0x4a: {  	_ =	shalt  }
0x4b: {  	_ =	shalt  }
0x4c: {  	_ =	shalt  }
0x4d: {  	_ =	shalt  }
0x4e: {  	_ =	shalt  }
0x4f: {  	_ =	shalt  }
0x50: {  	_ =	shalt  }
0x51: {  	_ =	shalt  }
0x52: {  	_ =	shalt  }
0x53: {  	_ =	shalt  }
0x54: {  	_ =	shalt  }
0x55: {  	_ =	shalt  }
0x56: {  	_ =	shalt  }
0x57: {  	_ =	shalt  }
0x58: {  	_ =	shalt  }
0x59: {  	_ =	shalt  }
0x5a: {  	_ =	shalt  }
0x5b: {  	_ =	shalt  }
0x5c: {  	_ =	shalt  }
0x5d: {  	_ =	shalt  }
0x5e: {  	_ =	shalt  }
0x5f: {  	_ =	shalt  }
0x60: {  	_ =	shalt  }
0x61: {  	_ =	shalt  }
0x62: {  	_ =	shalt  }
0x63: {  	_ =	shalt  }
0x64: {  	_ =	shalt  }
0x65: {  	_ =	shalt  }
0x66: {  	_ =	shalt  }
0x67: {  	_ =	shalt  }
0x68: {  	_ =	shalt  }
0x69: {  	_ =	shalt  }
0x6a: {  	_ =	shalt  }
0x6b: {  	_ =	shalt  }
0x6c: {  	_ =	shalt  }
0x6d: {  	_ =	shalt  }
0x6e: {  	_ =	shalt  }
0x6f: {  	_ =	shalt  }
0x70: {  	_ =	shalt  }
0x71: {  	_ =	shalt  }
0x72: {  	_ =	shalt  }
0x73: {  	_ =	shalt  }
0x74: {  	_ =	shalt  }
0x75: {  	_ =	shalt  }
0x76: {  	_ =	shalt  }
0x77: {  	_ =	shalt  }
0x78: {  	_ =	shalt  }
0x79: {  	_ =	shalt  }
0x7a: {  	_ =	shalt  }
0x7b: {  	_ =	shalt  }
0x7c: {  	_ =	shalt  }
0x7d: {  	_ =	shalt  }
0x7e: {  	_ =	shalt  }
0x7f: {  	_ =	shalt  }
0x80: {  	_ =	shalt  }
0x81: {  	_ =	shalt  }
0x82: {  	_ =	shalt  }
0x83: {  	_ =	shalt  }
0x84: {  	_ =	shalt  }
0x85: {  	_ =	shalt  }
0x86: {  	_ =	shalt  }
0x87: {  	_ =	shalt  }
.Lfunc_end0:
.L_simem_size_0:
called_computation_lowered:
.L_overlay_start_0:
0x88: {  	s2 =	sld [smem:$0x3FD9]  }
0x89: {  	s3 =	sld [smem:$0x3FFE];
	_ =	sdelay $0x1  }
0x8a: {  	s1 =	srdreg.scid  }
0x8b: {  	s0 =	sand.u32 $0x1, s1  }
0x8c: {  	s17 =	sshll.u32 s0, $0xA;
	s2 =	sadd.s32 s3, s2  }
0x8d: {  	s2 =	sadd.s32 s2, s17  }
0x8e: {  	[smem:$0x3FC0] =	sst s2  }
0x8f: {  	_ = 	snop  }
0x90: {  	s2 =	sld [smem:$0x3FC9];
	(tm) =	ssettm $0x1  }
0x91: {  	s18 =	sld [smem:$0x3FFB];
	_ =	sdelay $0x3  }
0x92: {  	_ =	strace s18  }
0x93: {  	s3 =	sld [smem:$0x3FFC];
	_ =	sdelay $0x3  }
0x94: {  	_ =	strace s3  }
0x95: {  	s3 =	sld [smem:$0x3FFD];
	_ =	sdelay $0x3  }
0x96: {  	_ =	strace s3  }
0x97: {  	_ =	strace $0x8FFFFFFF  }
0x98: {  	s19 =	sld [smem:$0x3FDB];
	_ =	sdelay $0x1  }
0x99: {  	s4 =	simm.s32 $_scs_section_size  }
0x9a: {  	s5 =	simm.s32 $_size__tile_overlayer_lowered;
	s6 =	simm.s32 $_tile_overlayer_lowered  }
0x9b: {  	s22 =	simm.s32 $0x1BFF;
	s21 =	sshll.u32 s6, $0x1;
	s3 =	sadd.s32 s4, s19  }
0x9c: {  	s7 =	simm.s32 $0x0;
	s20 =	sshll.u32 s5, $0x1;
	s5 =	sadd.s32 s21, s3  }
0x9d: {  	[timem:s7], [sflag:s22] =	dma.local [hbm:s5], s20  }
0x9e: {  	_ =	swait.ge [sflag:s22], s20  }
0x9f: {  	s4 =	ssub.s32 $0x0, s20;
	[sflag:s22] =	ssyncset.done $0x0  }
0xa0: {  	[sflag:s22] =	ssyncadd.s32 s4;
	_ =	sdelay $0x1  }
0xa1: {  	s23 =	simm.s32 $0x1B8B  }
0xa2: {  	_ =	swait.ge [sflag:s23], $0x1  }
0xa3: {  	[sflag:s23] =	ssyncset.done $0x0  }
0xa4: {  	s25 =	simm.s32 $0x1B8E;
	s24 =	sld [smem:$0x3FFE];
	[sflag:s23] =	ssyncadd.s32 $0xFFFFFFFF  }
0xa5: {  	s26 =	simm.s32 $execute0_lowered;
	[smem:$0x3FD2] =	sst s25  }
0xa6: {  	s5 =	sshll.u32 s26, $0x1;
	_ =	strace $0x80000046;
	[dreg:$0x1] =	wrdreg $0xFFFFFFFF  }
0xa7: {  	s28 =	simm.s32 $_size_execute0_lowered;
	s3 =	sadd.s32 s3, s5;
	[dreg:$0x0] =	wrdreg $0x0  }
0xa8: {  	s5 =	sshll.u32 s28, $0x1;
	[dreg:$0x2] =	wrdreg s3  }
0xa9: {  	[dreg:$0x3] =	wrdreg s5  }
0xaa: {  	[dreg:$0x4] =	wrdreg $0xC0  }
0xab: {  	_ =	task [dreg:s7], $0x5FFFF  }
0xac: {  	[dreg:$0x1] =	wrdreg $0xFFFFFFFF  }
0xad: {  	[dreg:$0x0] =	wrdreg $0x60  }
0xae: {  	[dreg:$0x2] =	wrdreg s2  }
0xaf: {  	[dreg:$0x3] =	wrdreg s24  }
0xb0: {  	[dreg:$0x4] =	wrdreg $0x0  }
0xb1: {  	[dreg:$0x5] =	wrdreg $0x9  }
0xb2: {  	_ =	task.clear_ibuf [dreg:s7], $0x6FFFF;
	_ =	strace $0x90000046  }
0xb3: {  	s29 =	simm.s32 $0x9;
	_ =	strace $0x80000048  }
0xb4: {  	_ =	swait.ge [sflag:s29], $0x1  }
0xb5: {  	[sflag:s29] =	ssyncadd.s32 $0xFFFFFFFF  }
0xb6: {  	_ =	strace $0x90000048  }
0xb7: {  	_ =	sfence  }
0xb8: {  	s30 =	sld [smem:$0x0];
	_ =	sdelay $0x2  }
0xb9: {  	s31 =	sshll.u32 s1, $0xD;
	s1 =	sshrl.u32 s1, $0x2  }
0xba: {  	s3 =	sand.u32 $0x4000, s31;
	s1 =	sadd.s32 s1, s30  }
0xbb: {  	s0 =	sor.u32 s3, s0;
	s1 =	sshll.u32 s1, $0x11  }
0xbc: {  	s0 =	sor.u32 s1, s0  }
0xbd: {  	s0 =	sadd.s32 $0x8F2B, s0  }
0xbe: {  	[sflag:s0] =	ssyncadd.remote.s32 $0x1  }
0xbf: {  	_ =	sfence.sel $0xFFFF  }
0xc0: {  	[dreg:$0x0] =	wrdreg $0xFFFFFFFF;
	(pc) =	sbr.abs _section_cstart, $3  }
0xc1: {  	[dreg:$0x1] =	wrdreg $0xFFFFFFFF  }
0xc2: {  	_ =	task.clear_ibuf [dreg:s7], $0x2FFFF;
	_ =	strace $0x9FFFFFFF  }
0xc3: {  	(tm) =	ssettm $0x7FFFFFFF  }
tec
execute0_lowered:
.L_overlay_start_1:
0x0: {  	(tag) =	ssettag $0x1  }
0x1: {  	s1 =	rddreg [dreg:$0x0]  }
0x2: {  	s0 =	rddreg [dreg:$0x1]  }
0x3: {  	s2 =	rddreg [dreg:$0x2]  }
0x4: {  	s3 =	simm.s32 $0x0;
	s5 =	srdreg.scid;
	s4 =	stileid.u32  }
0x5: {  	s18 =	simm.s32 $0x13880;
	s19 =	simm.s32 $0x3;
	s20 =	simm.s32 $0x80  }
0x6: {  	s21 =	simm.s32 $0x16080;
	s22 =	simm.s32 $0x1A080;
	s23 =	simm.s32 $0x1  }
0x7: {  	s24 =	simm.s32 $0x2;
	[smem:$0x7FF] =	sst s3;
	s25 =	sand.u32 $0x1, s5  }
0x8: {  	s8 =	smul.u32 $0x2700, s4;
	s5 =	simm.s32 $0x14;
	p1 =	seq.s32 s4, $0xF  }
0x9: {  	s10 =	smul.u32 $0x50, s4;
	s6 =	sadd.s32 $0x3C00, s0;
	s7 =	sadd.s32 $0x17C00, s0  }
0xa: {  	s14 =	smul.u32 $0x4E000, s4;
	p2 =	sne.s32 s4, $0x0;
	p0 =	seq.s32 s25, $0x1  }
0xb: {  	s9 =	smul.u32 $0x500, s25;
	_ =	strace $0x80000047;
	s11 =	ssub.s32 $0x2, s25  }
0xc: {  	s17 =	sshrl.u32 @!p2 s2, $0x3;
	p3 =	sne.s32 s25, $0x0;
	s5 =	simm.s32 @!p0 $0x50  }
0xd: {  	s13 =	sshrl.u32 s11, $0x1;
	s15 =	sadd.s32 s8, s0;
	s30 =	sshrl.u32 s14, $0x2  }
.Ltmp0:
0xe: {  	s14 =	sadd.s32 $0x63700, s0;
	s5 =	simm.s32 @!p1 $0x50;
	(pc) =	sbr.rel .LBB2_1-.Ltmp0, $4  }
0xf: {  	s16 =	ssub.s32 s11, s13;
	s8 =	sadd.s32 s10, s9;
	s12 =	smul.u32 $0x67, s5  }
0x10: {  	s10 =	sadd.s32 s30, s2;
	s31 =	sadd.s32 $0x3EE00, s15;
	s13 =	sadd.s32 $0x124800, s2  }
0x11: {  	[dreg:$0x4] =	wrdreg s31;
	s16 =	smax.u32 s16, $0x1;
	s29 =	sadd.s32 $0xE7C, s12  }
0x12: {  	s12 =	sadd.s32 $0x66000, s15;
	s15 =	sadd.s32 $0x8A900, s0;
	s9 =	sshrl.u32 s29, $0xC  }
.LBB2_15:
0x13: {  	s0 =	sshll.u32 s4, $0x6  }
0x14: {  	s11 =	sshrl.u32 s10, $0x3;
	s0 =	sor.u32 $0x1C03, s0  }
0x15: {  	[hbm:s12], [sflag:s0] =	dma.local [spmem:s11], $0x2700  }
0x16: {  	_ =	swait.ge [sflag:s19], $0x2700  }
0x17: {  	[sflag:s19] =	ssyncset.done $0x0  }
0x18: {  	[sflag:s19] =	ssyncadd.s32 $0xFFFFD900  }
.LBB2_16:
0x19: {  	s3 =	sadd.s32 $0x1, s3  }
0x1a: {  	p4 =	sne.s32 s3, s16  }
.Ltmp1:
0x1b: {  	_ = 	snop;
	(pc) =	sbr.rel @!p4 .LBB2_17-.Ltmp1, $1  }
0x1c: {  	_ =	sdelay $0x3  }
.LBB2_1:
0x1d: {  	s0 =	simm.s32 @!p2 $0x1C03  }
0x1e: {  	[spmem:s17], [sflag:s0] =	dma.local @!p2 [hbm:s7], $0x27100  }
0x1f: {  	s0 =	simm.s32 @!p2 $0x3  }
.Ltmp2:
0x20: {  	_ =	swait.ge @!p2 [sflag:s0], $0x27100;
	(pc) =	sbr.rel .LBB2_2-.Ltmp2, $4  }
0x21: {  	[sflag:s0] =	ssyncset.done @!p2 $0x0  }
0x22: {  	[sflag:s0] =	ssyncadd.s32 @!p2 $0xFFFD8F00  }
0x23: {  	[bflag:$0x0] =	sbarrier.arrive $0xFFFF  }
0x24: {  	s26 =	simm.s32 $0x0  }
.LBB2_6:
0x25: {  	s0 =	sadd.s32 $0xFFFFFF80, s30;
	[sflag:s19] =	ssyncadd.s32 @p4 $0xFFFFC000  }
0x26: {  	[tilespmem:s22], [sflag:$0x2] =	stream.indirect.gather [hbm4b:s1+s20], $0x80, s0, s20, $0xb8;
	[tilespmem:$0x1E080] =	vst v63  }
0x27: {  	_ =	swait.ge [sflag:s23], $0x4000  }
0x28: {  	[sflag:s23] =	ssyncset.done $0x0  }
0x29: {  	[sflag:s23] =	ssyncadd.s32 $0xFFFFC000  }
0x2a: {  	[spmem:s2] =	stream.indirect.scatter.add.f32 [tilespmem:s21], [sflag:$0x3], $0x80, s29, s20, $0xb8;
	[tilespmem:$0x1E080] =	vst v63  }
0x2b: {  	_ =	swait.ge [sflag:s19], $0x4000  }
0x2c: {  	p4 =	sge.s32 s31, s28;
	[sflag:s19] =	ssyncset.done $0x0  }
0x2d: {  	s0 =	simm.s32 @!p4 $0x80;
	s11 =	simm.s32 @!p4 $0x16080;
	[sflag:s19] =	ssyncadd.s32 $0xFFFFC000  }
0x2e: {  	[tilespmem:s11], [sflag:$0x1] =	stream.indirect.gather @!p4 [hbm4b:s1+s0], $0x80, s30, s0, $0xb8;
	[tilespmem:$0x1E080] =	vst v63  }
0x2f: {  	_ =	swait.ge [sflag:s24], $0x4000  }
0x30: {  	[sflag:s24] =	ssyncset.done $0x0  }
0x31: {  	s31 =	sadd.s32 $0x80, s29;
	[sflag:s24] =	ssyncadd.s32 $0xFFFFC000  }
0x32: {  	[spmem:s2] =	stream.indirect.scatter.add.f32 [tilespmem:s22], [sflag:$0x3], $0x80, s31, s20, $0xb8;
	[tilespmem:$0x1E080] =	vst v63  }
0x33: {  	_ =	swait.ge [sflag:s19], $0x4000  }
0x34: {  	[sflag:s19] =	ssyncset.done $0x0  }
0x35: {  	[sflag:s19] =	ssyncadd.s32 $0xFFFFC000  }
.LBB2_7:
0x36: {  	s26 =	sadd.s32 $0x1, s26  }
0x37: {  	p4 =	sne.s32 s26, s9  }
.Ltmp3:
0x38: {  	_ = 	snop;
	(pc) =	sbr.rel @!p4 .LBB2_8-.Ltmp3, $1  }
0x39: {  	_ =	sdelay $0x3  }
.LBB2_2:
0x3a: {  	s0 =	smul.u32 $0x28, s26;
	_ =	sdelay $0x1  }
0x3b: {  	s28 =	sadd.s32 s0, s8  }
0x3c: {  	s28 =	sshll.u32 s28, $0x4  }
0x3d: {  	s30 =	simm.s32 $0x0;
	s0 =	ssub.s32 s5, s0;
	s29 =	sadd.s32 s6, s28  }
0x3e: {  	[tilespmem:s18], [sflag:$0x3] =	stream.linear.gather [hbm4b:s29+s30], $0x1400, $0x38;
	[tilespmem:$0x1E080] =	vst v63  }
0x3f: {  	p4 =	slt.s32 s0, $0x28;
	s28 =	sand.u32 $0x1FFFFFF0, s28;
	_ =	swait.ge [sflag:s19], $0x1400  }
0x40: {  	s0 =	simm.s32 @!p4 $0x28;
	s28 =	sadd.s32 s6, s28;
	[sflag:s19] =	ssyncset.done $0x0  }
0x41: {  	s29 =	simm.s32 $0x14C80;
	s28 =	sadd.s32 $0xA000, s28;
	[sflag:s19] =	ssyncadd.s32 $0xFFFFEC00  }
0x42: {  	[tilespmem:s29], [sflag:$0x3] =	stream.linear.gather [hbm4b:s28+s30], $0x1400, $0x38;
	[tilespmem:$0x1E080] =	vst v63  }
0x43: {  	s28 =	sshra.s32 s0, $0x1  }
0x44: {  	p4 =	slt.s32 s28, $0x1  }
.Ltmp4:
0x45: {  	_ = 	snop;
	(pc) =	sbr.rel @p4 .LBB2_7-.Ltmp4, $4  }
0x46: {  	_ =	swait.ge [sflag:s19], $0x1400  }
0x47: {  	[sflag:s19] =	ssyncset.done $0x0  }
0x48: {  	s30 =	simm.s32 $0x13980;
	[sflag:s19] =	ssyncadd.s32 $0xFFFFEC00  }
0x49: {  	[tilespmem:s21], [sflag:$0x1] =	stream.indirect.gather [hbm4b:s1+s20], $0x80, s18, s20, $0xb8;
	[tilespmem:$0x1E080] =	vst v63  }
0x4a: {  	p5 =	sne.s32 s28, $0x1  }
.Ltmp5:
0x4b: {  	_ = 	snop;
	(pc) =	sbr.rel @!p5 .LBB2_6-.Ltmp5, $2  }
0x4c: {  	_ =	sdelay $0x2  }
0x4d: {  	s31 =	simm.s32 $0x1;
	p4 =	por $0x0, $0x0  }
0x4e: {  	s0 =	simm.s32 $0x13900  }
0x4f: {  	[tilespmem:s22], [sflag:$0x2] =	stream.indirect.gather [hbm4b:s1+s20], $0x80, s0, s20, $0xb8;
	[tilespmem:$0x1E080] =	vst v63  }
0x50: {  	_ =	swait.ge [sflag:s23], $0x4000  }
0x51: {  	[sflag:s23] =	ssyncset.done $0x0  }
0x52: {  	[sflag:s23] =	ssyncadd.s32 $0xFFFFC000  }
0x53: {  	[spmem:s2] =	stream.indirect.scatter.add.f32 [tilespmem:s21], [sflag:$0x3], $0x80, s29, s20, $0xb8;
	[tilespmem:$0x1E080] =	vst v63  }
0x54: {  	_ =	swait.ge [sflag:s19], $0x4000  }
0x55: {  	p4 =	sle.s32 s28, $0x1;
	[sflag:s19] =	ssyncset.done $0x0  }
0x56: {  	s0 =	simm.s32 @!p4 $0x80;
	s29 =	simm.s32 @!p4 $0x16080;
	[sflag:s19] =	ssyncadd.s32 $0xFFFFC000  }
0x57: {  	[tilespmem:s29], [sflag:$0x1] =	stream.indirect.gather @!p4 [hbm4b:s1+s0], $0x80, s30, s0, $0xb8;
	[tilespmem:$0x1E080] =	vst v63  }
0x58: {  	p5 =	sne.s32 s28, $0x2;
	_ =	swait.ge [sflag:s24], $0x4000  }
.Ltmp6:
0x59: {  	[sflag:s24] =	ssyncset.done $0x0;
	(pc) =	sbr.rel @!p5 .LBB2_6-.Ltmp6, $4  }
0x5a: {  	s25 =	simm.s32 $0x14D00;
	s31 =	simm.s32 $0x2;
	[sflag:s24] =	ssyncadd.s32 $0xFFFFC000  }
0x5b: {  	[spmem:s2] =	stream.indirect.scatter.add.f32 [tilespmem:s22], [sflag:$0x3], $0x80, s25, s20, $0xb8;
	[tilespmem:$0x1E080] =	vst v63  }
0x5c: {  	s30 =	simm.s32 $0x13A80;
	s29 =	simm.s32 $0x14D80;
	_ =	swait.ge [sflag:s19], $0x4000  }
0x5d: {  	p4 =	por $0x1, $0x1;
	s0 =	simm.s32 $0x2;
	[sflag:s19] =	ssyncset.done $0x0  }
.LBB2_5:
0x5e: {  	s0 =	sadd.s32 $0x1, s0;
	s25 =	sadd.s32 $0xFFFFFF80, s30;
	[sflag:s19] =	ssyncadd.s32 $0xFFFFC000  }
0x5f: {  	[tilespmem:s22], [sflag:$0x2] =	stream.indirect.gather [hbm4b:s1+s20], $0x80, s25, s20, $0xb8;
	[tilespmem:$0x1E080] =	vst v63  }
0x60: {  	p5 =	sne.s32 s28, s0;
	_ =	swait.ge [sflag:s23], $0x4000  }
0x61: {  	[sflag:s23] =	ssyncset.done $0x0  }
0x62: {  	[sflag:s23] =	ssyncadd.s32 $0xFFFFC000  }
0x63: {  	[spmem:s2] =	stream.indirect.scatter.add.f32 [tilespmem:s21], [sflag:$0x3], $0x80, s29, s20, $0xb8;
	[tilespmem:$0x1E080] =	vst v63  }
0x64: {  	_ =	swait.ge [sflag:s19], $0x4000  }
0x65: {  	p6 =	sge.s32 s31, s28;
	s31 =	smov.u32 s0;
	[sflag:s19] =	ssyncset.done $0x0  }
0x66: {  	s25 =	simm.s32 @!p6 $0x80;
	s11 =	simm.s32 @!p6 $0x16080;
	[sflag:s19] =	ssyncadd.s32 $0xFFFFC000  }
0x67: {  	[tilespmem:s11], [sflag:$0x1] =	stream.indirect.gather @!p6 [hbm4b:s1+s25], $0x80, s30, s25, $0xb8;
	[tilespmem:$0x1E080] =	vst v63  }
0x68: {  	_ =	swait.ge [sflag:s24], $0x4000  }
.Ltmp7:
0x69: {  	[sflag:s24] =	ssyncset.done $0x0;
	(pc) =	sbr.rel @p5 .LBB2_5-.Ltmp7, $4  }
0x6a: {  	s11 =	sadd.s32 $0x80, s29;
	[sflag:s24] =	ssyncadd.s32 $0xFFFFC000  }
0x6b: {  	[spmem:s2] =	stream.indirect.scatter.add.f32 [tilespmem:s22], [sflag:$0x3], $0x80, s11, s20, $0xb8;
	[tilespmem:$0x1E080] =	vst v63  }
0x6c: {  	_ =	swait.ge [sflag:s19], $0x4000  }
0x6d: {  	s30 =	sadd.s32 $0x100, s30;
	s29 =	sadd.s32 $0x100, s29;
	[sflag:s19] =	ssyncset.done $0x0  }
.Ltmp8:
0x6e: {  	_ = 	snop;
	(pc) =	sbr.rel .LBB2_6-.Ltmp8, $1  }
0x6f: {  	_ =	sdelay $0x3  }
.LBB2_8:
.Ltmp9:
0x70: {  	(pc) =	sbr.rel @p3 .LBB2_13-.Ltmp9, $2  }
0x71: {  	_ =	sdelay $0x1  }
0x72: {  	[bflag:$0x0] =	sbarrier.arrive $0xFFFF;
	_ =	sdelay $0x1  }
.Ltmp10:
0x73: {  	(pc) =	sbr.rel @!p1 .LBB2_12-.Ltmp10, $1  }
0x74: {  	_ =	sdelay $0x3  }
0x75: {  	s0 =	sshrl.u32 s13, $0x3;
	s11 =	simm.s32 $0x1FC3  }
0x76: {  	[hbm:s14], [sflag:s11] =	dma.local [spmem:s0], $0x2800  }
.Ltmp11:
0x77: {  	_ = 	snop;
	(pc) =	sbr.rel @!p0 .LBB2_16-.Ltmp11, $4  }
.Ltmp12:
0x78: {  	_ = 	snop;
	(pc) =	sbr.rel @p0 .LBB2_11-.Ltmp12, $4  }
0x79: {  	_ =	swait.ge [sflag:s19], $0x2800  }
0x7a: {  	[sflag:s19] =	ssyncset.done $0x0  }
0x7b: {  	[sflag:s19] =	ssyncadd.s32 $0xFFFFD800  }
0x7c: {  	_ = 	snop  }
.LBB2_13:
.Ltmp13:
0x7d: {  	(pc) =	sbr.rel @!p0 .LBB2_16-.Ltmp13, $1  }
0x7e: {  	_ =	sdelay $0x3  }
.Ltmp14:
0x7f: {  	(pc) =	sbr.rel @!p1 .LBB2_15-.Ltmp14, $1  }
0x80: {  	_ =	sdelay $0x3  }
.LBB2_11:
0x81: {  	s0 =	sshll.u32 s4, $0x6  }
.Ltmp15:
0x82: {  	s11 =	sshrl.u32 s13, $0x3;
	s0 =	sor.u32 $0x1C03, s0;
	(pc) =	sbr.rel .LBB2_16-.Ltmp15, $4  }
0x83: {  	[hbm:s15], [sflag:s0] =	dma.local [spmem:s11], $0x2800  }
0x84: {  	_ =	swait.ge [sflag:s19], $0x2800  }
0x85: {  	[sflag:s19] =	ssyncset.done $0x0  }
0x86: {  	[sflag:s19] =	ssyncadd.s32 $0xFFFFD800  }
.LBB2_12:
0x87: {  	s0 =	sshll.u32 s4, $0x6  }
0x88: {  	s11 =	sshrl.u32 s10, $0x3;
	s25 =	rddreg [dreg:$0x4];
	s0 =	sor.u32 $0x1C03, s0  }
0x89: {  	[hbm:s25], [sflag:s0] =	dma.local [spmem:s11], $0x2700  }
.Ltmp16:
0x8a: {  	_ = 	snop;
	(pc) =	sbr.rel @p0 .LBB2_15-.Ltmp16, $4  }
.Ltmp17:
0x8b: {  	_ = 	snop;
	(pc) =	sbr.rel @!p0 .LBB2_16-.Ltmp17, $4  }
0x8c: {  	_ =	swait.ge [sflag:s19], $0x2700  }
0x8d: {  	[sflag:s19] =	ssyncset.done $0x0  }
0x8e: {  	[sflag:s19] =	ssyncadd.s32 $0xFFFFD900  }
0x8f: {  	_ = 	snop  }
.LBB2_17:
0x90: {  	_ =	sfence.sel $0x180000  }
0x91: {  	[bflag:$0x0] =	sbarrier.arrive $0xFFFF  }
0x92: {  	_ =	strace $0x90000047  }
0x93: {  	[bflag:$0x2] =	sbarrier.arrive $0xFFFF  }
0x94: {  	s0 =	rddreg [dreg:$0x3]  }
0x95: {  	s0 =	sadd.s32 @!p2 $0x100000, s0  }
0x96: {  	[sflag:s0] =	ssyncadd.tile.s32 @!p2 $0x1;
	_ =	shalt  }
.Lfunc_end2:
_tile_overlayer_lowered:
.L_overlay_start_2:
0x97: {  	(tag) =	ssettag $0x2  }
0x98: {  	s0 =	rddreg [dreg:$0x0];
	s2 =	stileid.u32  }
0x99: {  	s1 =	rddreg [dreg:$0x1];
	p0 =	sne.s32 s2, $0x0  }
0x9a: {  	s3 =	rddreg [dreg:$0x2];
	[bflag:$0x3] =	sbarrier.arrive $0xFFFF;
	s2 =	simm.s32 @!p0 $0x1C03  }
0x9b: {  	[timem:s3], [sflag:s2] =	dma.local @!p0 [hbm:s0], s1  }
0x9c: {  	s0 =	simm.s32 @!p0 $0x3  }
0x9d: {  	_ =	swait.ge @!p0 [sflag:s0], s1  }
0x9e: {  	s1 =	ssub.s32 @!p0 $0x0, s1;
	[sflag:s0] =	ssyncset.done @!p0 $0x0  }
0x9f: {  	[sflag:s0] =	ssyncadd.s32 @!p0 s1  }
0xa0: {  	[bflag:$0x3] =	sbarrier.arrive $0xFFFF  }
0xa1: {  	_ =	shalt  }

</sc_bundles>
